<compile_context>
chip_gen: v7x
topology: tpu7x:2x2x1
jax: 0.10.2.dev20260603
libtpu: 0.0.44.dev20260713+nightly
codegen_flags: <defaults>
</compile_context>

<pallas_src>
import functools

import jax
import jax.numpy as jnp
from jax import lax
from jax.experimental import pallas as pl
from jax.experimental.pallas import tpu as pltpu
from jax.experimental.pallas import tpu_sc as plsc

N_TOK = 2048
D = 768
NF = 16384
K = 32

BT = 256
BF = 1024
NFB = NF // BF
CHUNK = 128
NCHUNK = NF // CHUNK

NW = 32
TPW = N_TOK // NW
NEG_INF = float("-inf")


def _mm_body(x_ref, w_ref, raw_ref, t0_ref, m_scr):
    j = pl.program_id(1)
    r = lax.dot_general(
        x_ref[...], w_ref[...], (((1,), (1,)), ((), ())),
        preferred_element_type=jnp.float32)
    raw_ref[...] = r
    cm = jnp.max(r.reshape(BT, BF // CHUNK, CHUNK), axis=2)
    m_scr[j] = cm

    @pl.when(j == NFB - 1)
    def _():
        m0 = jnp.concatenate([m_scr[jj] for jj in range(NFB)], axis=-1)

        def it(_, carry):
            m, _ = carry
            g = jnp.max(m, axis=1, keepdims=True)
            return jnp.where(m >= g, NEG_INF, m), g
        _, g = lax.fori_loop(
            0, K, it, (m0, jnp.zeros((BT, 1), jnp.float32)))
        t0_ref[...] = jnp.broadcast_to(g, (BT, 16))


def _matmul_threshold(x, w):
    return pl.pallas_call(
        _mm_body,
        grid=(N_TOK // BT, NFB),
        in_specs=[
            pl.BlockSpec((BT, D), lambda i, j: (i, 0)),
            pl.BlockSpec((BF, D), lambda i, j: (j, 0)),
        ],
        out_specs=[
            pl.BlockSpec((BT, BF), lambda i, j: (i, j)),
            pl.BlockSpec((BT, 16), lambda i, j: (i, 0)),
        ],
        out_shape=[
            jax.ShapeDtypeStruct((N_TOK, NF), jnp.float32),
            jax.ShapeDtypeStruct((N_TOK, 16), jnp.float32),
        ],
        scratch_shapes=[pltpu.VMEM((NFB, BT, BF // CHUNK), jnp.float32)],
        compiler_params=pltpu.CompilerParams(
            dimension_semantics=("parallel", "arbitrary")),
    )(x, w)


def _merge16_desc(ak, av, bk, bv):
    rk = lax.rev(bk, (0,))
    rv = lax.rev(bv, (0,))
    c = ak >= rk
    hk = jnp.where(c, ak, rk)
    hv = jnp.where(c, av, rv)
    lk = jnp.where(c, rk, ak)
    lv = jnp.where(c, rv, av)
    hk, hv = plsc.sort_key_val(hk, hv, descending=True)
    lk, lv = plsc.sort_key_val(lk, lv, descending=True)
    return hk, hv, lk, lv


def _topk_body(raw, t0rep, wv_out, wi_out,
               t0v, rb0, rb1, svi, wvb, wib, sem0, sem1):
    wid = lax.axis_index("s") * 2 + lax.axis_index("c")
    base = wid * TPW
    pltpu.sync_copy(t0rep.at[pl.ds(base, TPW), :], t0v)

    lane = lax.iota(jnp.int32, 16)
    zeros_i = jnp.zeros((16,), jnp.int32)
    neginf_v = jnp.full((16,), NEG_INF, jnp.float32)

    rbufs = (rb0, rb1)
    sems = (sem0, sem1)
    rb0[pl.ds(NF, 16)] = neginf_v
    rb1[pl.ds(NF, 16)] = neginf_v

    def start_row(tok, b):
        pltpu.async_copy(raw.at[base + tok], rbufs[b].at[pl.ds(0, NF)],
                         sems[b])

    def wait_row(tok, b):
        pltpu.make_async_copy(raw.at[base + tok], rbufs[b].at[pl.ds(0, NF)],
                              sems[b]).wait()

    def process(tok, b):
        wait_row(tok, b)

        @pl.when(tok + 1 < TPW)
        def _():
            start_row(tok + 1, (b + 1) % 2)

        rb = rbufs[b]
        thr = t0v[tok]

        def filt(c, off_s):
            v = rb[pl.ds(c * 16, 16)]
            m = v >= thr
            idxv = lane + c * 16
            plsc.store_compressed(svi.at[pl.ds(off_s, 16)], idxv, mask=m)
            pc = plsc.all_reduce_population_count(m)
            return off_s + pc[0]

        s = lax.fori_loop(0, NF // 16, filt, jnp.int32(0))
        svi[pl.ds(s, 16)] = lane + NF
        nv = s // 16 + 1

        def sel(j, carry):
            t0k, t0val, t1k, t1val = carry
            cv = svi[pl.ds(j * 16, 16)]
            ck = plsc.load_gather(rb, [cv])
            ck, cv = plsc.sort_key_val(ck, cv, descending=True)
            t0k, t0val, lk, lv = _merge16_desc(t0k, t0val, ck, cv)
            t1k, t1val, _, _ = _merge16_desc(t1k, t1val, lk, lv)
            return t0k, t0val, t1k, t1val

        t0k, t0val, t1k, t1val = lax.fori_loop(
            0, nv, sel, (neginf_v, zeros_i, neginf_v, zeros_i))

        wvb[pl.ds(tok * K, 16)] = t0k
        wvb[pl.ds(tok * K + 16, 16)] = t1k
        wib[pl.ds(tok * K, 16)] = t0val
        wib[pl.ds(tok * K + 16, 16)] = t1val

    start_row(0, 0)

    def pair(i, carry):
        process(2 * i, 0)
        process(2 * i + 1, 1)
        return carry

    lax.fori_loop(0, TPW // 2, pair, 0)

    pltpu.sync_copy(wvb, wv_out.at[pl.ds(base * K, TPW * K)])
    pltpu.sync_copy(wib, wi_out.at[pl.ds(base * K, TPW * K)])


def _topk(raw, t0rep):
    mesh = plsc.VectorSubcoreMesh(core_axis_name="c", subcore_axis_name="s")
    fn = pl.kernel(
        _topk_body,
        out_type=[
            jax.ShapeDtypeStruct((N_TOK * K,), jnp.float32),
            jax.ShapeDtypeStruct((N_TOK * K,), jnp.int32),
        ],
        mesh=mesh,
        compiler_params=pltpu.CompilerParams(needs_layout_passes=False),
        scratch_types=[
            pltpu.VMEM((TPW, 16), jnp.float32),
            pltpu.VMEM((NF + 16,), jnp.float32),
            pltpu.VMEM((NF + 16,), jnp.float32),
            pltpu.VMEM((NF + 32,), jnp.int32),
            pltpu.VMEM((TPW * K,), jnp.float32),
            pltpu.VMEM((TPW * K,), jnp.int32),
            pltpu.SemaphoreType.DMA,
            pltpu.SemaphoreType.DMA,
        ],
    )
    wv, wi = fn(raw, t0rep)
    return wv.reshape(N_TOK, K), wi.reshape(N_TOK, K)


def _recon_body(w_hbm, x_hbm, wv, wi, acts_out, recon_out, lossp_out,
                wvb, wib, ar0, ar1, g0, g1, x0, x1, r0, r1, lb,
                semg0, semg1, semx0, semx1, sema0, sema1, semr0, semr1):
    wid = lax.axis_index("s") * 2 + lax.axis_index("c")
    base = wid * TPW
    pltpu.sync_copy(wv.at[pl.ds(base, TPW), :], wvb)
    pltpu.sync_copy(wi.at[pl.ds(base, TPW), :], wib)

    arows = (ar0, ar1)
    gbufs = (g0, g1)
    xbufs = (x0, x1)
    rbufs = (r0, r1)
    semg = (semg0, semg1)
    semx = (semx0, semx1)
    sema = (sema0, sema1)
    semr = (semr0, semr1)

    zv = jnp.zeros((16,), jnp.float32)

    def zloop(i, carry):
        ar0[pl.ds(i * 16, 16)] = zv
        ar1[pl.ds(i * 16, 16)] = zv
        return carry
    lax.fori_loop(0, NF // 16, zloop, 0)

    def idx_chunks(tok):
        return (wib[tok, pl.ds(0, 16)], wib[tok, pl.ds(16, 16)])

    def start_inputs(tok, b):
        i0, i1 = idx_chunks(tok)
        pltpu.async_copy(w_hbm.at[i0], gbufs[b].at[pl.ds(0, 16), :], semg[b])
        pltpu.async_copy(w_hbm.at[i1], gbufs[b].at[pl.ds(16, 16), :], semg[b])
        pltpu.async_copy(x_hbm.at[base + tok], xbufs[b], semx[b])

    def wait_inputs(tok, b):
        i0, i1 = idx_chunks(tok)
        pltpu.make_async_copy(
            w_hbm.at[i0], gbufs[b].at[pl.ds(0, 16), :], semg[b]).wait()
        pltpu.make_async_copy(
            w_hbm.at[i1], gbufs[b].at[pl.ds(16, 16), :], semg[b]).wait()
        pltpu.make_async_copy(x_hbm.at[base + tok], xbufs[b], semx[b]).wait()

    def process(tok, b, lacc):
        ar, gb, xb, rb = arows[b], gbufs[b], xbufs[b], rbufs[b]
        wait_inputs(tok, b)

        @pl.when(tok + 1 < TPW)
        def _():
            start_inputs(tok + 1, (b + 1) % 2)

        @pl.when(tok >= 2)
        def _():
            pltpu.make_async_copy(
                ar, acts_out.at[base + tok - 2], sema[b]).wait()
            pltpu.make_async_copy(
                rb, recon_out.at[base + tok - 2], semr[b]).wait()
            p0, p1 = idx_chunks(tok - 2)
            plsc.store_scatter(ar, [p0], zv)
            plsc.store_scatter(ar, [p1], zv)

        i0, i1 = idx_chunks(tok)
        v0 = wvb[tok, pl.ds(0, 16)]
        v1 = wvb[tok, pl.ds(16, 16)]
        plsc.store_scatter(ar, [i0], v0)
        plsc.store_scatter(ar, [i1], v1)
        pltpu.async_copy(ar, acts_out.at[base + tok], sema[b])

        splats = ([jnp.full((16,), v0[k], jnp.float32) for k in range(16)]
                  + [jnp.full((16,), v1[k], jnp.float32) for k in range(16)])

        def jloop(j, lacc_):
            acc = splats[0] * gb[0, pl.ds(j * 16, 16)]
            for k in range(1, K):
                acc = acc + splats[k] * gb[k, pl.ds(j * 16, 16)]
            rb[pl.ds(j * 16, 16)] = acc
            d = acc - xb[pl.ds(j * 16, 16)]
            return lacc_ + d * d

        lacc = lax.fori_loop(0, D // 16, jloop, lacc)
        pltpu.async_copy(rb, recon_out.at[base + tok], semr[b])
        return lacc

    start_inputs(0, 0)

    def pair(i, lacc):
        lacc = process(2 * i, 0, lacc)
        lacc = process(2 * i + 1, 1, lacc)
        return lacc

    lacc = lax.fori_loop(0, TPW // 2, pair, zv)

    pltpu.make_async_copy(ar0, acts_out.at[base + TPW - 2], sema0).wait()
    pltpu.make_async_copy(r0, recon_out.at[base + TPW - 2], semr0).wait()
    pltpu.make_async_copy(ar1, acts_out.at[base + TPW - 1], sema1).wait()
    pltpu.make_async_copy(r1, recon_out.at[base + TPW - 1], semr1).wait()

    lb[...] = lacc
    pltpu.sync_copy(lb, lossp_out.at[wid])


def _recon(w, x, wv, wi):
    mesh = plsc.VectorSubcoreMesh(core_axis_name="c", subcore_axis_name="s")
    fn = pl.kernel(
        _recon_body,
        out_type=[
            jax.ShapeDtypeStruct((N_TOK, NF), jnp.float32),
            jax.ShapeDtypeStruct((N_TOK, D), jnp.float32),
            jax.ShapeDtypeStruct((NW, 16), jnp.float32),
        ],
        mesh=mesh,
        compiler_params=pltpu.CompilerParams(needs_layout_passes=False),
        scratch_types=[
            pltpu.VMEM((TPW, K), jnp.float32),
            pltpu.VMEM((TPW, K), jnp.int32),
            pltpu.VMEM((NF,), jnp.float32),
            pltpu.VMEM((NF,), jnp.float32),
            pltpu.VMEM((K, D), jnp.float32),
            pltpu.VMEM((K, D), jnp.float32),
            pltpu.VMEM((D,), jnp.float32),
            pltpu.VMEM((D,), jnp.float32),
            pltpu.VMEM((D,), jnp.float32),
            pltpu.VMEM((D,), jnp.float32),
            pltpu.VMEM((16,), jnp.float32),
        ] + [pltpu.SemaphoreType.DMA] * 8,
    )
    return fn(w, x, wv, wi)


def _loss_body(p_ref, o_ref):
    o_ref[...] = (jnp.sum(p_ref[...]) / jnp.float32(N_TOK)).reshape(1, 1)


def _loss_sum(partials):
    return pl.pallas_call(
        _loss_body,
        out_shape=jax.ShapeDtypeStruct((1, 1), jnp.float32),
    )(partials)


def kernel(x, W):
    raw, t0rep = _matmul_threshold(x, W)
    wv, wi = _topk(raw, t0rep)
    acts, recon, lossp = _recon(W, x, wv, wi)
    loss = _loss_sum(lossp).reshape(())
    return (loss, recon, acts)

# --- scband reference (transcript-rebuilt; emitter-appended) ---
"""Pipeline reference for scband-bitchy-network-5239860101610 (READ-ONLY COPY).

The authoritative reference and input builder live on the scoring server;
editing this copy changes nothing except your own understanding.
"""

import jax, jax.numpy as jnp
import numpy as np

N_TOKENS = 2048
D_MLP = 768
NUM_FEATURES = 16384
NUM_WINNERS = 32


def setup_inputs(seed: int = 0) -> dict:
    key = jax.random.key(seed)
    k1, k2 = jax.random.split(key)
    x = jax.random.normal(k1, (N_TOKENS, D_MLP), dtype=jnp.float32)
    # torch kaiming_uniform_ on tensor [num_features, d_mlp]: fan_in = d_mlp,
    # gain = sqrt(2) (a=0, leaky_relu default), bound = gain * sqrt(3/fan_in) = sqrt(6/fan_in)
    bound = float(np.sqrt(6.0 / D_MLP))
    W = jax.random.uniform(k2, (NUM_FEATURES, D_MLP), minval=-bound, maxval=bound, dtype=jnp.float32)
    return {"x": x, "W": W}


def reference(x, W):
    # raw_output = einsum('n d, f d -> n f')
    raw_output = x @ W.T
    # argsort descending, take first num_winners == top_k indices
    _, winner_indices = jax.lax.top_k(raw_output, NUM_WINNERS)
    mask = jnp.zeros_like(raw_output)
    winner_rows = jnp.arange(raw_output.shape[0])[:, None]
    mask = mask.at[winner_rows, winner_indices].set(1.0)
    acts = mask * raw_output
    # reconstructed_x = einsum('n f, f d -> n d')
    reconstructed_x = acts @ W
    diff = reconstructed_x.astype(jnp.float32) - x.astype(jnp.float32)
    loss = jnp.mean(jnp.sum(diff ** 2, axis=-1), axis=0)
    return (loss, reconstructed_x, acts)

if __name__ == "__main__":
    import jax
    _d = setup_inputs()
    print(jax.jit(kernel)(*tuple(_d.values())))

</pallas_src>

<mosaic_0001>
#map = affine_map<(d0, d1) -> (0, 0)>
module attributes {stable_mosaic.version = 14 : i64} {
  func.func @_recon_body(%arg0: i32, %arg1: i32, %arg2: memref<16384x768xf32, #tpu.memory_space<hbm>>, %arg3: memref<2048x768xf32, #tpu.memory_space<hbm>>, %arg4: memref<2048x32xf32, #tpu.memory_space<hbm>>, %arg5: memref<2048x32xi32, #tpu.memory_space<hbm>>, %arg6: memref<2048x16384xf32, #tpu.memory_space<hbm>>, %arg7: memref<2048x768xf32, #tpu.memory_space<hbm>>, %arg8: memref<32x16xf32, #tpu.memory_space<hbm>>, %arg9: memref<64x32xf32, #tpu.memory_space<vmem>>, %arg10: memref<64x32xi32, #tpu.memory_space<vmem>>, %arg11: memref<16384xf32, #tpu.memory_space<vmem>>, %arg12: memref<16384xf32, #tpu.memory_space<vmem>>, %arg13: memref<32x768xf32, #tpu.memory_space<vmem>>, %arg14: memref<32x768xf32, #tpu.memory_space<vmem>>, %arg15: memref<768xf32, #tpu.memory_space<vmem>>, %arg16: memref<768xf32, #tpu.memory_space<vmem>>, %arg17: memref<768xf32, #tpu.memory_space<vmem>>, %arg18: memref<768xf32, #tpu.memory_space<vmem>>, %arg19: memref<16xf32, #tpu.memory_space<vmem>>, %arg20: memref<!tpu.dma_semaphore, #tpu.memory_space<semaphore_mem>>, %arg21: memref<!tpu.dma_semaphore, #tpu.memory_space<semaphore_mem>>, %arg22: memref<!tpu.dma_semaphore, #tpu.memory_space<semaphore_mem>>, %arg23: memref<!tpu.dma_semaphore, #tpu.memory_space<semaphore_mem>>, %arg24: memref<!tpu.dma_semaphore, #tpu.memory_space<semaphore_mem>>, %arg25: memref<!tpu.dma_semaphore, #tpu.memory_space<semaphore_mem>>, %arg26: memref<!tpu.dma_semaphore, #tpu.memory_space<semaphore_mem>>, %arg27: memref<!tpu.dma_semaphore, #tpu.memory_space<semaphore_mem>>) attributes {dimension_semantics = [#tpu.dimension_semantics<core_parallel>, #tpu.dimension_semantics<subcore_parallel>], iteration_bounds = array<i64: 2, 16>, scalar_prefetch = 0 : i64, scratch_operands = 19 : i64, tpu.core_type = #tpu.core_type<sc_vector_subcore>, window_params = [{transform_indices = #map}, {transform_indices = #map}, {transform_indices = #map}, {transform_indices = #map}, {transform_indices = #map}, {transform_indices = #map}, {transform_indices = #map}]} {
    %mul3A = arith.constant 2 : i32
    %mul3A_0 = arith.muli %arg1, %mul3A : i32
    %add3A = arith.addi %mul3A_0, %arg0 : i32
    %mul3A_1 = arith.constant 64 : i32
    %mul3A_2 = arith.muli %add3A, %mul3A_1 : i32
    "tpu.region"() ({
      %run_scoped3A = tpu.sem_alloc : memref<!tpu.dma_semaphore, #tpu.memory_space<semaphore_mem>>
      %dma_start3A_80 = arith.constant 0 : i32
      %dma_start3A_81 = tpu.memref_slice %arg4[%mul3A_2, %dma_start3A_80] : memref<2048x32xf32, #tpu.memory_space<hbm>> -> memref<64x32xf32, #tpu.memory_space<hbm>>
      %dma_start3A_82 = arith.constant 0 : i32
      %dma_start3A_83 = tpu.memref_slice %arg4[%mul3A_2, %dma_start3A_82] : memref<2048x32xf32, #tpu.memory_space<hbm>> -> memref<64x32xf32, #tpu.memory_space<hbm>>
      tpu.enqueue_dma source(%dma_start3A_83 : memref<64x32xf32, #tpu.memory_space<hbm>>) target(%arg9 : memref<64x32xf32, #tpu.memory_space<vmem>>) target_semaphore(%run_scoped3A : memref<!tpu.dma_semaphore, #tpu.memory_space<semaphore_mem>>)
      %dma_wait3A_84 = arith.constant 0 : i32
      %dma_wait3A_85 = tpu.memref_slice %arg4[%mul3A_2, %dma_wait3A_84] : memref<2048x32xf32, #tpu.memory_space<hbm>> -> memref<64x32xf32, #tpu.memory_space<hbm>>
      %dma_wait3A_86 = arith.constant 0 : i32
      %dma_wait3A_87 = tpu.memref_slice %arg4[%mul3A_2, %dma_wait3A_86] : memref<2048x32xf32, #tpu.memory_space<hbm>> -> memref<64x32xf32, #tpu.memory_space<hbm>>
      tpu.wait_dma2 semaphore(%run_scoped3A : memref<!tpu.dma_semaphore, #tpu.memory_space<semaphore_mem>>) src(%dma_wait3A_87 : memref<64x32xf32, #tpu.memory_space<hbm>>) dst(%arg9 : memref<64x32xf32, #tpu.memory_space<vmem>>)
      tpu.yield
    }) : () -> ()
    "tpu.region"() ({
      %run_scoped3A = tpu.sem_alloc : memref<!tpu.dma_semaphore, #tpu.memory_space<semaphore_mem>>
      %dma_start3A_80 = arith.constant 0 : i32
      %dma_start3A_81 = tpu.memref_slice %arg5[%mul3A_2, %dma_start3A_80] : memref<2048x32xi32, #tpu.memory_space<hbm>> -> memref<64x32xi32, #tpu.memory_space<hbm>>
      %dma_start3A_82 = arith.constant 0 : i32
      %dma_start3A_83 = tpu.memref_slice %arg5[%mul3A_2, %dma_start3A_82] : memref<2048x32xi32, #tpu.memory_space<hbm>> -> memref<64x32xi32, #tpu.memory_space<hbm>>
      tpu.enqueue_dma source(%dma_start3A_83 : memref<64x32xi32, #tpu.memory_space<hbm>>) target(%arg10 : memref<64x32xi32, #tpu.memory_space<vmem>>) target_semaphore(%run_scoped3A : memref<!tpu.dma_semaphore, #tpu.memory_space<semaphore_mem>>)
      %dma_wait3A_84 = arith.constant 0 : i32
      %dma_wait3A_85 = tpu.memref_slice %arg5[%mul3A_2, %dma_wait3A_84] : memref<2048x32xi32, #tpu.memory_space<hbm>> -> memref<64x32xi32, #tpu.memory_space<hbm>>
      %dma_wait3A_86 = arith.constant 0 : i32
      %dma_wait3A_87 = tpu.memref_slice %arg5[%mul3A_2, %dma_wait3A_86] : memref<2048x32xi32, #tpu.memory_space<hbm>> -> memref<64x32xi32, #tpu.memory_space<hbm>>
      tpu.wait_dma2 semaphore(%run_scoped3A : memref<!tpu.dma_semaphore, #tpu.memory_space<semaphore_mem>>) src(%dma_wait3A_87 : memref<64x32xi32, #tpu.memory_space<hbm>>) dst(%arg10 : memref<64x32xi32, #tpu.memory_space<vmem>>)
      tpu.yield
    }) : () -> ()
    %broadcast_in_dim3A = arith.constant 0.000000e+00 : f32
    %broadcast_in_dim3A_3 = vector.broadcast %broadcast_in_dim3A : f32 to vector<16xf32>
    %scan3A = arith.constant 0 : i32
    %scan3A_4 = arith.constant 0 : i32
    %scan3A_5 = arith.constant 1024 : i32
    %scan3A_6 = arith.addi %scan3A_4, %scan3A_5 : i32
    %scan3A_7 = arith.constant 1 : i32
    scf.for %scan3A_80 = %scan3A_4 to %scan3A_6 step %scan3A_7  : i32 {
      %mul3A_81 = arith.constant 16 : i32
      %mul3A_82 = arith.muli %scan3A_80, %mul3A_81 : i32
      %swap3A_83 = arith.index_cast %mul3A_82 : i32 to index
      %swap3A_84 = tpu.vector_load %arg11[%swap3A_83] {strides = array<i32>} : memref<16384xf32, #tpu.memory_space<vmem>>, vector<16xf32>,
      tpu.vector_store %arg11[%swap3A_83], %broadcast_in_dim3A_3 {strides = array<i32>} : memref<16384xf32, #tpu.memory_space<vmem>>, vector<16xf32>,
      %mul3A_85 = arith.constant 16 : i32
      %mul3A_86 = arith.muli %scan3A_80, %mul3A_85 : i32
      %swap3A_87 = arith.index_cast %mul3A_86 : i32 to index
      %swap3A_88 = tpu.vector_load %arg12[%swap3A_87] {strides = array<i32>} : memref<16384xf32, #tpu.memory_space<vmem>>, vector<16xf32>,
      tpu.vector_store %arg12[%swap3A_87], %broadcast_in_dim3A_3 {strides = array<i32>} : memref<16384xf32, #tpu.memory_space<vmem>>, vector<16xf32>,
    }
    %scan3A_8 = arith.constant 1024 : i32
    %get3A = arith.constant 0 : i32
    %get3A_9 = arith.index_cast %get3A : i32 to index
    %get3A_10 = arith.constant 0 : index
    %get3A_11 = tpu.vector_load %arg10[%get3A_9, %get3A_10] {strides = array<i32>} : memref<64x32xi32, #tpu.memory_space<vmem>>, vector<16xi32>,
    %get3A_12 = arith.constant 0 : i32
    %get3A_13 = arith.index_cast %get3A_12 : i32 to index
    %get3A_14 = arith.constant 16 : index
    %get3A_15 = tpu.vector_load %arg10[%get3A_13, %get3A_14] {strides = array<i32>} : memref<64x32xi32, #tpu.memory_space<vmem>>, vector<16xi32>,
    %dma_start3A = arith.constant 0 : i32
    %dma_start3A_16 = arith.constant 0 : i32
    %dma_start3A_17 = tpu.memref_slice %arg13[%dma_start3A, %dma_start3A_16] : memref<32x768xf32, #tpu.memory_space<vmem>> -> memref<16x768xf32, #tpu.memory_space<vmem>>
    %dma_start3A_18 = arith.constant 0 : i32
    %dma_start3A_19 = arith.constant 0 : i32
    %dma_start3A_20 = tpu.memref_slice %arg2[%dma_start3A_18, %dma_start3A_19] : memref<16384x768xf32, #tpu.memory_space<hbm>> -> memref<16384x768xf32, #tpu.memory_space<hbm>>
    tpu.enqueue_indirect_dma source(%dma_start3A_20 : memref<16384x768xf32, #tpu.memory_space<hbm>>) target(%dma_start3A_17 : memref<16x768xf32, #tpu.memory_space<vmem>>) offsets(%get3A_11 : vector<16xi32>) semaphore(%arg20 : memref<!tpu.dma_semaphore, #tpu.memory_space<semaphore_mem>>)
    %dma_start3A_21 = arith.constant 16 : i32
    %dma_start3A_22 = arith.constant 0 : i32
    %dma_start3A_23 = tpu.memref_slice %arg13[%dma_start3A_21, %dma_start3A_22] : memref<32x768xf32, #tpu.memory_space<vmem>> -> memref<16x768xf32, #tpu.memory_space<vmem>>
    %dma_start3A_24 = arith.constant 0 : i32
    %dma_start3A_25 = arith.constant 0 : i32
    %dma_start3A_26 = tpu.memref_slice %arg2[%dma_start3A_24, %dma_start3A_25] : memref<16384x768xf32, #tpu.memory_space<hbm>> -> memref<16384x768xf32, #tpu.memory_space<hbm>>
    tpu.enqueue_indirect_dma source(%dma_start3A_26 : memref<16384x768xf32, #tpu.memory_space<hbm>>) target(%dma_start3A_23 : memref<16x768xf32, #tpu.memory_space<vmem>>) offsets(%get3A_15 : vector<16xi32>) semaphore(%arg20 : memref<!tpu.dma_semaphore, #tpu.memory_space<semaphore_mem>>)
    %add3A_27 = arith.constant 0 : i32
    %add3A_28 = arith.addi %mul3A_2, %add3A_27 : i32
    %dma_start3A_29 = arith.constant 0 : i32
    %dma_start3A_30 = tpu.memref_slice %arg3[%add3A_28, %dma_start3A_29] : memref<2048x768xf32, #tpu.memory_space<hbm>> -> memref<1x768xf32, #tpu.memory_space<hbm>>
    %dma_start3A_31 = tpu.memref_squeeze %dma_start3A_30 : memref<1x768xf32, #tpu.memory_space<hbm>> -> memref<768xf32, #tpu.memory_space<hbm>>
    %dma_start3A_32 = arith.constant 0 : i32
    %dma_start3A_33 = tpu.memref_slice %arg3[%add3A_28, %dma_start3A_32] : memref<2048x768xf32, #tpu.memory_space<hbm>> -> memref<1x768xf32, #tpu.memory_space<hbm>>
    %dma_start3A_34 = tpu.memref_squeeze %dma_start3A_33 : memref<1x768xf32, #tpu.memory_space<hbm>> -> memref<768xf32, #tpu.memory_space<hbm>>
    tpu.enqueue_dma source(%dma_start3A_34 : memref<768xf32, #tpu.memory_space<hbm>>) target(%arg15 : memref<768xf32, #tpu.memory_space<vmem>>) target_semaphore(%arg22 : memref<!tpu.dma_semaphore, #tpu.memory_space<semaphore_mem>>)
    %scan3A_35 = arith.constant 0 : i32
    %scan3A_36 = arith.constant 32 : i32
    %scan3A_37 = arith.addi %scan3A_35, %scan3A_36 : i32
    %scan3A_38 = arith.constant 1 : i32
    %scan3A_39 = scf.for %scan3A_80 = %scan3A_35 to %scan3A_37 step %scan3A_38 iter_args(%scan3A_81 = %broadcast_in_dim3A_3) -> (vector<16xf32>)  : i32 {
      %mul3A_82 = arith.constant 2 : i32
      %mul3A_83 = arith.muli %mul3A_82, %scan3A_80 : i32
      %get3A_84 = arith.index_cast %mul3A_83 : i32 to index
      %get3A_85 = arith.constant 0 : index
      %get3A_86 = tpu.vector_load %arg10[%get3A_84, %get3A_85] {strides = array<i32>} : memref<64x32xi32, #tpu.memory_space<vmem>>, vector<16xi32>,
      %get3A_87 = arith.index_cast %mul3A_83 : i32 to index
      %get3A_88 = arith.constant 16 : index
      %get3A_89 = tpu.vector_load %arg10[%get3A_87, %get3A_88] {strides = array<i32>} : memref<64x32xi32, #tpu.memory_space<vmem>>, vector<16xi32>,
      %dma_wait3A_90 = arith.constant 0 : i32
      %dma_wait3A_91 = arith.constant 0 : i32
      %dma_wait3A_92 = tpu.memref_slice %arg13[%dma_wait3A_90, %dma_wait3A_91] : memref<32x768xf32, #tpu.memory_space<vmem>> -> memref<16x768xf32, #tpu.memory_space<vmem>>
      %dma_wait3A_93 = arith.constant 0 : i32
      %dma_wait3A_94 = arith.constant 0 : i32
      %dma_wait3A_95 = tpu.memref_slice %arg2[%dma_wait3A_93, %dma_wait3A_94] : memref<16384x768xf32, #tpu.memory_space<hbm>> -> memref<16384x768xf32, #tpu.memory_space<hbm>>
      tpu.wait_indirect_dma semaphore(%arg20 : memref<!tpu.dma_semaphore, #tpu.memory_space<semaphore_mem>>) src(%dma_wait3A_95 : memref<16384x768xf32, #tpu.memory_space<hbm>>) dst(%dma_wait3A_92 : memref<16x768xf32, #tpu.memory_space<vmem>>)
      %dma_wait3A_96 = arith.constant 16 : i32
      %dma_wait3A_97 = arith.constant 0 : i32
      %dma_wait3A_98 = tpu.memref_slice %arg13[%dma_wait3A_96, %dma_wait3A_97] : memref<32x768xf32, #tpu.memory_space<vmem>> -> memref<16x768xf32, #tpu.memory_space<vmem>>
      %dma_wait3A_99 = arith.constant 0 : i32
      %dma_wait3A_100 = arith.constant 0 : i32
      %dma_wait3A_101 = tpu.memref_slice %arg2[%dma_wait3A_99, %dma_wait3A_100] : memref<16384x768xf32, #tpu.memory_space<hbm>> -> memref<16384x768xf32, #tpu.memory_space<hbm>>
      tpu.wait_indirect_dma semaphore(%arg20 : memref<!tpu.dma_semaphore, #tpu.memory_space<semaphore_mem>>) src(%dma_wait3A_101 : memref<16384x768xf32, #tpu.memory_space<hbm>>) dst(%dma_wait3A_98 : memref<16x768xf32, #tpu.memory_space<vmem>>)
      %add3A_102 = arith.addi %mul3A_2, %mul3A_83 : i32
      %dma_wait3A_103 = arith.constant 0 : i32
      %dma_wait3A_104 = tpu.memref_slice %arg3[%add3A_102, %dma_wait3A_103] : memref<2048x768xf32, #tpu.memory_space<hbm>> -> memref<1x768xf32, #tpu.memory_space<hbm>>
      %dma_wait3A_105 = tpu.memref_squeeze %dma_wait3A_104 : memref<1x768xf32, #tpu.memory_space<hbm>> -> memref<768xf32, #tpu.memory_space<hbm>>
      %dma_wait3A_106 = arith.constant 0 : i32
      %dma_wait3A_107 = tpu.memref_slice %arg3[%add3A_102, %dma_wait3A_106] : memref<2048x768xf32, #tpu.memory_space<hbm>> -> memref<1x768xf32, #tpu.memory_space<hbm>>
      %dma_wait3A_108 = tpu.memref_squeeze %dma_wait3A_107 : memref<1x768xf32, #tpu.memory_space<hbm>> -> memref<768xf32, #tpu.memory_space<hbm>>
      tpu.wait_dma2 semaphore(%arg22 : memref<!tpu.dma_semaphore, #tpu.memory_space<semaphore_mem>>) src(%dma_wait3A_108 : memref<768xf32, #tpu.memory_space<hbm>>) dst(%arg15 : memref<768xf32, #tpu.memory_space<vmem>>)
      %add3A_109 = arith.constant 1 : i32
      %add3A_110 = arith.addi %mul3A_83, %add3A_109 : i32
      %lt3A = arith.constant 64 : i32
      %lt3A_111 = arith.cmpi slt, %add3A_110, %lt3A : i32
      %convert_element_type3A = arith.extui %lt3A_111 : i1 to i32
      %cond3A = arith.constant 0 : i32
      %cond3A_112 = arith.cmpi ne, %convert_element_type3A, %cond3A : i32
      scf.if %cond3A_112 {
        %add3A_412 = arith.constant 1 : i32
        %add3A_413 = arith.addi %mul3A_83, %add3A_412 : i32
        %get3A_414 = arith.index_cast %add3A_413 : i32 to index
        %get3A_415 = arith.constant 0 : index
        %get3A_416 = tpu.vector_load %arg10[%get3A_414, %get3A_415] {strides = array<i32>} : memref<64x32xi32, #tpu.memory_space<vmem>>, vector<16xi32>,
        %get3A_417 = arith.index_cast %add3A_413 : i32 to index
        %get3A_418 = arith.constant 16 : index
        %get3A_419 = tpu.vector_load %arg10[%get3A_417, %get3A_418] {strides = array<i32>} : memref<64x32xi32, #tpu.memory_space<vmem>>, vector<16xi32>,
        %dma_start3A_420 = arith.constant 0 : i32
        %dma_start3A_421 = arith.constant 0 : i32
        %dma_start3A_422 = tpu.memref_slice %arg14[%dma_start3A_420, %dma_start3A_421] : memref<32x768xf32, #tpu.memory_space<vmem>> -> memref<16x768xf32, #tpu.memory_space<vmem>>
        %dma_start3A_423 = arith.constant 0 : i32
        %dma_start3A_424 = arith.constant 0 : i32
        %dma_start3A_425 = tpu.memref_slice %arg2[%dma_start3A_423, %dma_start3A_424] : memref<16384x768xf32, #tpu.memory_space<hbm>> -> memref<16384x768xf32, #tpu.memory_space<hbm>>
        tpu.enqueue_indirect_dma source(%dma_start3A_425 : memref<16384x768xf32, #tpu.memory_space<hbm>>) target(%dma_start3A_422 : memref<16x768xf32, #tpu.memory_space<vmem>>) offsets(%get3A_416 : vector<16xi32>) semaphore(%arg21 : memref<!tpu.dma_semaphore, #tpu.memory_space<semaphore_mem>>)
        %dma_start3A_426 = arith.constant 16 : i32
        %dma_start3A_427 = arith.constant 0 : i32
        %dma_start3A_428 = tpu.memref_slice %arg14[%dma_start3A_426, %dma_start3A_427] : memref<32x768xf32, #tpu.memory_space<vmem>> -> memref<16x768xf32, #tpu.memory_space<vmem>>
        %dma_start3A_429 = arith.constant 0 : i32
        %dma_start3A_430 = arith.constant 0 : i32
        %dma_start3A_431 = tpu.memref_slice %arg2[%dma_start3A_429, %dma_start3A_430] : memref<16384x768xf32, #tpu.memory_space<hbm>> -> memref<16384x768xf32, #tpu.memory_space<hbm>>
        tpu.enqueue_indirect_dma source(%dma_start3A_431 : memref<16384x768xf32, #tpu.memory_space<hbm>>) target(%dma_start3A_428 : memref<16x768xf32, #tpu.memory_space<vmem>>) offsets(%get3A_419 : vector<16xi32>) semaphore(%arg21 : memref<!tpu.dma_semaphore, #tpu.memory_space<semaphore_mem>>)
        %add3A_432 = arith.addi %mul3A_2, %add3A_413 : i32
        %dma_start3A_433 = arith.constant 0 : i32
        %dma_start3A_434 = tpu.memref_slice %arg3[%add3A_432, %dma_start3A_433] : memref<2048x768xf32, #tpu.memory_space<hbm>> -> memref<1x768xf32, #tpu.memory_space<hbm>>
        %dma_start3A_435 = tpu.memref_squeeze %dma_start3A_434 : memref<1x768xf32, #tpu.memory_space<hbm>> -> memref<768xf32, #tpu.memory_space<hbm>>
        %dma_start3A_436 = arith.constant 0 : i32
        %dma_start3A_437 = tpu.memref_slice %arg3[%add3A_432, %dma_start3A_436] : memref<2048x768xf32, #tpu.memory_space<hbm>> -> memref<1x768xf32, #tpu.memory_space<hbm>>
        %dma_start3A_438 = tpu.memref_squeeze %dma_start3A_437 : memref<1x768xf32, #tpu.memory_space<hbm>> -> memref<768xf32, #tpu.memory_space<hbm>>
        tpu.enqueue_dma source(%dma_start3A_438 : memref<768xf32, #tpu.memory_space<hbm>>) target(%arg16 : memref<768xf32, #tpu.memory_space<vmem>>) target_semaphore(%arg23 : memref<!tpu.dma_semaphore, #tpu.memory_space<semaphore_mem>>)
      } else {
      }
      %ge3A = arith.constant 2 : i32
      %ge3A_113 = arith.cmpi sge, %mul3A_83, %ge3A : i32
      %convert_element_type3A_114 = arith.extui %ge3A_113 : i1 to i32
      %cond3A_115 = arith.constant 0 : i32
      %cond3A_116 = arith.cmpi ne, %convert_element_type3A_114, %cond3A_115 : i32
      scf.if %cond3A_116 {
        %add3A_412 = arith.addi %mul3A_2, %mul3A_83 : i32
        %sub3A_413 = arith.constant 2 : i32
        %sub3A_414 = arith.subi %add3A_412, %sub3A_413 : i32
        %dma_wait3A_415 = arith.constant 0 : i32
        %dma_wait3A_416 = tpu.memref_slice %arg6[%sub3A_414, %dma_wait3A_415] : memref<2048x16384xf32, #tpu.memory_space<hbm>> -> memref<1x16384xf32, #tpu.memory_space<hbm>>
        %dma_wait3A_417 = tpu.memref_squeeze %dma_wait3A_416 : memref<1x16384xf32, #tpu.memory_space<hbm>> -> memref<16384xf32, #tpu.memory_space<hbm>>
        %dma_wait3A_418 = arith.constant 0 : i32
        %dma_wait3A_419 = tpu.memref_slice %arg6[%sub3A_414, %dma_wait3A_418] : memref<2048x16384xf32, #tpu.memory_space<hbm>> -> memref<1x16384xf32, #tpu.memory_space<hbm>>
        %dma_wait3A_420 = tpu.memref_squeeze %dma_wait3A_419 : memref<1x16384xf32, #tpu.memory_space<hbm>> -> memref<16384xf32, #tpu.memory_space<hbm>>
        tpu.wait_dma2 semaphore(%arg24 : memref<!tpu.dma_semaphore, #tpu.memory_space<semaphore_mem>>) src(%arg11 : memref<16384xf32, #tpu.memory_space<vmem>>) dst(%dma_wait3A_420 : memref<16384xf32, #tpu.memory_space<hbm>>)
        %add3A_421 = arith.addi %mul3A_2, %mul3A_83 : i32
        %sub3A_422 = arith.constant 2 : i32
        %sub3A_423 = arith.subi %add3A_421, %sub3A_422 : i32
        %dma_wait3A_424 = arith.constant 0 : i32
        %dma_wait3A_425 = tpu.memref_slice %arg7[%sub3A_423, %dma_wait3A_424] : memref<2048x768xf32, #tpu.memory_space<hbm>> -> memref<1x768xf32, #tpu.memory_space<hbm>>
        %dma_wait3A_426 = tpu.memref_squeeze %dma_wait3A_425 : memref<1x768xf32, #tpu.memory_space<hbm>> -> memref<768xf32, #tpu.memory_space<hbm>>
        %dma_wait3A_427 = arith.constant 0 : i32
        %dma_wait3A_428 = tpu.memref_slice %arg7[%sub3A_423, %dma_wait3A_427] : memref<2048x768xf32, #tpu.memory_space<hbm>> -> memref<1x768xf32, #tpu.memory_space<hbm>>
        %dma_wait3A_429 = tpu.memref_squeeze %dma_wait3A_428 : memref<1x768xf32, #tpu.memory_space<hbm>> -> memref<768xf32, #tpu.memory_space<hbm>>
        tpu.wait_dma2 semaphore(%arg26 : memref<!tpu.dma_semaphore, #tpu.memory_space<semaphore_mem>>) src(%arg17 : memref<768xf32, #tpu.memory_space<vmem>>) dst(%dma_wait3A_429 : memref<768xf32, #tpu.memory_space<hbm>>)
        %sub3A_430 = arith.constant 2 : i32
        %sub3A_431 = arith.subi %mul3A_83, %sub3A_430 : i32
        %get3A_432 = arith.index_cast %sub3A_431 : i32 to index
        %get3A_433 = arith.constant 0 : index
        %get3A_434 = tpu.vector_load %arg10[%get3A_432, %get3A_433] {strides = array<i32>} : memref<64x32xi32, #tpu.memory_space<vmem>>, vector<16xi32>,
        %get3A_435 = arith.index_cast %sub3A_431 : i32 to index
        %get3A_436 = arith.constant 16 : index
        %get3A_437 = tpu.vector_load %arg10[%get3A_435, %get3A_436] {strides = array<i32>} : memref<64x32xi32, #tpu.memory_space<vmem>>, vector<16xi32>,
        tpu.vector_store_idx %arg11[%get3A_434], %broadcast_in_dim3A_3 : memref<16384xf32, #tpu.memory_space<vmem>>[vector<16xi32>], vector<16xf32>,
        tpu.vector_store_idx %arg11[%get3A_437], %broadcast_in_dim3A_3 : memref<16384xf32, #tpu.memory_space<vmem>>[vector<16xi32>], vector<16xf32>,
      } else {
      }
      %get3A_117 = arith.index_cast %mul3A_83 : i32 to index
      %get3A_118 = arith.constant 0 : index
      %get3A_119 = tpu.vector_load %arg10[%get3A_117, %get3A_118] {strides = array<i32>} : memref<64x32xi32, #tpu.memory_space<vmem>>, vector<16xi32>,
      %get3A_120 = arith.index_cast %mul3A_83 : i32 to index
      %get3A_121 = arith.constant 16 : index
      %get3A_122 = tpu.vector_load %arg10[%get3A_120, %get3A_121] {strides = array<i32>} : memref<64x32xi32, #tpu.memory_space<vmem>>, vector<16xi32>,
      %get3A_123 = arith.index_cast %mul3A_83 : i32 to index
      %get3A_124 = arith.constant 0 : index
      %get3A_125 = tpu.vector_load %arg9[%get3A_123, %get3A_124] {strides = array<i32>} : memref<64x32xf32, #tpu.memory_space<vmem>>, vector<16xf32>,
      %get3A_126 = arith.index_cast %mul3A_83 : i32 to index
      %get3A_127 = arith.constant 16 : index
      %get3A_128 = tpu.vector_load %arg9[%get3A_126, %get3A_127] {strides = array<i32>} : memref<64x32xf32, #tpu.memory_space<vmem>>, vector<16xf32>,
      tpu.vector_store_idx %arg11[%get3A_119], %get3A_125 : memref<16384xf32, #tpu.memory_space<vmem>>[vector<16xi32>], vector<16xf32>,
      tpu.vector_store_idx %arg11[%get3A_122], %get3A_128 : memref<16384xf32, #tpu.memory_space<vmem>>[vector<16xi32>], vector<16xf32>,
      %add3A_129 = arith.addi %mul3A_2, %mul3A_83 : i32
      %dma_start3A_130 = arith.constant 0 : i32
      %dma_start3A_131 = tpu.memref_slice %arg6[%add3A_129, %dma_start3A_130] : memref<2048x16384xf32, #tpu.memory_space<hbm>> -> memref<1x16384xf32, #tpu.memory_space<hbm>>
      %dma_start3A_132 = tpu.memref_squeeze %dma_start3A_131 : memref<1x16384xf32, #tpu.memory_space<hbm>> -> memref<16384xf32, #tpu.memory_space<hbm>>
      %dma_start3A_133 = arith.constant 0 : i32
      %dma_start3A_134 = tpu.memref_slice %arg6[%add3A_129, %dma_start3A_133] : memref<2048x16384xf32, #tpu.memory_space<hbm>> -> memref<1x16384xf32, #tpu.memory_space<hbm>>
      %dma_start3A_135 = tpu.memref_squeeze %dma_start3A_134 : memref<1x16384xf32, #tpu.memory_space<hbm>> -> memref<16384xf32, #tpu.memory_space<hbm>>
      tpu.enqueue_dma source(%arg11 : memref<16384xf32, #tpu.memory_space<vmem>>) target(%dma_start3A_135 : memref<16384xf32, #tpu.memory_space<hbm>>) target_semaphore(%arg24 : memref<!tpu.dma_semaphore, #tpu.memory_space<semaphore_mem>>)
      %slice3A = vector.extract_strided_slice %get3A_125 {offsets = [0], sizes = [1], strides = [1]} : vector<16xf32> to vector<1xf32>
      %squeeze3A = vector.extract %slice3A[0] : f32 from vector<1xf32>
      %broadcast_in_dim3A_136 = vector.broadcast %squeeze3A : f32 to vector<16xf32>
      %slice3A_137 = vector.extract_strided_slice %get3A_125 {offsets = [1], sizes = [1], strides = [1]} : vector<16xf32> to vector<1xf32>
      %squeeze3A_138 = vector.extract %slice3A_137[0] : f32 from vector<1xf32>
      %broadcast_in_dim3A_139 = vector.broadcast %squeeze3A_138 : f32 to vector<16xf32>
      %slice3A_140 = vector.extract_strided_slice %get3A_125 {offsets = [2], sizes = [1], strides = [1]} : vector<16xf32> to vector<1xf32>
      %squeeze3A_141 = vector.extract %slice3A_140[0] : f32 from vector<1xf32>
      %broadcast_in_dim3A_142 = vector.broadcast %squeeze3A_141 : f32 to vector<16xf32>
      %slice3A_143 = vector.extract_strided_slice %get3A_125 {offsets = [3], sizes = [1], strides = [1]} : vector<16xf32> to vector<1xf32>
      %squeeze3A_144 = vector.extract %slice3A_143[0] : f32 from vector<1xf32>
      %broadcast_in_dim3A_145 = vector.broadcast %squeeze3A_144 : f32 to vector<16xf32>
      %slice3A_146 = vector.extract_strided_slice %get3A_125 {offsets = [4], sizes = [1], strides = [1]} : vector<16xf32> to vector<1xf32>
      %squeeze3A_147 = vector.extract %slice3A_146[0] : f32 from vector<1xf32>
      %broadcast_in_dim3A_148 = vector.broadcast %squeeze3A_147 : f32 to vector<16xf32>
      %slice3A_149 = vector.extract_strided_slice %get3A_125 {offsets = [5], sizes = [1], strides = [1]} : vector<16xf32> to vector<1xf32>
      %squeeze3A_150 = vector.extract %slice3A_149[0] : f32 from vector<1xf32>
      %broadcast_in_dim3A_151 = vector.broadcast %squeeze3A_150 : f32 to vector<16xf32>
      %slice3A_152 = vector.extract_strided_slice %get3A_125 {offsets = [6], sizes = [1], strides = [1]} : vector<16xf32> to vector<1xf32>
      %squeeze3A_153 = vector.extract %slice3A_152[0] : f32 from vector<1xf32>
      %broadcast_in_dim3A_154 = vector.broadcast %squeeze3A_153 : f32 to vector<16xf32>
      %slice3A_155 = vector.extract_strided_slice %get3A_125 {offsets = [7], sizes = [1], strides = [1]} : vector<16xf32> to vector<1xf32>
      %squeeze3A_156 = vector.extract %slice3A_155[0] : f32 from vector<1xf32>
      %broadcast_in_dim3A_157 = vector.broadcast %squeeze3A_156 : f32 to vector<16xf32>
      %slice3A_158 = vector.extract_strided_slice %get3A_125 {offsets = [8], sizes = [1], strides = [1]} : vector<16xf32> to vector<1xf32>
      %squeeze3A_159 = vector.extract %slice3A_158[0] : f32 from vector<1xf32>
      %broadcast_in_dim3A_160 = vector.broadcast %squeeze3A_159 : f32 to vector<16xf32>
      %slice3A_161 = vector.extract_strided_slice %get3A_125 {offsets = [9], sizes = [1], strides = [1]} : vector<16xf32> to vector<1xf32>
      %squeeze3A_162 = vector.extract %slice3A_161[0] : f32 from vector<1xf32>
      %broadcast_in_dim3A_163 = vector.broadcast %squeeze3A_162 : f32 to vector<16xf32>
      %slice3A_164 = vector.extract_strided_slice %get3A_125 {offsets = [10], sizes = [1], strides = [1]} : vector<16xf32> to vector<1xf32>
      %squeeze3A_165 = vector.extract %slice3A_164[0] : f32 from vector<1xf32>
      %broadcast_in_dim3A_166 = vector.broadcast %squeeze3A_165 : f32 to vector<16xf32>
      %slice3A_167 = vector.extract_strided_slice %get3A_125 {offsets = [11], sizes = [1], strides = [1]} : vector<16xf32> to vector<1xf32>
      %squeeze3A_168 = vector.extract %slice3A_167[0] : f32 from vector<1xf32>
      %broadcast_in_dim3A_169 = vector.broadcast %squeeze3A_168 : f32 to vector<16xf32>
      %slice3A_170 = vector.extract_strided_slice %get3A_125 {offsets = [12], sizes = [1], strides = [1]} : vector<16xf32> to vector<1xf32>
      %squeeze3A_171 = vector.extract %slice3A_170[0] : f32 from vector<1xf32>
      %broadcast_in_dim3A_172 = vector.broadcast %squeeze3A_171 : f32 to vector<16xf32>
      %slice3A_173 = vector.extract_strided_slice %get3A_125 {offsets = [13], sizes = [1], strides = [1]} : vector<16xf32> to vector<1xf32>
      %squeeze3A_174 = vector.extract %slice3A_173[0] : f32 from vector<1xf32>
      %broadcast_in_dim3A_175 = vector.broadcast %squeeze3A_174 : f32 to vector<16xf32>
      %slice3A_176 = vector.extract_strided_slice %get3A_125 {offsets = [14], sizes = [1], strides = [1]} : vector<16xf32> to vector<1xf32>
      %squeeze3A_177 = vector.extract %slice3A_176[0] : f32 from vector<1xf32>
      %broadcast_in_dim3A_178 = vector.broadcast %squeeze3A_177 : f32 to vector<16xf32>
      %slice3A_179 = vector.extract_strided_slice %get3A_125 {offsets = [15], sizes = [1], strides = [1]} : vector<16xf32> to vector<1xf32>
      %squeeze3A_180 = vector.extract %slice3A_179[0] : f32 from vector<1xf32>
      %broadcast_in_dim3A_181 = vector.broadcast %squeeze3A_180 : f32 to vector<16xf32>
      %slice3A_182 = vector.extract_strided_slice %get3A_128 {offsets = [0], sizes = [1], strides = [1]} : vector<16xf32> to vector<1xf32>
      %squeeze3A_183 = vector.extract %slice3A_182[0] : f32 from vector<1xf32>
      %broadcast_in_dim3A_184 = vector.broadcast %squeeze3A_183 : f32 to vector<16xf32>
      %slice3A_185 = vector.extract_strided_slice %get3A_128 {offsets = [1], sizes = [1], strides = [1]} : vector<16xf32> to vector<1xf32>
      %squeeze3A_186 = vector.extract %slice3A_185[0] : f32 from vector<1xf32>
      %broadcast_in_dim3A_187 = vector.broadcast %squeeze3A_186 : f32 to vector<16xf32>
      %slice3A_188 = vector.extract_strided_slice %get3A_128 {offsets = [2], sizes = [1], strides = [1]} : vector<16xf32> to vector<1xf32>
      %squeeze3A_189 = vector.extract %slice3A_188[0] : f32 from vector<1xf32>
      %broadcast_in_dim3A_190 = vector.broadcast %squeeze3A_189 : f32 to vector<16xf32>
      %slice3A_191 = vector.extract_strided_slice %get3A_128 {offsets = [3], sizes = [1], strides = [1]} : vector<16xf32> to vector<1xf32>
      %squeeze3A_192 = vector.extract %slice3A_191[0] : f32 from vector<1xf32>
      %broadcast_in_dim3A_193 = vector.broadcast %squeeze3A_192 : f32 to vector<16xf32>
      %slice3A_194 = vector.extract_strided_slice %get3A_128 {offsets = [4], sizes = [1], strides = [1]} : vector<16xf32> to vector<1xf32>
      %squeeze3A_195 = vector.extract %slice3A_194[0] : f32 from vector<1xf32>
      %broadcast_in_dim3A_196 = vector.broadcast %squeeze3A_195 : f32 to vector<16xf32>
      %slice3A_197 = vector.extract_strided_slice %get3A_128 {offsets = [5], sizes = [1], strides = [1]} : vector<16xf32> to vector<1xf32>
      %squeeze3A_198 = vector.extract %slice3A_197[0] : f32 from vector<1xf32>
      %broadcast_in_dim3A_199 = vector.broadcast %squeeze3A_198 : f32 to vector<16xf32>
      %slice3A_200 = vector.extract_strided_slice %get3A_128 {offsets = [6], sizes = [1], strides = [1]} : vector<16xf32> to vector<1xf32>
      %squeeze3A_201 = vector.extract %slice3A_200[0] : f32 from vector<1xf32>
      %broadcast_in_dim3A_202 = vector.broadcast %squeeze3A_201 : f32 to vector<16xf32>
      %slice3A_203 = vector.extract_strided_slice %get3A_128 {offsets = [7], sizes = [1], strides = [1]} : vector<16xf32> to vector<1xf32>
      %squeeze3A_204 = vector.extract %slice3A_203[0] : f32 from vector<1xf32>
      %broadcast_in_dim3A_205 = vector.broadcast %squeeze3A_204 : f32 to vector<16xf32>
      %slice3A_206 = vector.extract_strided_slice %get3A_128 {offsets = [8], sizes = [1], strides = [1]} : vector<16xf32> to vector<1xf32>
      %squeeze3A_207 = vector.extract %slice3A_206[0] : f32 from vector<1xf32>
      %broadcast_in_dim3A_208 = vector.broadcast %squeeze3A_207 : f32 to vector<16xf32>
      %slice3A_209 = vector.extract_strided_slice %get3A_128 {offsets = [9], sizes = [1], strides = [1]} : vector<16xf32> to vector<1xf32>
      %squeeze3A_210 = vector.extract %slice3A_209[0] : f32 from vector<1xf32>
      %broadcast_in_dim3A_211 = vector.broadcast %squeeze3A_210 : f32 to vector<16xf32>
      %slice3A_212 = vector.extract_strided_slice %get3A_128 {offsets = [10], sizes = [1], strides = [1]} : vector<16xf32> to vector<1xf32>
      %squeeze3A_213 = vector.extract %slice3A_212[0] : f32 from vector<1xf32>
      %broadcast_in_dim3A_214 = vector.broadcast %squeeze3A_213 : f32 to vector<16xf32>
      %slice3A_215 = vector.extract_strided_slice %get3A_128 {offsets = [11], sizes = [1], strides = [1]} : vector<16xf32> to vector<1xf32>
      %squeeze3A_216 = vector.extract %slice3A_215[0] : f32 from vector<1xf32>
      %broadcast_in_dim3A_217 = vector.broadcast %squeeze3A_216 : f32 to vector<16xf32>
      %slice3A_218 = vector.extract_strided_slice %get3A_128 {offsets = [12], sizes = [1], strides = [1]} : vector<16xf32> to vector<1xf32>
      %squeeze3A_219 = vector.extract %slice3A_218[0] : f32 from vector<1xf32>
      %broadcast_in_dim3A_220 = vector.broadcast %squeeze3A_219 : f32 to vector<16xf32>
      %slice3A_221 = vector.extract_strided_slice %get3A_128 {offsets = [13], sizes = [1], strides = [1]} : vector<16xf32> to vector<1xf32>
      %squeeze3A_222 = vector.extract %slice3A_221[0] : f32 from vector<1xf32>
      %broadcast_in_dim3A_223 = vector.broadcast %squeeze3A_222 : f32 to vector<16xf32>
      %slice3A_224 = vector.extract_strided_slice %get3A_128 {offsets = [14], sizes = [1], strides = [1]} : vector<16xf32> to vector<1xf32>
      %squeeze3A_225 = vector.extract %slice3A_224[0] : f32 from vector<1xf32>
      %broadcast_in_dim3A_226 = vector.broadcast %squeeze3A_225 : f32 to vector<16xf32>
      %slice3A_227 = vector.extract_strided_slice %get3A_128 {offsets = [15], sizes = [1], strides = [1]} : vector<16xf32> to vector<1xf32>
      %squeeze3A_228 = vector.extract %slice3A_227[0] : f32 from vector<1xf32>
      %broadcast_in_dim3A_229 = vector.broadcast %squeeze3A_228 : f32 to vector<16xf32>
      %scan3A_230 = arith.constant 0 : i32
      %scan3A_231 = arith.constant 48 : i32
      %scan3A_232 = arith.addi %scan3A_230, %scan3A_231 : i32
      %scan3A_233 = arith.constant 1 : i32
      %scan3A_234 = scf.for %scan3A_412 = %scan3A_230 to %scan3A_232 step %scan3A_233 iter_args(%scan3A_413 = %scan3A_81) -> (vector<16xf32>)  : i32 {
        %mul3A_414 = arith.constant 16 : i32
        %mul3A_415 = arith.muli %scan3A_412, %mul3A_414 : i32
        %get3A_416 = arith.constant 0 : i32
        %get3A_417 = arith.index_cast %get3A_416 : i32 to index
        %get3A_418 = arith.index_cast %mul3A_415 : i32 to index
        %get3A_419 = tpu.vector_load %arg13[%get3A_417, %get3A_418] {strides = array<i32>} : memref<32x768xf32, #tpu.memory_space<vmem>>, vector<16xf32>,
        %mul3A_420 = arith.mulf %broadcast_in_dim3A_136, %get3A_419 : vector<16xf32>
        %mul3A_421 = arith.constant 16 : i32
        %mul3A_422 = arith.muli %scan3A_412, %mul3A_421 : i32
        %get3A_423 = arith.constant 1 : i32
        %get3A_424 = arith.index_cast %get3A_423 : i32 to index
        %get3A_425 = arith.index_cast %mul3A_422 : i32 to index
        %get3A_426 = tpu.vector_load %arg13[%get3A_424, %get3A_425] {strides = array<i32>} : memref<32x768xf32, #tpu.memory_space<vmem>>, vector<16xf32>,
        %mul3A_427 = arith.mulf %broadcast_in_dim3A_139, %get3A_426 : vector<16xf32>
        %add3A_428 = arith.addf %mul3A_420, %mul3A_427 : vector<16xf32>
        %mul3A_429 = arith.constant 16 : i32
        %mul3A_430 = arith.muli %scan3A_412, %mul3A_429 : i32
        %get3A_431 = arith.constant 2 : i32
        %get3A_432 = arith.index_cast %get3A_431 : i32 to index
        %get3A_433 = arith.index_cast %mul3A_430 : i32 to index
        %get3A_434 = tpu.vector_load %arg13[%get3A_432, %get3A_433] {strides = array<i32>} : memref<32x768xf32, #tpu.memory_space<vmem>>, vector<16xf32>,
        %mul3A_435 = arith.mulf %broadcast_in_dim3A_142, %get3A_434 : vector<16xf32>
        %add3A_436 = arith.addf %add3A_428, %mul3A_435 : vector<16xf32>
        %mul3A_437 = arith.constant 16 : i32
        %mul3A_438 = arith.muli %scan3A_412, %mul3A_437 : i32
        %get3A_439 = arith.constant 3 : i32
        %get3A_440 = arith.index_cast %get3A_439 : i32 to index
        %get3A_441 = arith.index_cast %mul3A_438 : i32 to index
        %get3A_442 = tpu.vector_load %arg13[%get3A_440, %get3A_441] {strides = array<i32>} : memref<32x768xf32, #tpu.memory_space<vmem>>, vector<16xf32>,
        %mul3A_443 = arith.mulf %broadcast_in_dim3A_145, %get3A_442 : vector<16xf32>
        %add3A_444 = arith.addf %add3A_436, %mul3A_443 : vector<16xf32>
        %mul3A_445 = arith.constant 16 : i32
        %mul3A_446 = arith.muli %scan3A_412, %mul3A_445 : i32
        %get3A_447 = arith.constant 4 : i32
        %get3A_448 = arith.index_cast %get3A_447 : i32 to index
        %get3A_449 = arith.index_cast %mul3A_446 : i32 to index
        %get3A_450 = tpu.vector_load %arg13[%get3A_448, %get3A_449] {strides = array<i32>} : memref<32x768xf32, #tpu.memory_space<vmem>>, vector<16xf32>,
        %mul3A_451 = arith.mulf %broadcast_in_dim3A_148, %get3A_450 : vector<16xf32>
        %add3A_452 = arith.addf %add3A_444, %mul3A_451 : vector<16xf32>
        %mul3A_453 = arith.constant 16 : i32
        %mul3A_454 = arith.muli %scan3A_412, %mul3A_453 : i32
        %get3A_455 = arith.constant 5 : i32
        %get3A_456 = arith.index_cast %get3A_455 : i32 to index
        %get3A_457 = arith.index_cast %mul3A_454 : i32 to index
        %get3A_458 = tpu.vector_load %arg13[%get3A_456, %get3A_457] {strides = array<i32>} : memref<32x768xf32, #tpu.memory_space<vmem>>, vector<16xf32>,
        %mul3A_459 = arith.mulf %broadcast_in_dim3A_151, %get3A_458 : vector<16xf32>
        %add3A_460 = arith.addf %add3A_452, %mul3A_459 : vector<16xf32>
        %mul3A_461 = arith.constant 16 : i32
        %mul3A_462 = arith.muli %scan3A_412, %mul3A_461 : i32
        %get3A_463 = arith.constant 6 : i32
        %get3A_464 = arith.index_cast %get3A_463 : i32 to index
        %get3A_465 = arith.index_cast %mul3A_462 : i32 to index
        %get3A_466 = tpu.vector_load %arg13[%get3A_464, %get3A_465] {strides = array<i32>} : memref<32x768xf32, #tpu.memory_space<vmem>>, vector<16xf32>,
        %mul3A_467 = arith.mulf %broadcast_in_dim3A_154, %get3A_466 : vector<16xf32>
        %add3A_468 = arith.addf %add3A_460, %mul3A_467 : vector<16xf32>
        %mul3A_469 = arith.constant 16 : i32
        %mul3A_470 = arith.muli %scan3A_412, %mul3A_469 : i32
        %get3A_471 = arith.constant 7 : i32
        %get3A_472 = arith.index_cast %get3A_471 : i32 to index
        %get3A_473 = arith.index_cast %mul3A_470 : i32 to index
        %get3A_474 = tpu.vector_load %arg13[%get3A_472, %get3A_473] {strides = array<i32>} : memref<32x768xf32, #tpu.memory_space<vmem>>, vector<16xf32>,
        %mul3A_475 = arith.mulf %broadcast_in_dim3A_157, %get3A_474 : vector<16xf32>
        %add3A_476 = arith.addf %add3A_468, %mul3A_475 : vector<16xf32>
        %mul3A_477 = arith.constant 16 : i32
        %mul3A_478 = arith.muli %scan3A_412, %mul3A_477 : i32
        %get3A_479 = arith.constant 8 : i32
        %get3A_480 = arith.index_cast %get3A_479 : i32 to index
        %get3A_481 = arith.index_cast %mul3A_478 : i32 to index
        %get3A_482 = tpu.vector_load %arg13[%get3A_480, %get3A_481] {strides = array<i32>} : memref<32x768xf32, #tpu.memory_space<vmem>>, vector<16xf32>,
        %mul3A_483 = arith.mulf %broadcast_in_dim3A_160, %get3A_482 : vector<16xf32>
        %add3A_484 = arith.addf %add3A_476, %mul3A_483 : vector<16xf32>
        %mul3A_485 = arith.constant 16 : i32
        %mul3A_486 = arith.muli %scan3A_412, %mul3A_485 : i32
        %get3A_487 = arith.constant 9 : i32
        %get3A_488 = arith.index_cast %get3A_487 : i32 to index
        %get3A_489 = arith.index_cast %mul3A_486 : i32 to index
        %get3A_490 = tpu.vector_load %arg13[%get3A_488, %get3A_489] {strides = array<i32>} : memref<32x768xf32, #tpu.memory_space<vmem>>, vector<16xf32>,
        %mul3A_491 = arith.mulf %broadcast_in_dim3A_163, %get3A_490 : vector<16xf32>
        %add3A_492 = arith.addf %add3A_484, %mul3A_491 : vector<16xf32>
        %mul3A_493 = arith.constant 16 : i32
        %mul3A_494 = arith.muli %scan3A_412, %mul3A_493 : i32
        %get3A_495 = arith.constant 10 : i32
        %get3A_496 = arith.index_cast %get3A_495 : i32 to index
        %get3A_497 = arith.index_cast %mul3A_494 : i32 to index
        %get3A_498 = tpu.vector_load %arg13[%get3A_496, %get3A_497] {strides = array<i32>} : memref<32x768xf32, #tpu.memory_space<vmem>>, vector<16xf32>,
        %mul3A_499 = arith.mulf %broadcast_in_dim3A_166, %get3A_498 : vector<16xf32>
        %add3A_500 = arith.addf %add3A_492, %mul3A_499 : vector<16xf32>
        %mul3A_501 = arith.constant 16 : i32
        %mul3A_502 = arith.muli %scan3A_412, %mul3A_501 : i32
        %get3A_503 = arith.constant 11 : i32
        %get3A_504 = arith.index_cast %get3A_503 : i32 to index
        %get3A_505 = arith.index_cast %mul3A_502 : i32 to index
        %get3A_506 = tpu.vector_load %arg13[%get3A_504, %get3A_505] {strides = array<i32>} : memref<32x768xf32, #tpu.memory_space<vmem>>, vector<16xf32>,
        %mul3A_507 = arith.mulf %broadcast_in_dim3A_169, %get3A_506 : vector<16xf32>
        %add3A_508 = arith.addf %add3A_500, %mul3A_507 : vector<16xf32>
        %mul3A_509 = arith.constant 16 : i32
        %mul3A_510 = arith.muli %scan3A_412, %mul3A_509 : i32
        %get3A_511 = arith.constant 12 : i32
        %get3A_512 = arith.index_cast %get3A_511 : i32 to index
        %get3A_513 = arith.index_cast %mul3A_510 : i32 to index
        %get3A_514 = tpu.vector_load %arg13[%get3A_512, %get3A_513] {strides = array<i32>} : memref<32x768xf32, #tpu.memory_space<vmem>>, vector<16xf32>,
        %mul3A_515 = arith.mulf %broadcast_in_dim3A_172, %get3A_514 : vector<16xf32>
        %add3A_516 = arith.addf %add3A_508, %mul3A_515 : vector<16xf32>
        %mul3A_517 = arith.constant 16 : i32
        %mul3A_518 = arith.muli %scan3A_412, %mul3A_517 : i32
        %get3A_519 = arith.constant 13 : i32
        %get3A_520 = arith.index_cast %get3A_519 : i32 to index
        %get3A_521 = arith.index_cast %mul3A_518 : i32 to index
        %get3A_522 = tpu.vector_load %arg13[%get3A_520, %get3A_521] {strides = array<i32>} : memref<32x768xf32, #tpu.memory_space<vmem>>, vector<16xf32>,
        %mul3A_523 = arith.mulf %broadcast_in_dim3A_175, %get3A_522 : vector<16xf32>
        %add3A_524 = arith.addf %add3A_516, %mul3A_523 : vector<16xf32>
        %mul3A_525 = arith.constant 16 : i32
        %mul3A_526 = arith.muli %scan3A_412, %mul3A_525 : i32
        %get3A_527 = arith.constant 14 : i32
        %get3A_528 = arith.index_cast %get3A_527 : i32 to index
        %get3A_529 = arith.index_cast %mul3A_526 : i32 to index
        %get3A_530 = tpu.vector_load %arg13[%get3A_528, %get3A_529] {strides = array<i32>} : memref<32x768xf32, #tpu.memory_space<vmem>>, vector<16xf32>,
        %mul3A_531 = arith.mulf %broadcast_in_dim3A_178, %get3A_530 : vector<16xf32>
        %add3A_532 = arith.addf %add3A_524, %mul3A_531 : vector<16xf32>
        %mul3A_533 = arith.constant 16 : i32
        %mul3A_534 = arith.muli %scan3A_412, %mul3A_533 : i32
        %get3A_535 = arith.constant 15 : i32
        %get3A_536 = arith.index_cast %get3A_535 : i32 to index
        %get3A_537 = arith.index_cast %mul3A_534 : i32 to index
        %get3A_538 = tpu.vector_load %arg13[%get3A_536, %get3A_537] {strides = array<i32>} : memref<32x768xf32, #tpu.memory_space<vmem>>, vector<16xf32>,
        %mul3A_539 = arith.mulf %broadcast_in_dim3A_181, %get3A_538 : vector<16xf32>
        %add3A_540 = arith.addf %add3A_532, %mul3A_539 : vector<16xf32>
        %mul3A_541 = arith.constant 16 : i32
        %mul3A_542 = arith.muli %scan3A_412, %mul3A_541 : i32
        %get3A_543 = arith.constant 16 : i32
        %get3A_544 = arith.index_cast %get3A_543 : i32 to index
        %get3A_545 = arith.index_cast %mul3A_542 : i32 to index
        %get3A_546 = tpu.vector_load %arg13[%get3A_544, %get3A_545] {strides = array<i32>} : memref<32x768xf32, #tpu.memory_space<vmem>>, vector<16xf32>,
        %mul3A_547 = arith.mulf %broadcast_in_dim3A_184, %get3A_546 : vector<16xf32>
        %add3A_548 = arith.addf %add3A_540, %mul3A_547 : vector<16xf32>
        %mul3A_549 = arith.constant 16 : i32
        %mul3A_550 = arith.muli %scan3A_412, %mul3A_549 : i32
        %get3A_551 = arith.constant 17 : i32
        %get3A_552 = arith.index_cast %get3A_551 : i32 to index
        %get3A_553 = arith.index_cast %mul3A_550 : i32 to index
        %get3A_554 = tpu.vector_load %arg13[%get3A_552, %get3A_553] {strides = array<i32>} : memref<32x768xf32, #tpu.memory_space<vmem>>, vector<16xf32>,
        %mul3A_555 = arith.mulf %broadcast_in_dim3A_187, %get3A_554 : vector<16xf32>
        %add3A_556 = arith.addf %add3A_548, %mul3A_555 : vector<16xf32>
        %mul3A_557 = arith.constant 16 : i32
        %mul3A_558 = arith.muli %scan3A_412, %mul3A_557 : i32
        %get3A_559 = arith.constant 18 : i32
        %get3A_560 = arith.index_cast %get3A_559 : i32 to index
        %get3A_561 = arith.index_cast %mul3A_558 : i32 to index
        %get3A_562 = tpu.vector_load %arg13[%get3A_560, %get3A_561] {strides = array<i32>} : memref<32x768xf32, #tpu.memory_space<vmem>>, vector<16xf32>,
        %mul3A_563 = arith.mulf %broadcast_in_dim3A_190, %get3A_562 : vector<16xf32>
        %add3A_564 = arith.addf %add3A_556, %mul3A_563 : vector<16xf32>
        %mul3A_565 = arith.constant 16 : i32
        %mul3A_566 = arith.muli %scan3A_412, %mul3A_565 : i32
        %get3A_567 = arith.constant 19 : i32
        %get3A_568 = arith.index_cast %get3A_567 : i32 to index
        %get3A_569 = arith.index_cast %mul3A_566 : i32 to index
        %get3A_570 = tpu.vector_load %arg13[%get3A_568, %get3A_569] {strides = array<i32>} : memref<32x768xf32, #tpu.memory_space<vmem>>, vector<16xf32>,
        %mul3A_571 = arith.mulf %broadcast_in_dim3A_193, %get3A_570 : vector<16xf32>
        %add3A_572 = arith.addf %add3A_564, %mul3A_571 : vector<16xf32>
        %mul3A_573 = arith.constant 16 : i32
        %mul3A_574 = arith.muli %scan3A_412, %mul3A_573 : i32
        %get3A_575 = arith.constant 20 : i32
        %get3A_576 = arith.index_cast %get3A_575 : i32 to index
        %get3A_577 = arith.index_cast %mul3A_574 : i32 to index
        %get3A_578 = tpu.vector_load %arg13[%get3A_576, %get3A_577] {strides = array<i32>} : memref<32x768xf32, #tpu.memory_space<vmem>>, vector<16xf32>,
        %mul3A_579 = arith.mulf %broadcast_in_dim3A_196, %get3A_578 : vector<16xf32>
        %add3A_580 = arith.addf %add3A_572, %mul3A_579 : vector<16xf32>
        %mul3A_581 = arith.constant 16 : i32
        %mul3A_582 = arith.muli %scan3A_412, %mul3A_581 : i32
        %get3A_583 = arith.constant 21 : i32
        %get3A_584 = arith.index_cast %get3A_583 : i32 to index
        %get3A_585 = arith.index_cast %mul3A_582 : i32 to index
        %get3A_586 = tpu.vector_load %arg13[%get3A_584, %get3A_585] {strides = array<i32>} : memref<32x768xf32, #tpu.memory_space<vmem>>, vector<16xf32>,
        %mul3A_587 = arith.mulf %broadcast_in_dim3A_199, %get3A_586 : vector<16xf32>
        %add3A_588 = arith.addf %add3A_580, %mul3A_587 : vector<16xf32>
        %mul3A_589 = arith.constant 16 : i32
        %mul3A_590 = arith.muli %scan3A_412, %mul3A_589 : i32
        %get3A_591 = arith.constant 22 : i32
        %get3A_592 = arith.index_cast %get3A_591 : i32 to index
        %get3A_593 = arith.index_cast %mul3A_590 : i32 to index
        %get3A_594 = tpu.vector_load %arg13[%get3A_592, %get3A_593] {strides = array<i32>} : memref<32x768xf32, #tpu.memory_space<vmem>>, vector<16xf32>,
        %mul3A_595 = arith.mulf %broadcast_in_dim3A_202, %get3A_594 : vector<16xf32>
        %add3A_596 = arith.addf %add3A_588, %mul3A_595 : vector<16xf32>
        %mul3A_597 = arith.constant 16 : i32
        %mul3A_598 = arith.muli %scan3A_412, %mul3A_597 : i32
        %get3A_599 = arith.constant 23 : i32
        %get3A_600 = arith.index_cast %get3A_599 : i32 to index
        %get3A_601 = arith.index_cast %mul3A_598 : i32 to index
        %get3A_602 = tpu.vector_load %arg13[%get3A_600, %get3A_601] {strides = array<i32>} : memref<32x768xf32, #tpu.memory_space<vmem>>, vector<16xf32>,
        %mul3A_603 = arith.mulf %broadcast_in_dim3A_205, %get3A_602 : vector<16xf32>
        %add3A_604 = arith.addf %add3A_596, %mul3A_603 : vector<16xf32>
        %mul3A_605 = arith.constant 16 : i32
        %mul3A_606 = arith.muli %scan3A_412, %mul3A_605 : i32
        %get3A_607 = arith.constant 24 : i32
        %get3A_608 = arith.index_cast %get3A_607 : i32 to index
        %get3A_609 = arith.index_cast %mul3A_606 : i32 to index
        %get3A_610 = tpu.vector_load %arg13[%get3A_608, %get3A_609] {strides = array<i32>} : memref<32x768xf32, #tpu.memory_space<vmem>>, vector<16xf32>,
        %mul3A_611 = arith.mulf %broadcast_in_dim3A_208, %get3A_610 : vector<16xf32>
        %add3A_612 = arith.addf %add3A_604, %mul3A_611 : vector<16xf32>
        %mul3A_613 = arith.constant 16 : i32
        %mul3A_614 = arith.muli %scan3A_412, %mul3A_613 : i32
        %get3A_615 = arith.constant 25 : i32
        %get3A_616 = arith.index_cast %get3A_615 : i32 to index
        %get3A_617 = arith.index_cast %mul3A_614 : i32 to index
        %get3A_618 = tpu.vector_load %arg13[%get3A_616, %get3A_617] {strides = array<i32>} : memref<32x768xf32, #tpu.memory_space<vmem>>, vector<16xf32>,
        %mul3A_619 = arith.mulf %broadcast_in_dim3A_211, %get3A_618 : vector<16xf32>
        %add3A_620 = arith.addf %add3A_612, %mul3A_619 : vector<16xf32>
        %mul3A_621 = arith.constant 16 : i32
        %mul3A_622 = arith.muli %scan3A_412, %mul3A_621 : i32
        %get3A_623 = arith.constant 26 : i32
        %get3A_624 = arith.index_cast %get3A_623 : i32 to index
        %get3A_625 = arith.index_cast %mul3A_622 : i32 to index
        %get3A_626 = tpu.vector_load %arg13[%get3A_624, %get3A_625] {strides = array<i32>} : memref<32x768xf32, #tpu.memory_space<vmem>>, vector<16xf32>,
        %mul3A_627 = arith.mulf %broadcast_in_dim3A_214, %get3A_626 : vector<16xf32>
        %add3A_628 = arith.addf %add3A_620, %mul3A_627 : vector<16xf32>
        %mul3A_629 = arith.constant 16 : i32
        %mul3A_630 = arith.muli %scan3A_412, %mul3A_629 : i32
        %get3A_631 = arith.constant 27 : i32
        %get3A_632 = arith.index_cast %get3A_631 : i32 to index
        %get3A_633 = arith.index_cast %mul3A_630 : i32 to index
        %get3A_634 = tpu.vector_load %arg13[%get3A_632, %get3A_633] {strides = array<i32>} : memref<32x768xf32, #tpu.memory_space<vmem>>, vector<16xf32>,
        %mul3A_635 = arith.mulf %broadcast_in_dim3A_217, %get3A_634 : vector<16xf32>
        %add3A_636 = arith.addf %add3A_628, %mul3A_635 : vector<16xf32>
        %mul3A_637 = arith.constant 16 : i32
        %mul3A_638 = arith.muli %scan3A_412, %mul3A_637 : i32
        %get3A_639 = arith.constant 28 : i32
        %get3A_640 = arith.index_cast %get3A_639 : i32 to index
        %get3A_641 = arith.index_cast %mul3A_638 : i32 to index
        %get3A_642 = tpu.vector_load %arg13[%get3A_640, %get3A_641] {strides = array<i32>} : memref<32x768xf32, #tpu.memory_space<vmem>>, vector<16xf32>,
        %mul3A_643 = arith.mulf %broadcast_in_dim3A_220, %get3A_642 : vector<16xf32>
        %add3A_644 = arith.addf %add3A_636, %mul3A_643 : vector<16xf32>
        %mul3A_645 = arith.constant 16 : i32
        %mul3A_646 = arith.muli %scan3A_412, %mul3A_645 : i32
        %get3A_647 = arith.constant 29 : i32
        %get3A_648 = arith.index_cast %get3A_647 : i32 to index
        %get3A_649 = arith.index_cast %mul3A_646 : i32 to index
        %get3A_650 = tpu.vector_load %arg13[%get3A_648, %get3A_649] {strides = array<i32>} : memref<32x768xf32, #tpu.memory_space<vmem>>, vector<16xf32>,
        %mul3A_651 = arith.mulf %broadcast_in_dim3A_223, %get3A_650 : vector<16xf32>
        %add3A_652 = arith.addf %add3A_644, %mul3A_651 : vector<16xf32>
        %mul3A_653 = arith.constant 16 : i32
        %mul3A_654 = arith.muli %scan3A_412, %mul3A_653 : i32
        %get3A_655 = arith.constant 30 : i32
        %get3A_656 = arith.index_cast %get3A_655 : i32 to index
        %get3A_657 = arith.index_cast %mul3A_654 : i32 to index
        %get3A_658 = tpu.vector_load %arg13[%get3A_656, %get3A_657] {strides = array<i32>} : memref<32x768xf32, #tpu.memory_space<vmem>>, vector<16xf32>,
        %mul3A_659 = arith.mulf %broadcast_in_dim3A_226, %get3A_658 : vector<16xf32>
        %add3A_660 = arith.addf %add3A_652, %mul3A_659 : vector<16xf32>
        %mul3A_661 = arith.constant 16 : i32
        %mul3A_662 = arith.muli %scan3A_412, %mul3A_661 : i32
        %get3A_663 = arith.constant 31 : i32
        %get3A_664 = arith.index_cast %get3A_663 : i32 to index
        %get3A_665 = arith.index_cast %mul3A_662 : i32 to index
        %get3A_666 = tpu.vector_load %arg13[%get3A_664, %get3A_665] {strides = array<i32>} : memref<32x768xf32, #tpu.memory_space<vmem>>, vector<16xf32>,
        %mul3A_667 = arith.mulf %broadcast_in_dim3A_229, %get3A_666 : vector<16xf32>
        %add3A_668 = arith.addf %add3A_660, %mul3A_667 : vector<16xf32>
        %mul3A_669 = arith.constant 16 : i32
        %mul3A_670 = arith.muli %scan3A_412, %mul3A_669 : i32
        %swap3A_671 = arith.index_cast %mul3A_670 : i32 to index
        %swap3A_672 = tpu.vector_load %arg17[%swap3A_671] {strides = array<i32>} : memref<768xf32, #tpu.memory_space<vmem>>, vector<16xf32>,
        tpu.vector_store %arg17[%swap3A_671], %add3A_668 {strides = array<i32>} : memref<768xf32, #tpu.memory_space<vmem>>, vector<16xf32>,
        %mul3A_673 = arith.constant 16 : i32
        %mul3A_674 = arith.muli %scan3A_412, %mul3A_673 : i32
        %get3A_675 = arith.index_cast %mul3A_674 : i32 to index
        %get3A_676 = tpu.vector_load %arg15[%get3A_675] {strides = array<i32>} : memref<768xf32, #tpu.memory_space<vmem>>, vector<16xf32>,
        %sub3A_677 = arith.subf %add3A_668, %get3A_676 : vector<16xf32>
        %mul3A_678 = arith.mulf %sub3A_677, %sub3A_677 : vector<16xf32>
        %add3A_679 = arith.addf %scan3A_413, %mul3A_678 : vector<16xf32>
        scf.yield %add3A_679 : vector<16xf32>
      }
      %scan3A_235 = arith.constant 48 : i32
      %add3A_236 = arith.addi %mul3A_2, %mul3A_83 : i32
      %dma_start3A_237 = arith.constant 0 : i32
      %dma_start3A_238 = tpu.memref_slice %arg7[%add3A_236, %dma_start3A_237] : memref<2048x768xf32, #tpu.memory_space<hbm>> -> memref<1x768xf32, #tpu.memory_space<hbm>>
      %dma_start3A_239 = tpu.memref_squeeze %dma_start3A_238 : memref<1x768xf32, #tpu.memory_space<hbm>> -> memref<768xf32, #tpu.memory_space<hbm>>
      %dma_start3A_240 = arith.constant 0 : i32
      %dma_start3A_241 = tpu.memref_slice %arg7[%add3A_236, %dma_start3A_240] : memref<2048x768xf32, #tpu.memory_space<hbm>> -> memref<1x768xf32, #tpu.memory_space<hbm>>
      %dma_start3A_242 = tpu.memref_squeeze %dma_start3A_241 : memref<1x768xf32, #tpu.memory_space<hbm>> -> memref<768xf32, #tpu.memory_space<hbm>>
      tpu.enqueue_dma source(%arg17 : memref<768xf32, #tpu.memory_space<vmem>>) target(%dma_start3A_242 : memref<768xf32, #tpu.memory_space<hbm>>) target_semaphore(%arg26 : memref<!tpu.dma_semaphore, #tpu.memory_space<semaphore_mem>>)
      %mul3A_243 = arith.constant 2 : i32
      %mul3A_244 = arith.muli %mul3A_243, %scan3A_80 : i32
      %add3A_245 = arith.constant 1 : i32
      %add3A_246 = arith.addi %mul3A_244, %add3A_245 : i32
      %get3A_247 = arith.index_cast %add3A_246 : i32 to index
      %get3A_248 = arith.constant 0 : index
      %get3A_249 = tpu.vector_load %arg10[%get3A_247, %get3A_248] {strides = array<i32>} : memref<64x32xi32, #tpu.memory_space<vmem>>, vector<16xi32>,
      %get3A_250 = arith.index_cast %add3A_246 : i32 to index
      %get3A_251 = arith.constant 16 : index
      %get3A_252 = tpu.vector_load %arg10[%get3A_250, %get3A_251] {strides = array<i32>} : memref<64x32xi32, #tpu.memory_space<vmem>>, vector<16xi32>,
      %dma_wait3A_253 = arith.constant 0 : i32
      %dma_wait3A_254 = arith.constant 0 : i32
      %dma_wait3A_255 = tpu.memref_slice %arg14[%dma_wait3A_253, %dma_wait3A_254] : memref<32x768xf32, #tpu.memory_space<vmem>> -> memref<16x768xf32, #tpu.memory_space<vmem>>
      %dma_wait3A_256 = arith.constant 0 : i32
      %dma_wait3A_257 = arith.constant 0 : i32
      %dma_wait3A_258 = tpu.memref_slice %arg2[%dma_wait3A_256, %dma_wait3A_257] : memref<16384x768xf32, #tpu.memory_space<hbm>> -> memref<16384x768xf32, #tpu.memory_space<hbm>>
      tpu.wait_indirect_dma semaphore(%arg21 : memref<!tpu.dma_semaphore, #tpu.memory_space<semaphore_mem>>) src(%dma_wait3A_258 : memref<16384x768xf32, #tpu.memory_space<hbm>>) dst(%dma_wait3A_255 : memref<16x768xf32, #tpu.memory_space<vmem>>)
      %dma_wait3A_259 = arith.constant 16 : i32
      %dma_wait3A_260 = arith.constant 0 : i32
      %dma_wait3A_261 = tpu.memref_slice %arg14[%dma_wait3A_259, %dma_wait3A_260] : memref<32x768xf32, #tpu.memory_space<vmem>> -> memref<16x768xf32, #tpu.memory_space<vmem>>
      %dma_wait3A_262 = arith.constant 0 : i32
      %dma_wait3A_263 = arith.constant 0 : i32
      %dma_wait3A_264 = tpu.memref_slice %arg2[%dma_wait3A_262, %dma_wait3A_263] : memref<16384x768xf32, #tpu.memory_space<hbm>> -> memref<16384x768xf32, #tpu.memory_space<hbm>>
      tpu.wait_indirect_dma semaphore(%arg21 : memref<!tpu.dma_semaphore, #tpu.memory_space<semaphore_mem>>) src(%dma_wait3A_264 : memref<16384x768xf32, #tpu.memory_space<hbm>>) dst(%dma_wait3A_261 : memref<16x768xf32, #tpu.memory_space<vmem>>)
      %add3A_265 = arith.addi %mul3A_2, %add3A_246 : i32
      %dma_wait3A_266 = arith.constant 0 : i32
      %dma_wait3A_267 = tpu.memref_slice %arg3[%add3A_265, %dma_wait3A_266] : memref<2048x768xf32, #tpu.memory_space<hbm>> -> memref<1x768xf32, #tpu.memory_space<hbm>>
      %dma_wait3A_268 = tpu.memref_squeeze %dma_wait3A_267 : memref<1x768xf32, #tpu.memory_space<hbm>> -> memref<768xf32, #tpu.memory_space<hbm>>
      %dma_wait3A_269 = arith.constant 0 : i32
      %dma_wait3A_270 = tpu.memref_slice %arg3[%add3A_265, %dma_wait3A_269] : memref<2048x768xf32, #tpu.memory_space<hbm>> -> memref<1x768xf32, #tpu.memory_space<hbm>>
      %dma_wait3A_271 = tpu.memref_squeeze %dma_wait3A_270 : memref<1x768xf32, #tpu.memory_space<hbm>> -> memref<768xf32, #tpu.memory_space<hbm>>
      tpu.wait_dma2 semaphore(%arg23 : memref<!tpu.dma_semaphore, #tpu.memory_space<semaphore_mem>>) src(%dma_wait3A_271 : memref<768xf32, #tpu.memory_space<hbm>>) dst(%arg16 : memref<768xf32, #tpu.memory_space<vmem>>)
      %add3A_272 = arith.constant 1 : i32
      %add3A_273 = arith.addi %add3A_246, %add3A_272 : i32
      %lt3A_274 = arith.constant 64 : i32
      %lt3A_275 = arith.cmpi slt, %add3A_273, %lt3A_274 : i32
      %convert_element_type3A_276 = arith.extui %lt3A_275 : i1 to i32
      %cond3A_277 = arith.constant 0 : i32
      %cond3A_278 = arith.cmpi ne, %convert_element_type3A_276, %cond3A_277 : i32
      scf.if %cond3A_278 {
        %add3A_412 = arith.constant 1 : i32
        %add3A_413 = arith.addi %add3A_246, %add3A_412 : i32
        %get3A_414 = arith.index_cast %add3A_413 : i32 to index
        %get3A_415 = arith.constant 0 : index
        %get3A_416 = tpu.vector_load %arg10[%get3A_414, %get3A_415] {strides = array<i32>} : memref<64x32xi32, #tpu.memory_space<vmem>>, vector<16xi32>,
        %get3A_417 = arith.index_cast %add3A_413 : i32 to index
        %get3A_418 = arith.constant 16 : index
        %get3A_419 = tpu.vector_load %arg10[%get3A_417, %get3A_418] {strides = array<i32>} : memref<64x32xi32, #tpu.memory_space<vmem>>, vector<16xi32>,
        %dma_start3A_420 = arith.constant 0 : i32
        %dma_start3A_421 = arith.constant 0 : i32
        %dma_start3A_422 = tpu.memref_slice %arg13[%dma_start3A_420, %dma_start3A_421] : memref<32x768xf32, #tpu.memory_space<vmem>> -> memref<16x768xf32, #tpu.memory_space<vmem>>
        %dma_start3A_423 = arith.constant 0 : i32
        %dma_start3A_424 = arith.constant 0 : i32
        %dma_start3A_425 = tpu.memref_slice %arg2[%dma_start3A_423, %dma_start3A_424] : memref<16384x768xf32, #tpu.memory_space<hbm>> -> memref<16384x768xf32, #tpu.memory_space<hbm>>
        tpu.enqueue_indirect_dma source(%dma_start3A_425 : memref<16384x768xf32, #tpu.memory_space<hbm>>) target(%dma_start3A_422 : memref<16x768xf32, #tpu.memory_space<vmem>>) offsets(%get3A_416 : vector<16xi32>) semaphore(%arg20 : memref<!tpu.dma_semaphore, #tpu.memory_space<semaphore_mem>>)
        %dma_start3A_426 = arith.constant 16 : i32
        %dma_start3A_427 = arith.constant 0 : i32
        %dma_start3A_428 = tpu.memref_slice %arg13[%dma_start3A_426, %dma_start3A_427] : memref<32x768xf32, #tpu.memory_space<vmem>> -> memref<16x768xf32, #tpu.memory_space<vmem>>
        %dma_start3A_429 = arith.constant 0 : i32
        %dma_start3A_430 = arith.constant 0 : i32
        %dma_start3A_431 = tpu.memref_slice %arg2[%dma_start3A_429, %dma_start3A_430] : memref<16384x768xf32, #tpu.memory_space<hbm>> -> memref<16384x768xf32, #tpu.memory_space<hbm>>
        tpu.enqueue_indirect_dma source(%dma_start3A_431 : memref<16384x768xf32, #tpu.memory_space<hbm>>) target(%dma_start3A_428 : memref<16x768xf32, #tpu.memory_space<vmem>>) offsets(%get3A_419 : vector<16xi32>) semaphore(%arg20 : memref<!tpu.dma_semaphore, #tpu.memory_space<semaphore_mem>>)
        %add3A_432 = arith.addi %mul3A_2, %add3A_413 : i32
        %dma_start3A_433 = arith.constant 0 : i32
        %dma_start3A_434 = tpu.memref_slice %arg3[%add3A_432, %dma_start3A_433] : memref<2048x768xf32, #tpu.memory_space<hbm>> -> memref<1x768xf32, #tpu.memory_space<hbm>>
        %dma_start3A_435 = tpu.memref_squeeze %dma_start3A_434 : memref<1x768xf32, #tpu.memory_space<hbm>> -> memref<768xf32, #tpu.memory_space<hbm>>
        %dma_start3A_436 = arith.constant 0 : i32
        %dma_start3A_437 = tpu.memref_slice %arg3[%add3A_432, %dma_start3A_436] : memref<2048x768xf32, #tpu.memory_space<hbm>> -> memref<1x768xf32, #tpu.memory_space<hbm>>
        %dma_start3A_438 = tpu.memref_squeeze %dma_start3A_437 : memref<1x768xf32, #tpu.memory_space<hbm>> -> memref<768xf32, #tpu.memory_space<hbm>>
        tpu.enqueue_dma source(%dma_start3A_438 : memref<768xf32, #tpu.memory_space<hbm>>) target(%arg15 : memref<768xf32, #tpu.memory_space<vmem>>) target_semaphore(%arg22 : memref<!tpu.dma_semaphore, #tpu.memory_space<semaphore_mem>>)
      } else {
      }
      %ge3A_279 = arith.constant 2 : i32
      %ge3A_280 = arith.cmpi sge, %add3A_246, %ge3A_279 : i32
      %convert_element_type3A_281 = arith.extui %ge3A_280 : i1 to i32
      %cond3A_282 = arith.constant 0 : i32
      %cond3A_283 = arith.cmpi ne, %convert_element_type3A_281, %cond3A_282 : i32
      scf.if %cond3A_283 {
        %add3A_412 = arith.addi %mul3A_2, %add3A_246 : i32
        %sub3A_413 = arith.constant 2 : i32
        %sub3A_414 = arith.subi %add3A_412, %sub3A_413 : i32
        %dma_wait3A_415 = arith.constant 0 : i32
        %dma_wait3A_416 = tpu.memref_slice %arg6[%sub3A_414, %dma_wait3A_415] : memref<2048x16384xf32, #tpu.memory_space<hbm>> -> memref<1x16384xf32, #tpu.memory_space<hbm>>
        %dma_wait3A_417 = tpu.memref_squeeze %dma_wait3A_416 : memref<1x16384xf32, #tpu.memory_space<hbm>> -> memref<16384xf32, #tpu.memory_space<hbm>>
        %dma_wait3A_418 = arith.constant 0 : i32
        %dma_wait3A_419 = tpu.memref_slice %arg6[%sub3A_414, %dma_wait3A_418] : memref<2048x16384xf32, #tpu.memory_space<hbm>> -> memref<1x16384xf32, #tpu.memory_space<hbm>>
        %dma_wait3A_420 = tpu.memref_squeeze %dma_wait3A_419 : memref<1x16384xf32, #tpu.memory_space<hbm>> -> memref<16384xf32, #tpu.memory_space<hbm>>
        tpu.wait_dma2 semaphore(%arg25 : memref<!tpu.dma_semaphore, #tpu.memory_space<semaphore_mem>>) src(%arg12 : memref<16384xf32, #tpu.memory_space<vmem>>) dst(%dma_wait3A_420 : memref<16384xf32, #tpu.memory_space<hbm>>)
        %add3A_421 = arith.addi %mul3A_2, %add3A_246 : i32
        %sub3A_422 = arith.constant 2 : i32
        %sub3A_423 = arith.subi %add3A_421, %sub3A_422 : i32
        %dma_wait3A_424 = arith.constant 0 : i32
        %dma_wait3A_425 = tpu.memref_slice %arg7[%sub3A_423, %dma_wait3A_424] : memref<2048x768xf32, #tpu.memory_space<hbm>> -> memref<1x768xf32, #tpu.memory_space<hbm>>
        %dma_wait3A_426 = tpu.memref_squeeze %dma_wait3A_425 : memref<1x768xf32, #tpu.memory_space<hbm>> -> memref<768xf32, #tpu.memory_space<hbm>>
        %dma_wait3A_427 = arith.constant 0 : i32
        %dma_wait3A_428 = tpu.memref_slice %arg7[%sub3A_423, %dma_wait3A_427] : memref<2048x768xf32, #tpu.memory_space<hbm>> -> memref<1x768xf32, #tpu.memory_space<hbm>>
        %dma_wait3A_429 = tpu.memref_squeeze %dma_wait3A_428 : memref<1x768xf32, #tpu.memory_space<hbm>> -> memref<768xf32, #tpu.memory_space<hbm>>
        tpu.wait_dma2 semaphore(%arg27 : memref<!tpu.dma_semaphore, #tpu.memory_space<semaphore_mem>>) src(%arg18 : memref<768xf32, #tpu.memory_space<vmem>>) dst(%dma_wait3A_429 : memref<768xf32, #tpu.memory_space<hbm>>)
        %sub3A_430 = arith.constant 2 : i32
        %sub3A_431 = arith.subi %add3A_246, %sub3A_430 : i32
        %get3A_432 = arith.index_cast %sub3A_431 : i32 to index
        %get3A_433 = arith.constant 0 : index
        %get3A_434 = tpu.vector_load %arg10[%get3A_432, %get3A_433] {strides = array<i32>} : memref<64x32xi32, #tpu.memory_space<vmem>>, vector<16xi32>,
        %get3A_435 = arith.index_cast %sub3A_431 : i32 to index
        %get3A_436 = arith.constant 16 : index
        %get3A_437 = tpu.vector_load %arg10[%get3A_435, %get3A_436] {strides = array<i32>} : memref<64x32xi32, #tpu.memory_space<vmem>>, vector<16xi32>,
        tpu.vector_store_idx %arg12[%get3A_434], %broadcast_in_dim3A_3 : memref<16384xf32, #tpu.memory_space<vmem>>[vector<16xi32>], vector<16xf32>,
        tpu.vector_store_idx %arg12[%get3A_437], %broadcast_in_dim3A_3 : memref<16384xf32, #tpu.memory_space<vmem>>[vector<16xi32>], vector<16xf32>,
      } else {
      }
      %get3A_284 = arith.index_cast %add3A_246 : i32 to index
      %get3A_285 = arith.constant 0 : index
      %get3A_286 = tpu.vector_load %arg10[%get3A_284, %get3A_285] {strides = array<i32>} : memref<64x32xi32, #tpu.memory_space<vmem>>, vector<16xi32>,
      %get3A_287 = arith.index_cast %add3A_246 : i32 to index
      %get3A_288 = arith.constant 16 : index
      %get3A_289 = tpu.vector_load %arg10[%get3A_287, %get3A_288] {strides = array<i32>} : memref<64x32xi32, #tpu.memory_space<vmem>>, vector<16xi32>,
      %get3A_290 = arith.index_cast %add3A_246 : i32 to index
      %get3A_291 = arith.constant 0 : index
      %get3A_292 = tpu.vector_load %arg9[%get3A_290, %get3A_291] {strides = array<i32>} : memref<64x32xf32, #tpu.memory_space<vmem>>, vector<16xf32>,
      %get3A_293 = arith.index_cast %add3A_246 : i32 to index
      %get3A_294 = arith.constant 16 : index
      %get3A_295 = tpu.vector_load %arg9[%get3A_293, %get3A_294] {strides = array<i32>} : memref<64x32xf32, #tpu.memory_space<vmem>>, vector<16xf32>,
      tpu.vector_store_idx %arg12[%get3A_286], %get3A_292 : memref<16384xf32, #tpu.memory_space<vmem>>[vector<16xi32>], vector<16xf32>,
      tpu.vector_store_idx %arg12[%get3A_289], %get3A_295 : memref<16384xf32, #tpu.memory_space<vmem>>[vector<16xi32>], vector<16xf32>,
      %add3A_296 = arith.addi %mul3A_2, %add3A_246 : i32
      %dma_start3A_297 = arith.constant 0 : i32
      %dma_start3A_298 = tpu.memref_slice %arg6[%add3A_296, %dma_start3A_297] : memref<2048x16384xf32, #tpu.memory_space<hbm>> -> memref<1x16384xf32, #tpu.memory_space<hbm>>
      %dma_start3A_299 = tpu.memref_squeeze %dma_start3A_298 : memref<1x16384xf32, #tpu.memory_space<hbm>> -> memref<16384xf32, #tpu.memory_space<hbm>>
      %dma_start3A_300 = arith.constant 0 : i32
      %dma_start3A_301 = tpu.memref_slice %arg6[%add3A_296, %dma_start3A_300] : memref<2048x16384xf32, #tpu.memory_space<hbm>> -> memref<1x16384xf32, #tpu.memory_space<hbm>>
      %dma_start3A_302 = tpu.memref_squeeze %dma_start3A_301 : memref<1x16384xf32, #tpu.memory_space<hbm>> -> memref<16384xf32, #tpu.memory_space<hbm>>
      tpu.enqueue_dma source(%arg12 : memref<16384xf32, #tpu.memory_space<vmem>>) target(%dma_start3A_302 : memref<16384xf32, #tpu.memory_space<hbm>>) target_semaphore(%arg25 : memref<!tpu.dma_semaphore, #tpu.memory_space<semaphore_mem>>)
      %slice3A_303 = vector.extract_strided_slice %get3A_292 {offsets = [0], sizes = [1], strides = [1]} : vector<16xf32> to vector<1xf32>
      %squeeze3A_304 = vector.extract %slice3A_303[0] : f32 from vector<1xf32>
      %broadcast_in_dim3A_305 = vector.broadcast %squeeze3A_304 : f32 to vector<16xf32>
      %slice3A_306 = vector.extract_strided_slice %get3A_292 {offsets = [1], sizes = [1], strides = [1]} : vector<16xf32> to vector<1xf32>
      %squeeze3A_307 = vector.extract %slice3A_306[0] : f32 from vector<1xf32>
      %broadcast_in_dim3A_308 = vector.broadcast %squeeze3A_307 : f32 to vector<16xf32>
      %slice3A_309 = vector.extract_strided_slice %get3A_292 {offsets = [2], sizes = [1], strides = [1]} : vector<16xf32> to vector<1xf32>
      %squeeze3A_310 = vector.extract %slice3A_309[0] : f32 from vector<1xf32>
      %broadcast_in_dim3A_311 = vector.broadcast %squeeze3A_310 : f32 to vector<16xf32>
      %slice3A_312 = vector.extract_strided_slice %get3A_292 {offsets = [3], sizes = [1], strides = [1]} : vector<16xf32> to vector<1xf32>
      %squeeze3A_313 = vector.extract %slice3A_312[0] : f32 from vector<1xf32>
      %broadcast_in_dim3A_314 = vector.broadcast %squeeze3A_313 : f32 to vector<16xf32>
      %slice3A_315 = vector.extract_strided_slice %get3A_292 {offsets = [4], sizes = [1], strides = [1]} : vector<16xf32> to vector<1xf32>
      %squeeze3A_316 = vector.extract %slice3A_315[0] : f32 from vector<1xf32>
      %broadcast_in_dim3A_317 = vector.broadcast %squeeze3A_316 : f32 to vector<16xf32>
      %slice3A_318 = vector.extract_strided_slice %get3A_292 {offsets = [5], sizes = [1], strides = [1]} : vector<16xf32> to vector<1xf32>
      %squeeze3A_319 = vector.extract %slice3A_318[0] : f32 from vector<1xf32>
      %broadcast_in_dim3A_320 = vector.broadcast %squeeze3A_319 : f32 to vector<16xf32>
      %slice3A_321 = vector.extract_strided_slice %get3A_292 {offsets = [6], sizes = [1], strides = [1]} : vector<16xf32> to vector<1xf32>
      %squeeze3A_322 = vector.extract %slice3A_321[0] : f32 from vector<1xf32>
      %broadcast_in_dim3A_323 = vector.broadcast %squeeze3A_322 : f32 to vector<16xf32>
      %slice3A_324 = vector.extract_strided_slice %get3A_292 {offsets = [7], sizes = [1], strides = [1]} : vector<16xf32> to vector<1xf32>
      %squeeze3A_325 = vector.extract %slice3A_324[0] : f32 from vector<1xf32>
      %broadcast_in_dim3A_326 = vector.broadcast %squeeze3A_325 : f32 to vector<16xf32>
      %slice3A_327 = vector.extract_strided_slice %get3A_292 {offsets = [8], sizes = [1], strides = [1]} : vector<16xf32> to vector<1xf32>
      %squeeze3A_328 = vector.extract %slice3A_327[0] : f32 from vector<1xf32>
      %broadcast_in_dim3A_329 = vector.broadcast %squeeze3A_328 : f32 to vector<16xf32>
      %slice3A_330 = vector.extract_strided_slice %get3A_292 {offsets = [9], sizes = [1], strides = [1]} : vector<16xf32> to vector<1xf32>
      %squeeze3A_331 = vector.extract %slice3A_330[0] : f32 from vector<1xf32>
      %broadcast_in_dim3A_332 = vector.broadcast %squeeze3A_331 : f32 to vector<16xf32>
      %slice3A_333 = vector.extract_strided_slice %get3A_292 {offsets = [10], sizes = [1], strides = [1]} : vector<16xf32> to vector<1xf32>
      %squeeze3A_334 = vector.extract %slice3A_333[0] : f32 from vector<1xf32>
      %broadcast_in_dim3A_335 = vector.broadcast %squeeze3A_334 : f32 to vector<16xf32>
      %slice3A_336 = vector.extract_strided_slice %get3A_292 {offsets = [11], sizes = [1], strides = [1]} : vector<16xf32> to vector<1xf32>
      %squeeze3A_337 = vector.extract %slice3A_336[0] : f32 from vector<1xf32>
      %broadcast_in_dim3A_338 = vector.broadcast %squeeze3A_337 : f32 to vector<16xf32>
      %slice3A_339 = vector.extract_strided_slice %get3A_292 {offsets = [12], sizes = [1], strides = [1]} : vector<16xf32> to vector<1xf32>
      %squeeze3A_340 = vector.extract %slice3A_339[0] : f32 from vector<1xf32>
      %broadcast_in_dim3A_341 = vector.broadcast %squeeze3A_340 : f32 to vector<16xf32>
      %slice3A_342 = vector.extract_strided_slice %get3A_292 {offsets = [13], sizes = [1], strides = [1]} : vector<16xf32> to vector<1xf32>
      %squeeze3A_343 = vector.extract %slice3A_342[0] : f32 from vector<1xf32>
      %broadcast_in_dim3A_344 = vector.broadcast %squeeze3A_343 : f32 to vector<16xf32>
      %slice3A_345 = vector.extract_strided_slice %get3A_292 {offsets = [14], sizes = [1], strides = [1]} : vector<16xf32> to vector<1xf32>
      %squeeze3A_346 = vector.extract %slice3A_345[0] : f32 from vector<1xf32>
      %broadcast_in_dim3A_347 = vector.broadcast %squeeze3A_346 : f32 to vector<16xf32>
      %slice3A_348 = vector.extract_strided_slice %get3A_292 {offsets = [15], sizes = [1], strides = [1]} : vector<16xf32> to vector<1xf32>
      %squeeze3A_349 = vector.extract %slice3A_348[0] : f32 from vector<1xf32>
      %broadcast_in_dim3A_350 = vector.broadcast %squeeze3A_349 : f32 to vector<16xf32>
      %slice3A_351 = vector.extract_strided_slice %get3A_295 {offsets = [0], sizes = [1], strides = [1]} : vector<16xf32> to vector<1xf32>
      %squeeze3A_352 = vector.extract %slice3A_351[0] : f32 from vector<1xf32>
      %broadcast_in_dim3A_353 = vector.broadcast %squeeze3A_352 : f32 to vector<16xf32>
      %slice3A_354 = vector.extract_strided_slice %get3A_295 {offsets = [1], sizes = [1], strides = [1]} : vector<16xf32> to vector<1xf32>
      %squeeze3A_355 = vector.extract %slice3A_354[0] : f32 from vector<1xf32>
      %broadcast_in_dim3A_356 = vector.broadcast %squeeze3A_355 : f32 to vector<16xf32>
      %slice3A_357 = vector.extract_strided_slice %get3A_295 {offsets = [2], sizes = [1], strides = [1]} : vector<16xf32> to vector<1xf32>
      %squeeze3A_358 = vector.extract %slice3A_357[0] : f32 from vector<1xf32>
      %broadcast_in_dim3A_359 = vector.broadcast %squeeze3A_358 : f32 to vector<16xf32>
      %slice3A_360 = vector.extract_strided_slice %get3A_295 {offsets = [3], sizes = [1], strides = [1]} : vector<16xf32> to vector<1xf32>
      %squeeze3A_361 = vector.extract %slice3A_360[0] : f32 from vector<1xf32>
      %broadcast_in_dim3A_362 = vector.broadcast %squeeze3A_361 : f32 to vector<16xf32>
      %slice3A_363 = vector.extract_strided_slice %get3A_295 {offsets = [4], sizes = [1], strides = [1]} : vector<16xf32> to vector<1xf32>
      %squeeze3A_364 = vector.extract %slice3A_363[0] : f32 from vector<1xf32>
      %broadcast_in_dim3A_365 = vector.broadcast %squeeze3A_364 : f32 to vector<16xf32>
      %slice3A_366 = vector.extract_strided_slice %get3A_295 {offsets = [5], sizes = [1], strides = [1]} : vector<16xf32> to vector<1xf32>
      %squeeze3A_367 = vector.extract %slice3A_366[0] : f32 from vector<1xf32>
      %broadcast_in_dim3A_368 = vector.broadcast %squeeze3A_367 : f32 to vector<16xf32>
      %slice3A_369 = vector.extract_strided_slice %get3A_295 {offsets = [6], sizes = [1], strides = [1]} : vector<16xf32> to vector<1xf32>
      %squeeze3A_370 = vector.extract %slice3A_369[0] : f32 from vector<1xf32>
      %broadcast_in_dim3A_371 = vector.broadcast %squeeze3A_370 : f32 to vector<16xf32>
      %slice3A_372 = vector.extract_strided_slice %get3A_295 {offsets = [7], sizes = [1], strides = [1]} : vector<16xf32> to vector<1xf32>
      %squeeze3A_373 = vector.extract %slice3A_372[0] : f32 from vector<1xf32>
      %broadcast_in_dim3A_374 = vector.broadcast %squeeze3A_373 : f32 to vector<16xf32>
      %slice3A_375 = vector.extract_strided_slice %get3A_295 {offsets = [8], sizes = [1], strides = [1]} : vector<16xf32> to vector<1xf32>
      %squeeze3A_376 = vector.extract %slice3A_375[0] : f32 from vector<1xf32>
      %broadcast_in_dim3A_377 = vector.broadcast %squeeze3A_376 : f32 to vector<16xf32>
      %slice3A_378 = vector.extract_strided_slice %get3A_295 {offsets = [9], sizes = [1], strides = [1]} : vector<16xf32> to vector<1xf32>
      %squeeze3A_379 = vector.extract %slice3A_378[0] : f32 from vector<1xf32>
      %broadcast_in_dim3A_380 = vector.broadcast %squeeze3A_379 : f32 to vector<16xf32>
      %slice3A_381 = vector.extract_strided_slice %get3A_295 {offsets = [10], sizes = [1], strides = [1]} : vector<16xf32> to vector<1xf32>
      %squeeze3A_382 = vector.extract %slice3A_381[0] : f32 from vector<1xf32>
      %broadcast_in_dim3A_383 = vector.broadcast %squeeze3A_382 : f32 to vector<16xf32>
      %slice3A_384 = vector.extract_strided_slice %get3A_295 {offsets = [11], sizes = [1], strides = [1]} : vector<16xf32> to vector<1xf32>
      %squeeze3A_385 = vector.extract %slice3A_384[0] : f32 from vector<1xf32>
      %broadcast_in_dim3A_386 = vector.broadcast %squeeze3A_385 : f32 to vector<16xf32>
      %slice3A_387 = vector.extract_strided_slice %get3A_295 {offsets = [12], sizes = [1], strides = [1]} : vector<16xf32> to vector<1xf32>
      %squeeze3A_388 = vector.extract %slice3A_387[0] : f32 from vector<1xf32>
      %broadcast_in_dim3A_389 = vector.broadcast %squeeze3A_388 : f32 to vector<16xf32>
      %slice3A_390 = vector.extract_strided_slice %get3A_295 {offsets = [13], sizes = [1], strides = [1]} : vector<16xf32> to vector<1xf32>
      %squeeze3A_391 = vector.extract %slice3A_390[0] : f32 from vector<1xf32>
      %broadcast_in_dim3A_392 = vector.broadcast %squeeze3A_391 : f32 to vector<16xf32>
      %slice3A_393 = vector.extract_strided_slice %get3A_295 {offsets = [14], sizes = [1], strides = [1]} : vector<16xf32> to vector<1xf32>
      %squeeze3A_394 = vector.extract %slice3A_393[0] : f32 from vector<1xf32>
      %broadcast_in_dim3A_395 = vector.broadcast %squeeze3A_394 : f32 to vector<16xf32>
      %slice3A_396 = vector.extract_strided_slice %get3A_295 {offsets = [15], sizes = [1], strides = [1]} : vector<16xf32> to vector<1xf32>
      %squeeze3A_397 = vector.extract %slice3A_396[0] : f32 from vector<1xf32>
      %broadcast_in_dim3A_398 = vector.broadcast %squeeze3A_397 : f32 to vector<16xf32>
      %scan3A_399 = arith.constant 0 : i32
      %scan3A_400 = arith.constant 48 : i32
      %scan3A_401 = arith.addi %scan3A_399, %scan3A_400 : i32
      %scan3A_402 = arith.constant 1 : i32
      %scan3A_403 = scf.for %scan3A_412 = %scan3A_399 to %scan3A_401 step %scan3A_402 iter_args(%scan3A_413 = %scan3A_234) -> (vector<16xf32>)  : i32 {
        %mul3A_414 = arith.constant 16 : i32
        %mul3A_415 = arith.muli %scan3A_412, %mul3A_414 : i32
        %get3A_416 = arith.constant 0 : i32
        %get3A_417 = arith.index_cast %get3A_416 : i32 to index
        %get3A_418 = arith.index_cast %mul3A_415 : i32 to index
        %get3A_419 = tpu.vector_load %arg14[%get3A_417, %get3A_418] {strides = array<i32>} : memref<32x768xf32, #tpu.memory_space<vmem>>, vector<16xf32>,
        %mul3A_420 = arith.mulf %broadcast_in_dim3A_305, %get3A_419 : vector<16xf32>
        %mul3A_421 = arith.constant 16 : i32
        %mul3A_422 = arith.muli %scan3A_412, %mul3A_421 : i32
        %get3A_423 = arith.constant 1 : i32
        %get3A_424 = arith.index_cast %get3A_423 : i32 to index
        %get3A_425 = arith.index_cast %mul3A_422 : i32 to index
        %get3A_426 = tpu.vector_load %arg14[%get3A_424, %get3A_425] {strides = array<i32>} : memref<32x768xf32, #tpu.memory_space<vmem>>, vector<16xf32>,
        %mul3A_427 = arith.mulf %broadcast_in_dim3A_308, %get3A_426 : vector<16xf32>
        %add3A_428 = arith.addf %mul3A_420, %mul3A_427 : vector<16xf32>
        %mul3A_429 = arith.constant 16 : i32
        %mul3A_430 = arith.muli %scan3A_412, %mul3A_429 : i32
        %get3A_431 = arith.constant 2 : i32
        %get3A_432 = arith.index_cast %get3A_431 : i32 to index
        %get3A_433 = arith.index_cast %mul3A_430 : i32 to index
        %get3A_434 = tpu.vector_load %arg14[%get3A_432, %get3A_433] {strides = array<i32>} : memref<32x768xf32, #tpu.memory_space<vmem>>, vector<16xf32>,
        %mul3A_435 = arith.mulf %broadcast_in_dim3A_311, %get3A_434 : vector<16xf32>
        %add3A_436 = arith.addf %add3A_428, %mul3A_435 : vector<16xf32>
        %mul3A_437 = arith.constant 16 : i32
        %mul3A_438 = arith.muli %scan3A_412, %mul3A_437 : i32
        %get3A_439 = arith.constant 3 : i32
        %get3A_440 = arith.index_cast %get3A_439 : i32 to index
        %get3A_441 = arith.index_cast %mul3A_438 : i32 to index
        %get3A_442 = tpu.vector_load %arg14[%get3A_440, %get3A_441] {strides = array<i32>} : memref<32x768xf32, #tpu.memory_space<vmem>>, vector<16xf32>,
        %mul3A_443 = arith.mulf %broadcast_in_dim3A_314, %get3A_442 : vector<16xf32>
        %add3A_444 = arith.addf %add3A_436, %mul3A_443 : vector<16xf32>
        %mul3A_445 = arith.constant 16 : i32
        %mul3A_446 = arith.muli %scan3A_412, %mul3A_445 : i32
        %get3A_447 = arith.constant 4 : i32
        %get3A_448 = arith.index_cast %get3A_447 : i32 to index
        %get3A_449 = arith.index_cast %mul3A_446 : i32 to index
        %get3A_450 = tpu.vector_load %arg14[%get3A_448, %get3A_449] {strides = array<i32>} : memref<32x768xf32, #tpu.memory_space<vmem>>, vector<16xf32>,
        %mul3A_451 = arith.mulf %broadcast_in_dim3A_317, %get3A_450 : vector<16xf32>
        %add3A_452 = arith.addf %add3A_444, %mul3A_451 : vector<16xf32>
        %mul3A_453 = arith.constant 16 : i32
        %mul3A_454 = arith.muli %scan3A_412, %mul3A_453 : i32
        %get3A_455 = arith.constant 5 : i32
        %get3A_456 = arith.index_cast %get3A_455 : i32 to index
        %get3A_457 = arith.index_cast %mul3A_454 : i32 to index
        %get3A_458 = tpu.vector_load %arg14[%get3A_456, %get3A_457] {strides = array<i32>} : memref<32x768xf32, #tpu.memory_space<vmem>>, vector<16xf32>,
        %mul3A_459 = arith.mulf %broadcast_in_dim3A_320, %get3A_458 : vector<16xf32>
        %add3A_460 = arith.addf %add3A_452, %mul3A_459 : vector<16xf32>
        %mul3A_461 = arith.constant 16 : i32
        %mul3A_462 = arith.muli %scan3A_412, %mul3A_461 : i32
        %get3A_463 = arith.constant 6 : i32
        %get3A_464 = arith.index_cast %get3A_463 : i32 to index
        %get3A_465 = arith.index_cast %mul3A_462 : i32 to index
        %get3A_466 = tpu.vector_load %arg14[%get3A_464, %get3A_465] {strides = array<i32>} : memref<32x768xf32, #tpu.memory_space<vmem>>, vector<16xf32>,
        %mul3A_467 = arith.mulf %broadcast_in_dim3A_323, %get3A_466 : vector<16xf32>
        %add3A_468 = arith.addf %add3A_460, %mul3A_467 : vector<16xf32>
        %mul3A_469 = arith.constant 16 : i32
        %mul3A_470 = arith.muli %scan3A_412, %mul3A_469 : i32
        %get3A_471 = arith.constant 7 : i32
        %get3A_472 = arith.index_cast %get3A_471 : i32 to index
        %get3A_473 = arith.index_cast %mul3A_470 : i32 to index
        %get3A_474 = tpu.vector_load %arg14[%get3A_472, %get3A_473] {strides = array<i32>} : memref<32x768xf32, #tpu.memory_space<vmem>>, vector<16xf32>,
        %mul3A_475 = arith.mulf %broadcast_in_dim3A_326, %get3A_474 : vector<16xf32>
        %add3A_476 = arith.addf %add3A_468, %mul3A_475 : vector<16xf32>
        %mul3A_477 = arith.constant 16 : i32
        %mul3A_478 = arith.muli %scan3A_412, %mul3A_477 : i32
        %get3A_479 = arith.constant 8 : i32
        %get3A_480 = arith.index_cast %get3A_479 : i32 to index
        %get3A_481 = arith.index_cast %mul3A_478 : i32 to index
        %get3A_482 = tpu.vector_load %arg14[%get3A_480, %get3A_481] {strides = array<i32>} : memref<32x768xf32, #tpu.memory_space<vmem>>, vector<16xf32>,
        %mul3A_483 = arith.mulf %broadcast_in_dim3A_329, %get3A_482 : vector<16xf32>
        %add3A_484 = arith.addf %add3A_476, %mul3A_483 : vector<16xf32>
        %mul3A_485 = arith.constant 16 : i32
        %mul3A_486 = arith.muli %scan3A_412, %mul3A_485 : i32
        %get3A_487 = arith.constant 9 : i32
        %get3A_488 = arith.index_cast %get3A_487 : i32 to index
        %get3A_489 = arith.index_cast %mul3A_486 : i32 to index
        %get3A_490 = tpu.vector_load %arg14[%get3A_488, %get3A_489] {strides = array<i32>} : memref<32x768xf32, #tpu.memory_space<vmem>>, vector<16xf32>,
        %mul3A_491 = arith.mulf %broadcast_in_dim3A_332, %get3A_490 : vector<16xf32>
        %add3A_492 = arith.addf %add3A_484, %mul3A_491 : vector<16xf32>
        %mul3A_493 = arith.constant 16 : i32
        %mul3A_494 = arith.muli %scan3A_412, %mul3A_493 : i32
        %get3A_495 = arith.constant 10 : i32
        %get3A_496 = arith.index_cast %get3A_495 : i32 to index
        %get3A_497 = arith.index_cast %mul3A_494 : i32 to index
        %get3A_498 = tpu.vector_load %arg14[%get3A_496, %get3A_497] {strides = array<i32>} : memref<32x768xf32, #tpu.memory_space<vmem>>, vector<16xf32>,
        %mul3A_499 = arith.mulf %broadcast_in_dim3A_335, %get3A_498 : vector<16xf32>
        %add3A_500 = arith.addf %add3A_492, %mul3A_499 : vector<16xf32>
        %mul3A_501 = arith.constant 16 : i32
        %mul3A_502 = arith.muli %scan3A_412, %mul3A_501 : i32
        %get3A_503 = arith.constant 11 : i32
        %get3A_504 = arith.index_cast %get3A_503 : i32 to index
        %get3A_505 = arith.index_cast %mul3A_502 : i32 to index
        %get3A_506 = tpu.vector_load %arg14[%get3A_504, %get3A_505] {strides = array<i32>} : memref<32x768xf32, #tpu.memory_space<vmem>>, vector<16xf32>,
        %mul3A_507 = arith.mulf %broadcast_in_dim3A_338, %get3A_506 : vector<16xf32>
        %add3A_508 = arith.addf %add3A_500, %mul3A_507 : vector<16xf32>
        %mul3A_509 = arith.constant 16 : i32
        %mul3A_510 = arith.muli %scan3A_412, %mul3A_509 : i32
        %get3A_511 = arith.constant 12 : i32
        %get3A_512 = arith.index_cast %get3A_511 : i32 to index
        %get3A_513 = arith.index_cast %mul3A_510 : i32 to index
        %get3A_514 = tpu.vector_load %arg14[%get3A_512, %get3A_513] {strides = array<i32>} : memref<32x768xf32, #tpu.memory_space<vmem>>, vector<16xf32>,
        %mul3A_515 = arith.mulf %broadcast_in_dim3A_341, %get3A_514 : vector<16xf32>
        %add3A_516 = arith.addf %add3A_508, %mul3A_515 : vector<16xf32>
        %mul3A_517 = arith.constant 16 : i32
        %mul3A_518 = arith.muli %scan3A_412, %mul3A_517 : i32
        %get3A_519 = arith.constant 13 : i32
        %get3A_520 = arith.index_cast %get3A_519 : i32 to index
        %get3A_521 = arith.index_cast %mul3A_518 : i32 to index
        %get3A_522 = tpu.vector_load %arg14[%get3A_520, %get3A_521] {strides = array<i32>} : memref<32x768xf32, #tpu.memory_space<vmem>>, vector<16xf32>,
        %mul3A_523 = arith.mulf %broadcast_in_dim3A_344, %get3A_522 : vector<16xf32>
        %add3A_524 = arith.addf %add3A_516, %mul3A_523 : vector<16xf32>
        %mul3A_525 = arith.constant 16 : i32
        %mul3A_526 = arith.muli %scan3A_412, %mul3A_525 : i32
        %get3A_527 = arith.constant 14 : i32
        %get3A_528 = arith.index_cast %get3A_527 : i32 to index
        %get3A_529 = arith.index_cast %mul3A_526 : i32 to index
        %get3A_530 = tpu.vector_load %arg14[%get3A_528, %get3A_529] {strides = array<i32>} : memref<32x768xf32, #tpu.memory_space<vmem>>, vector<16xf32>,
        %mul3A_531 = arith.mulf %broadcast_in_dim3A_347, %get3A_530 : vector<16xf32>
        %add3A_532 = arith.addf %add3A_524, %mul3A_531 : vector<16xf32>
        %mul3A_533 = arith.constant 16 : i32
        %mul3A_534 = arith.muli %scan3A_412, %mul3A_533 : i32
        %get3A_535 = arith.constant 15 : i32
        %get3A_536 = arith.index_cast %get3A_535 : i32 to index
        %get3A_537 = arith.index_cast %mul3A_534 : i32 to index
        %get3A_538 = tpu.vector_load %arg14[%get3A_536, %get3A_537] {strides = array<i32>} : memref<32x768xf32, #tpu.memory_space<vmem>>, vector<16xf32>,
        %mul3A_539 = arith.mulf %broadcast_in_dim3A_350, %get3A_538 : vector<16xf32>
        %add3A_540 = arith.addf %add3A_532, %mul3A_539 : vector<16xf32>
        %mul3A_541 = arith.constant 16 : i32
        %mul3A_542 = arith.muli %scan3A_412, %mul3A_541 : i32
        %get3A_543 = arith.constant 16 : i32
        %get3A_544 = arith.index_cast %get3A_543 : i32 to index
        %get3A_545 = arith.index_cast %mul3A_542 : i32 to index
        %get3A_546 = tpu.vector_load %arg14[%get3A_544, %get3A_545] {strides = array<i32>} : memref<32x768xf32, #tpu.memory_space<vmem>>, vector<16xf32>,
        %mul3A_547 = arith.mulf %broadcast_in_dim3A_353, %get3A_546 : vector<16xf32>
        %add3A_548 = arith.addf %add3A_540, %mul3A_547 : vector<16xf32>
        %mul3A_549 = arith.constant 16 : i32
        %mul3A_550 = arith.muli %scan3A_412, %mul3A_549 : i32
        %get3A_551 = arith.constant 17 : i32
        %get3A_552 = arith.index_cast %get3A_551 : i32 to index
        %get3A_553 = arith.index_cast %mul3A_550 : i32 to index
        %get3A_554 = tpu.vector_load %arg14[%get3A_552, %get3A_553] {strides = array<i32>} : memref<32x768xf32, #tpu.memory_space<vmem>>, vector<16xf32>,
        %mul3A_555 = arith.mulf %broadcast_in_dim3A_356, %get3A_554 : vector<16xf32>
        %add3A_556 = arith.addf %add3A_548, %mul3A_555 : vector<16xf32>
        %mul3A_557 = arith.constant 16 : i32
        %mul3A_558 = arith.muli %scan3A_412, %mul3A_557 : i32
        %get3A_559 = arith.constant 18 : i32
        %get3A_560 = arith.index_cast %get3A_559 : i32 to index
        %get3A_561 = arith.index_cast %mul3A_558 : i32 to index
        %get3A_562 = tpu.vector_load %arg14[%get3A_560, %get3A_561] {strides = array<i32>} : memref<32x768xf32, #tpu.memory_space<vmem>>, vector<16xf32>,
        %mul3A_563 = arith.mulf %broadcast_in_dim3A_359, %get3A_562 : vector<16xf32>
        %add3A_564 = arith.addf %add3A_556, %mul3A_563 : vector<16xf32>
        %mul3A_565 = arith.constant 16 : i32
        %mul3A_566 = arith.muli %scan3A_412, %mul3A_565 : i32
        %get3A_567 = arith.constant 19 : i32
        %get3A_568 = arith.index_cast %get3A_567 : i32 to index
        %get3A_569 = arith.index_cast %mul3A_566 : i32 to index
        %get3A_570 = tpu.vector_load %arg14[%get3A_568, %get3A_569] {strides = array<i32>} : memref<32x768xf32, #tpu.memory_space<vmem>>, vector<16xf32>,
        %mul3A_571 = arith.mulf %broadcast_in_dim3A_362, %get3A_570 : vector<16xf32>
        %add3A_572 = arith.addf %add3A_564, %mul3A_571 : vector<16xf32>
        %mul3A_573 = arith.constant 16 : i32
        %mul3A_574 = arith.muli %scan3A_412, %mul3A_573 : i32
        %get3A_575 = arith.constant 20 : i32
        %get3A_576 = arith.index_cast %get3A_575 : i32 to index
        %get3A_577 = arith.index_cast %mul3A_574 : i32 to index
        %get3A_578 = tpu.vector_load %arg14[%get3A_576, %get3A_577] {strides = array<i32>} : memref<32x768xf32, #tpu.memory_space<vmem>>, vector<16xf32>,
        %mul3A_579 = arith.mulf %broadcast_in_dim3A_365, %get3A_578 : vector<16xf32>
        %add3A_580 = arith.addf %add3A_572, %mul3A_579 : vector<16xf32>
        %mul3A_581 = arith.constant 16 : i32
        %mul3A_582 = arith.muli %scan3A_412, %mul3A_581 : i32
        %get3A_583 = arith.constant 21 : i32
        %get3A_584 = arith.index_cast %get3A_583 : i32 to index
        %get3A_585 = arith.index_cast %mul3A_582 : i32 to index
        %get3A_586 = tpu.vector_load %arg14[%get3A_584, %get3A_585] {strides = array<i32>} : memref<32x768xf32, #tpu.memory_space<vmem>>, vector<16xf32>,
        %mul3A_587 = arith.mulf %broadcast_in_dim3A_368, %get3A_586 : vector<16xf32>
        %add3A_588 = arith.addf %add3A_580, %mul3A_587 : vector<16xf32>
        %mul3A_589 = arith.constant 16 : i32
        %mul3A_590 = arith.muli %scan3A_412, %mul3A_589 : i32
        %get3A_591 = arith.constant 22 : i32
        %get3A_592 = arith.index_cast %get3A_591 : i32 to index
        %get3A_593 = arith.index_cast %mul3A_590 : i32 to index
        %get3A_594 = tpu.vector_load %arg14[%get3A_592, %get3A_593] {strides = array<i32>} : memref<32x768xf32, #tpu.memory_space<vmem>>, vector<16xf32>,
        %mul3A_595 = arith.mulf %broadcast_in_dim3A_371, %get3A_594 : vector<16xf32>
        %add3A_596 = arith.addf %add3A_588, %mul3A_595 : vector<16xf32>
        %mul3A_597 = arith.constant 16 : i32
        %mul3A_598 = arith.muli %scan3A_412, %mul3A_597 : i32
        %get3A_599 = arith.constant 23 : i32
        %get3A_600 = arith.index_cast %get3A_599 : i32 to index
        %get3A_601 = arith.index_cast %mul3A_598 : i32 to index
        %get3A_602 = tpu.vector_load %arg14[%get3A_600, %get3A_601] {strides = array<i32>} : memref<32x768xf32, #tpu.memory_space<vmem>>, vector<16xf32>,
        %mul3A_603 = arith.mulf %broadcast_in_dim3A_374, %get3A_602 : vector<16xf32>
        %add3A_604 = arith.addf %add3A_596, %mul3A_603 : vector<16xf32>
        %mul3A_605 = arith.constant 16 : i32
        %mul3A_606 = arith.muli %scan3A_412, %mul3A_605 : i32
        %get3A_607 = arith.constant 24 : i32
        %get3A_608 = arith.index_cast %get3A_607 : i32 to index
        %get3A_609 = arith.index_cast %mul3A_606 : i32 to index
        %get3A_610 = tpu.vector_load %arg14[%get3A_608, %get3A_609] {strides = array<i32>} : memref<32x768xf32, #tpu.memory_space<vmem>>, vector<16xf32>,
        %mul3A_611 = arith.mulf %broadcast_in_dim3A_377, %get3A_610 : vector<16xf32>
        %add3A_612 = arith.addf %add3A_604, %mul3A_611 : vector<16xf32>
        %mul3A_613 = arith.constant 16 : i32
        %mul3A_614 = arith.muli %scan3A_412, %mul3A_613 : i32
        %get3A_615 = arith.constant 25 : i32
        %get3A_616 = arith.index_cast %get3A_615 : i32 to index
        %get3A_617 = arith.index_cast %mul3A_614 : i32 to index
        %get3A_618 = tpu.vector_load %arg14[%get3A_616, %get3A_617] {strides = array<i32>} : memref<32x768xf32, #tpu.memory_space<vmem>>, vector<16xf32>,
        %mul3A_619 = arith.mulf %broadcast_in_dim3A_380, %get3A_618 : vector<16xf32>
        %add3A_620 = arith.addf %add3A_612, %mul3A_619 : vector<16xf32>
        %mul3A_621 = arith.constant 16 : i32
        %mul3A_622 = arith.muli %scan3A_412, %mul3A_621 : i32
        %get3A_623 = arith.constant 26 : i32
        %get3A_624 = arith.index_cast %get3A_623 : i32 to index
        %get3A_625 = arith.index_cast %mul3A_622 : i32 to index
        %get3A_626 = tpu.vector_load %arg14[%get3A_624, %get3A_625] {strides = array<i32>} : memref<32x768xf32, #tpu.memory_space<vmem>>, vector<16xf32>,
        %mul3A_627 = arith.mulf %broadcast_in_dim3A_383, %get3A_626 : vector<16xf32>
        %add3A_628 = arith.addf %add3A_620, %mul3A_627 : vector<16xf32>
        %mul3A_629 = arith.constant 16 : i32
        %mul3A_630 = arith.muli %scan3A_412, %mul3A_629 : i32
        %get3A_631 = arith.constant 27 : i32
        %get3A_632 = arith.index_cast %get3A_631 : i32 to index
        %get3A_633 = arith.index_cast %mul3A_630 : i32 to index
        %get3A_634 = tpu.vector_load %arg14[%get3A_632, %get3A_633] {strides = array<i32>} : memref<32x768xf32, #tpu.memory_space<vmem>>, vector<16xf32>,
        %mul3A_635 = arith.mulf %broadcast_in_dim3A_386, %get3A_634 : vector<16xf32>
        %add3A_636 = arith.addf %add3A_628, %mul3A_635 : vector<16xf32>
        %mul3A_637 = arith.constant 16 : i32
        %mul3A_638 = arith.muli %scan3A_412, %mul3A_637 : i32
        %get3A_639 = arith.constant 28 : i32
        %get3A_640 = arith.index_cast %get3A_639 : i32 to index
        %get3A_641 = arith.index_cast %mul3A_638 : i32 to index
        %get3A_642 = tpu.vector_load %arg14[%get3A_640, %get3A_641] {strides = array<i32>} : memref<32x768xf32, #tpu.memory_space<vmem>>, vector<16xf32>,
        %mul3A_643 = arith.mulf %broadcast_in_dim3A_389, %get3A_642 : vector<16xf32>
        %add3A_644 = arith.addf %add3A_636, %mul3A_643 : vector<16xf32>
        %mul3A_645 = arith.constant 16 : i32
        %mul3A_646 = arith.muli %scan3A_412, %mul3A_645 : i32
        %get3A_647 = arith.constant 29 : i32
        %get3A_648 = arith.index_cast %get3A_647 : i32 to index
        %get3A_649 = arith.index_cast %mul3A_646 : i32 to index
        %get3A_650 = tpu.vector_load %arg14[%get3A_648, %get3A_649] {strides = array<i32>} : memref<32x768xf32, #tpu.memory_space<vmem>>, vector<16xf32>,
        %mul3A_651 = arith.mulf %broadcast_in_dim3A_392, %get3A_650 : vector<16xf32>
        %add3A_652 = arith.addf %add3A_644, %mul3A_651 : vector<16xf32>
        %mul3A_653 = arith.constant 16 : i32
        %mul3A_654 = arith.muli %scan3A_412, %mul3A_653 : i32
        %get3A_655 = arith.constant 30 : i32
        %get3A_656 = arith.index_cast %get3A_655 : i32 to index
        %get3A_657 = arith.index_cast %mul3A_654 : i32 to index
        %get3A_658 = tpu.vector_load %arg14[%get3A_656, %get3A_657] {strides = array<i32>} : memref<32x768xf32, #tpu.memory_space<vmem>>, vector<16xf32>,
        %mul3A_659 = arith.mulf %broadcast_in_dim3A_395, %get3A_658 : vector<16xf32>
        %add3A_660 = arith.addf %add3A_652, %mul3A_659 : vector<16xf32>
        %mul3A_661 = arith.constant 16 : i32
        %mul3A_662 = arith.muli %scan3A_412, %mul3A_661 : i32
        %get3A_663 = arith.constant 31 : i32
        %get3A_664 = arith.index_cast %get3A_663 : i32 to index
        %get3A_665 = arith.index_cast %mul3A_662 : i32 to index
        %get3A_666 = tpu.vector_load %arg14[%get3A_664, %get3A_665] {strides = array<i32>} : memref<32x768xf32, #tpu.memory_space<vmem>>, vector<16xf32>,
        %mul3A_667 = arith.mulf %broadcast_in_dim3A_398, %get3A_666 : vector<16xf32>
        %add3A_668 = arith.addf %add3A_660, %mul3A_667 : vector<16xf32>
        %mul3A_669 = arith.constant 16 : i32
        %mul3A_670 = arith.muli %scan3A_412, %mul3A_669 : i32
        %swap3A_671 = arith.index_cast %mul3A_670 : i32 to index
        %swap3A_672 = tpu.vector_load %arg18[%swap3A_671] {strides = array<i32>} : memref<768xf32, #tpu.memory_space<vmem>>, vector<16xf32>,
        tpu.vector_store %arg18[%swap3A_671], %add3A_668 {strides = array<i32>} : memref<768xf32, #tpu.memory_space<vmem>>, vector<16xf32>,
        %mul3A_673 = arith.constant 16 : i32
        %mul3A_674 = arith.muli %scan3A_412, %mul3A_673 : i32
        %get3A_675 = arith.index_cast %mul3A_674 : i32 to index
        %get3A_676 = tpu.vector_load %arg16[%get3A_675] {strides = array<i32>} : memref<768xf32, #tpu.memory_space<vmem>>, vector<16xf32>,
        %sub3A_677 = arith.subf %add3A_668, %get3A_676 : vector<16xf32>
        %mul3A_678 = arith.mulf %sub3A_677, %sub3A_677 : vector<16xf32>
        %add3A_679 = arith.addf %scan3A_413, %mul3A_678 : vector<16xf32>
        scf.yield %add3A_679 : vector<16xf32>
      }
      %scan3A_404 = arith.constant 48 : i32
      %add3A_405 = arith.addi %mul3A_2, %add3A_246 : i32
      %dma_start3A_406 = arith.constant 0 : i32
      %dma_start3A_407 = tpu.memref_slice %arg7[%add3A_405, %dma_start3A_406] : memref<2048x768xf32, #tpu.memory_space<hbm>> -> memref<1x768xf32, #tpu.memory_space<hbm>>
      %dma_start3A_408 = tpu.memref_squeeze %dma_start3A_407 : memref<1x768xf32, #tpu.memory_space<hbm>> -> memref<768xf32, #tpu.memory_space<hbm>>
      %dma_start3A_409 = arith.constant 0 : i32
      %dma_start3A_410 = tpu.memref_slice %arg7[%add3A_405, %dma_start3A_409] : memref<2048x768xf32, #tpu.memory_space<hbm>> -> memref<1x768xf32, #tpu.memory_space<hbm>>
      %dma_start3A_411 = tpu.memref_squeeze %dma_start3A_410 : memref<1x768xf32, #tpu.memory_space<hbm>> -> memref<768xf32, #tpu.memory_space<hbm>>
      tpu.enqueue_dma source(%arg18 : memref<768xf32, #tpu.memory_space<vmem>>) target(%dma_start3A_411 : memref<768xf32, #tpu.memory_space<hbm>>) target_semaphore(%arg27 : memref<!tpu.dma_semaphore, #tpu.memory_space<semaphore_mem>>)
      scf.yield %scan3A_403 : vector<16xf32>
    }
    %scan3A_40 = arith.constant 32 : i32
    %add3A_41 = arith.constant 64 : i32
    %add3A_42 = arith.addi %mul3A_2, %add3A_41 : i32
    %sub3A = arith.constant 2 : i32
    %sub3A_43 = arith.subi %add3A_42, %sub3A : i32
    %dma_wait3A = arith.constant 0 : i32
    %dma_wait3A_44 = tpu.memref_slice %arg6[%sub3A_43, %dma_wait3A] : memref<2048x16384xf32, #tpu.memory_space<hbm>> -> memref<1x16384xf32, #tpu.memory_space<hbm>>
    %dma_wait3A_45 = tpu.memref_squeeze %dma_wait3A_44 : memref<1x16384xf32, #tpu.memory_space<hbm>> -> memref<16384xf32, #tpu.memory_space<hbm>>
    %dma_wait3A_46 = arith.constant 0 : i32
    %dma_wait3A_47 = tpu.memref_slice %arg6[%sub3A_43, %dma_wait3A_46] : memref<2048x16384xf32, #tpu.memory_space<hbm>> -> memref<1x16384xf32, #tpu.memory_space<hbm>>
    %dma_wait3A_48 = tpu.memref_squeeze %dma_wait3A_47 : memref<1x16384xf32, #tpu.memory_space<hbm>> -> memref<16384xf32, #tpu.memory_space<hbm>>
    tpu.wait_dma2 semaphore(%arg24 : memref<!tpu.dma_semaphore, #tpu.memory_space<semaphore_mem>>) src(%arg11 : memref<16384xf32, #tpu.memory_space<vmem>>) dst(%dma_wait3A_48 : memref<16384xf32, #tpu.memory_space<hbm>>)
    %add3A_49 = arith.constant 64 : i32
    %add3A_50 = arith.addi %mul3A_2, %add3A_49 : i32
    %sub3A_51 = arith.constant 2 : i32
    %sub3A_52 = arith.subi %add3A_50, %sub3A_51 : i32
    %dma_wait3A_53 = arith.constant 0 : i32
    %dma_wait3A_54 = tpu.memref_slice %arg7[%sub3A_52, %dma_wait3A_53] : memref<2048x768xf32, #tpu.memory_space<hbm>> -> memref<1x768xf32, #tpu.memory_space<hbm>>
    %dma_wait3A_55 = tpu.memref_squeeze %dma_wait3A_54 : memref<1x768xf32, #tpu.memory_space<hbm>> -> memref<768xf32, #tpu.memory_space<hbm>>
    %dma_wait3A_56 = arith.constant 0 : i32
    %dma_wait3A_57 = tpu.memref_slice %arg7[%sub3A_52, %dma_wait3A_56] : memref<2048x768xf32, #tpu.memory_space<hbm>> -> memref<1x768xf32, #tpu.memory_space<hbm>>
    %dma_wait3A_58 = tpu.memref_squeeze %dma_wait3A_57 : memref<1x768xf32, #tpu.memory_space<hbm>> -> memref<768xf32, #tpu.memory_space<hbm>>
    tpu.wait_dma2 semaphore(%arg26 : memref<!tpu.dma_semaphore, #tpu.memory_space<semaphore_mem>>) src(%arg17 : memref<768xf32, #tpu.memory_space<vmem>>) dst(%dma_wait3A_58 : memref<768xf32, #tpu.memory_space<hbm>>)
    %add3A_59 = arith.constant 64 : i32
    %add3A_60 = arith.addi %mul3A_2, %add3A_59 : i32
    %sub3A_61 = arith.constant 1 : i32
    %sub3A_62 = arith.subi %add3A_60, %sub3A_61 : i32
    %dma_wait3A_63 = arith.constant 0 : i32
    %dma_wait3A_64 = tpu.memref_slice %arg6[%sub3A_62, %dma_wait3A_63] : memref<2048x16384xf32, #tpu.memory_space<hbm>> -> memref<1x16384xf32, #tpu.memory_space<hbm>>
    %dma_wait3A_65 = tpu.memref_squeeze %dma_wait3A_64 : memref<1x16384xf32, #tpu.memory_space<hbm>> -> memref<16384xf32, #tpu.memory_space<hbm>>
    %dma_wait3A_66 = arith.constant 0 : i32
    %dma_wait3A_67 = tpu.memref_slice %arg6[%sub3A_62, %dma_wait3A_66] : memref<2048x16384xf32, #tpu.memory_space<hbm>> -> memref<1x16384xf32, #tpu.memory_space<hbm>>
    %dma_wait3A_68 = tpu.memref_squeeze %dma_wait3A_67 : memref<1x16384xf32, #tpu.memory_space<hbm>> -> memref<16384xf32, #tpu.memory_space<hbm>>
    tpu.wait_dma2 semaphore(%arg25 : memref<!tpu.dma_semaphore, #tpu.memory_space<semaphore_mem>>) src(%arg12 : memref<16384xf32, #tpu.memory_space<vmem>>) dst(%dma_wait3A_68 : memref<16384xf32, #tpu.memory_space<hbm>>)
    %add3A_69 = arith.constant 64 : i32
    %add3A_70 = arith.addi %mul3A_2, %add3A_69 : i32
    %sub3A_71 = arith.constant 1 : i32
    %sub3A_72 = arith.subi %add3A_70, %sub3A_71 : i32
    %dma_wait3A_73 = arith.constant 0 : i32
    %dma_wait3A_74 = tpu.memref_slice %arg7[%sub3A_72, %dma_wait3A_73] : memref<2048x768xf32, #tpu.memory_space<hbm>> -> memref<1x768xf32, #tpu.memory_space<hbm>>
    %dma_wait3A_75 = tpu.memref_squeeze %dma_wait3A_74 : memref<1x768xf32, #tpu.memory_space<hbm>> -> memref<768xf32, #tpu.memory_space<hbm>>
    %dma_wait3A_76 = arith.constant 0 : i32
    %dma_wait3A_77 = tpu.memref_slice %arg7[%sub3A_72, %dma_wait3A_76] : memref<2048x768xf32, #tpu.memory_space<hbm>> -> memref<1x768xf32, #tpu.memory_space<hbm>>
    %dma_wait3A_78 = tpu.memref_squeeze %dma_wait3A_77 : memref<1x768xf32, #tpu.memory_space<hbm>> -> memref<768xf32, #tpu.memory_space<hbm>>
    tpu.wait_dma2 semaphore(%arg27 : memref<!tpu.dma_semaphore, #tpu.memory_space<semaphore_mem>>) src(%arg18 : memref<768xf32, #tpu.memory_space<vmem>>) dst(%dma_wait3A_78 : memref<768xf32, #tpu.memory_space<hbm>>)
    %swap3A = arith.constant 0 : index
    %swap3A_79 = tpu.vector_load %arg19[%swap3A] {strides = array<i32>} : memref<16xf32, #tpu.memory_space<vmem>>, vector<16xf32>,
    tpu.vector_store %arg19[%swap3A], %scan3A_39 {strides = array<i32>} : memref<16xf32, #tpu.memory_space<vmem>>, vector<16xf32>,
    "tpu.region"() ({
      %run_scoped3A = tpu.sem_alloc : memref<!tpu.dma_semaphore, #tpu.memory_space<semaphore_mem>>
      %dma_start3A_80 = arith.constant 0 : i32
      %dma_start3A_81 = tpu.memref_slice %arg8[%add3A, %dma_start3A_80] : memref<32x16xf32, #tpu.memory_space<hbm>> -> memref<1x16xf32, #tpu.memory_space<hbm>>
      %dma_start3A_82 = tpu.memref_squeeze %dma_start3A_81 : memref<1x16xf32, #tpu.memory_space<hbm>> -> memref<16xf32, #tpu.memory_space<hbm>>
      %dma_start3A_83 = arith.constant 0 : i32
      %dma_start3A_84 = tpu.memref_slice %arg8[%add3A, %dma_start3A_83] : memref<32x16xf32, #tpu.memory_space<hbm>> -> memref<1x16xf32, #tpu.memory_space<hbm>>
      %dma_start3A_85 = tpu.memref_squeeze %dma_start3A_84 : memref<1x16xf32, #tpu.memory_space<hbm>> -> memref<16xf32, #tpu.memory_space<hbm>>
      tpu.enqueue_dma source(%arg19 : memref<16xf32, #tpu.memory_space<vmem>>) target(%dma_start3A_85 : memref<16xf32, #tpu.memory_space<hbm>>) target_semaphore(%run_scoped3A : memref<!tpu.dma_semaphore, #tpu.memory_space<semaphore_mem>>)
      %dma_wait3A_86 = arith.constant 0 : i32
      %dma_wait3A_87 = tpu.memref_slice %arg8[%add3A, %dma_wait3A_86] : memref<32x16xf32, #tpu.memory_space<hbm>> -> memref<1x16xf32, #tpu.memory_space<hbm>>
      %dma_wait3A_88 = tpu.memref_squeeze %dma_wait3A_87 : memref<1x16xf32, #tpu.memory_space<hbm>> -> memref<16xf32, #tpu.memory_space<hbm>>
      %dma_wait3A_89 = arith.constant 0 : i32
      %dma_wait3A_90 = tpu.memref_slice %arg8[%add3A, %dma_wait3A_89] : memref<32x16xf32, #tpu.memory_space<hbm>> -> memref<1x16xf32, #tpu.memory_space<hbm>>
      %dma_wait3A_91 = tpu.memref_squeeze %dma_wait3A_90 : memref<1x16xf32, #tpu.memory_space<hbm>> -> memref<16xf32, #tpu.memory_space<hbm>>
      tpu.wait_dma2 semaphore(%run_scoped3A : memref<!tpu.dma_semaphore, #tpu.memory_space<semaphore_mem>>) src(%arg19 : memref<16xf32, #tpu.memory_space<vmem>>) dst(%dma_wait3A_91 : memref<16xf32, #tpu.memory_space<hbm>>)
      tpu.yield
    }) : () -> ()
    return
  }
}

#map = affine_map<(d0, d1) -> (0, 0)>
#map1 = affine_map<(d0, d1) -> (0)>
module attributes {stable_mosaic.version = 14 : i64} {
  func.func @_topk_body(%arg0: i32, %arg1: i32, %arg2: memref<2048x16384xf32, #tpu.memory_space<hbm>>, %arg3: memref<2048x16xf32, #tpu.memory_space<hbm>>, %arg4: memref<65536xf32, #tpu.memory_space<hbm>>, %arg5: memref<65536xi32, #tpu.memory_space<hbm>>, %arg6: memref<64x16xf32, #tpu.memory_space<vmem>>, %arg7: memref<16400xf32, #tpu.memory_space<vmem>>, %arg8: memref<16400xf32, #tpu.memory_space<vmem>>, %arg9: memref<16416xi32, #tpu.memory_space<vmem>>, %arg10: memref<2048xf32, #tpu.memory_space<vmem>>, %arg11: memref<2048xi32, #tpu.memory_space<vmem>>, %arg12: memref<!tpu.dma_semaphore, #tpu.memory_space<semaphore_mem>>, %arg13: memref<!tpu.dma_semaphore, #tpu.memory_space<semaphore_mem>>) attributes {dimension_semantics = [#tpu.dimension_semantics<core_parallel>, #tpu.dimension_semantics<subcore_parallel>], iteration_bounds = array<i64: 2, 16>, scalar_prefetch = 0 : i64, scratch_operands = 8 : i64, tpu.core_type = #tpu.core_type<sc_vector_subcore>, window_params = [{transform_indices = #map}, {transform_indices = #map}, {transform_indices = #map1}, {transform_indices = #map1}]} {
    %mul3A = arith.constant 2 : i32
    %mul3A_0 = arith.muli %arg1, %mul3A : i32
    %add3A = arith.addi %mul3A_0, %arg0 : i32
    %mul3A_1 = arith.constant 64 : i32
    %mul3A_2 = arith.muli %add3A, %mul3A_1 : i32
    "tpu.region"() ({
      %run_scoped3A = tpu.sem_alloc : memref<!tpu.dma_semaphore, #tpu.memory_space<semaphore_mem>>
      %dma_start3A_29 = arith.constant 0 : i32
      %dma_start3A_30 = tpu.memref_slice %arg3[%mul3A_2, %dma_start3A_29] : memref<2048x16xf32, #tpu.memory_space<hbm>> -> memref<64x16xf32, #tpu.memory_space<hbm>>
      %dma_start3A_31 = arith.constant 0 : i32
      %dma_start3A_32 = tpu.memref_slice %arg3[%mul3A_2, %dma_start3A_31] : memref<2048x16xf32, #tpu.memory_space<hbm>> -> memref<64x16xf32, #tpu.memory_space<hbm>>
      tpu.enqueue_dma source(%dma_start3A_32 : memref<64x16xf32, #tpu.memory_space<hbm>>) target(%arg6 : memref<64x16xf32, #tpu.memory_space<vmem>>) target_semaphore(%run_scoped3A : memref<!tpu.dma_semaphore, #tpu.memory_space<semaphore_mem>>)
      %dma_wait3A = arith.constant 0 : i32
      %dma_wait3A_33 = tpu.memref_slice %arg3[%mul3A_2, %dma_wait3A] : memref<2048x16xf32, #tpu.memory_space<hbm>> -> memref<64x16xf32, #tpu.memory_space<hbm>>
      %dma_wait3A_34 = arith.constant 0 : i32
      %dma_wait3A_35 = tpu.memref_slice %arg3[%mul3A_2, %dma_wait3A_34] : memref<2048x16xf32, #tpu.memory_space<hbm>> -> memref<64x16xf32, #tpu.memory_space<hbm>>
      tpu.wait_dma2 semaphore(%run_scoped3A : memref<!tpu.dma_semaphore, #tpu.memory_space<semaphore_mem>>) src(%dma_wait3A_35 : memref<64x16xf32, #tpu.memory_space<hbm>>) dst(%arg6 : memref<64x16xf32, #tpu.memory_space<vmem>>)
      tpu.yield
    }) : () -> ()
    %iota3A = tpu.iota {dimensions = array<i32: 0>} : vector<16xi32>
    %broadcast_in_dim3A = arith.constant 0 : i32
    %broadcast_in_dim3A_3 = vector.broadcast %broadcast_in_dim3A : i32 to vector<16xi32>
    %broadcast_in_dim3A_4 = arith.constant 0xFF800000 : f32
    %broadcast_in_dim3A_5 = vector.broadcast %broadcast_in_dim3A_4 : f32 to vector<16xf32>
    %swap3A = arith.constant 16384 : index
    %swap3A_6 = tpu.vector_load %arg7[%swap3A] {strides = array<i32>} : memref<16400xf32, #tpu.memory_space<vmem>>, vector<16xf32>,
    tpu.vector_store %arg7[%swap3A], %broadcast_in_dim3A_5 {strides = array<i32>} : memref<16400xf32, #tpu.memory_space<vmem>>, vector<16xf32>,
    %swap3A_7 = arith.constant 16384 : index
    %swap3A_8 = tpu.vector_load %arg8[%swap3A_7] {strides = array<i32>} : memref<16400xf32, #tpu.memory_space<vmem>>, vector<16xf32>,
    tpu.vector_store %arg8[%swap3A_7], %broadcast_in_dim3A_5 {strides = array<i32>} : memref<16400xf32, #tpu.memory_space<vmem>>, vector<16xf32>,
    %add3A_9 = arith.constant 0 : i32
    %add3A_10 = arith.addi %mul3A_2, %add3A_9 : i32
    %dma_start3A = arith.constant 0 : i32
    %dma_start3A_11 = tpu.memref_slice %arg7[%dma_start3A] : memref<16400xf32, #tpu.memory_space<vmem>> -> memref<16384xf32, #tpu.memory_space<vmem>>
    %dma_start3A_12 = arith.constant 0 : i32
    %dma_start3A_13 = tpu.memref_slice %arg2[%add3A_10, %dma_start3A_12] : memref<2048x16384xf32, #tpu.memory_space<hbm>> -> memref<1x16384xf32, #tpu.memory_space<hbm>>
    %dma_start3A_14 = tpu.memref_squeeze %dma_start3A_13 : memref<1x16384xf32, #tpu.memory_space<hbm>> -> memref<16384xf32, #tpu.memory_space<hbm>>
    %dma_start3A_15 = arith.constant 0 : i32
    %dma_start3A_16 = tpu.memref_slice %arg7[%dma_start3A_15] : memref<16400xf32, #tpu.memory_space<vmem>> -> memref<16384xf32, #tpu.memory_space<vmem>>
    %dma_start3A_17 = arith.constant 0 : i32
    %dma_start3A_18 = tpu.memref_slice %arg2[%add3A_10, %dma_start3A_17] : memref<2048x16384xf32, #tpu.memory_space<hbm>> -> memref<1x16384xf32, #tpu.memory_space<hbm>>
    %dma_start3A_19 = tpu.memref_squeeze %dma_start3A_18 : memref<1x16384xf32, #tpu.memory_space<hbm>> -> memref<16384xf32, #tpu.memory_space<hbm>>
    tpu.enqueue_dma source(%dma_start3A_19 : memref<16384xf32, #tpu.memory_space<hbm>>) target(%dma_start3A_16 : memref<16384xf32, #tpu.memory_space<vmem>>) target_semaphore(%arg12 : memref<!tpu.dma_semaphore, #tpu.memory_space<semaphore_mem>>)
    %scan3A = arith.constant 0 : i32
    %scan3A_20 = arith.constant 0 : i32
    %scan3A_21 = arith.constant 32 : i32
    %scan3A_22 = arith.addi %scan3A_20, %scan3A_21 : i32
    %scan3A_23 = arith.constant 1 : i32
    scf.for %scan3A_29 = %scan3A_20 to %scan3A_22 step %scan3A_23  : i32 {
      %mul3A_30 = arith.constant 2 : i32
      %mul3A_31 = arith.muli %mul3A_30, %scan3A_29 : i32
      %add3A_32 = arith.addi %mul3A_2, %mul3A_31 : i32
      %dma_wait3A = arith.constant 0 : i32
      %dma_wait3A_33 = tpu.memref_slice %arg7[%dma_wait3A] : memref<16400xf32, #tpu.memory_space<vmem>> -> memref<16384xf32, #tpu.memory_space<vmem>>
      %dma_wait3A_34 = arith.constant 0 : i32
      %dma_wait3A_35 = tpu.memref_slice %arg2[%add3A_32, %dma_wait3A_34] : memref<2048x16384xf32, #tpu.memory_space<hbm>> -> memref<1x16384xf32, #tpu.memory_space<hbm>>
      %dma_wait3A_36 = tpu.memref_squeeze %dma_wait3A_35 : memref<1x16384xf32, #tpu.memory_space<hbm>> -> memref<16384xf32, #tpu.memory_space<hbm>>
      %dma_wait3A_37 = arith.constant 0 : i32
      %dma_wait3A_38 = tpu.memref_slice %arg7[%dma_wait3A_37] : memref<16400xf32, #tpu.memory_space<vmem>> -> memref<16384xf32, #tpu.memory_space<vmem>>
      %dma_wait3A_39 = arith.constant 0 : i32
      %dma_wait3A_40 = tpu.memref_slice %arg2[%add3A_32, %dma_wait3A_39] : memref<2048x16384xf32, #tpu.memory_space<hbm>> -> memref<1x16384xf32, #tpu.memory_space<hbm>>
      %dma_wait3A_41 = tpu.memref_squeeze %dma_wait3A_40 : memref<1x16384xf32, #tpu.memory_space<hbm>> -> memref<16384xf32, #tpu.memory_space<hbm>>
      tpu.wait_dma2 semaphore(%arg12 : memref<!tpu.dma_semaphore, #tpu.memory_space<semaphore_mem>>) src(%dma_wait3A_41 : memref<16384xf32, #tpu.memory_space<hbm>>) dst(%dma_wait3A_38 : memref<16384xf32, #tpu.memory_space<vmem>>)
      %add3A_42 = arith.constant 1 : i32
      %add3A_43 = arith.addi %mul3A_31, %add3A_42 : i32
      %lt3A = arith.constant 64 : i32
      %lt3A_44 = arith.cmpi slt, %add3A_43, %lt3A : i32
      %convert_element_type3A = arith.extui %lt3A_44 : i1 to i32
      %cond3A = arith.constant 0 : i32
      %cond3A_45 = arith.cmpi ne, %convert_element_type3A, %cond3A : i32
      scf.if %cond3A_45 {
        %add3A_202 = arith.constant 1 : i32
        %add3A_203 = arith.addi %mul3A_31, %add3A_202 : i32
        %add3A_204 = arith.addi %mul3A_2, %add3A_203 : i32
        %dma_start3A_205 = arith.constant 0 : i32
        %dma_start3A_206 = tpu.memref_slice %arg8[%dma_start3A_205] : memref<16400xf32, #tpu.memory_space<vmem>> -> memref<16384xf32, #tpu.memory_space<vmem>>
        %dma_start3A_207 = arith.constant 0 : i32
        %dma_start3A_208 = tpu.memref_slice %arg2[%add3A_204, %dma_start3A_207] : memref<2048x16384xf32, #tpu.memory_space<hbm>> -> memref<1x16384xf32, #tpu.memory_space<hbm>>
        %dma_start3A_209 = tpu.memref_squeeze %dma_start3A_208 : memref<1x16384xf32, #tpu.memory_space<hbm>> -> memref<16384xf32, #tpu.memory_space<hbm>>
        %dma_start3A_210 = arith.constant 0 : i32
        %dma_start3A_211 = tpu.memref_slice %arg8[%dma_start3A_210] : memref<16400xf32, #tpu.memory_space<vmem>> -> memref<16384xf32, #tpu.memory_space<vmem>>
        %dma_start3A_212 = arith.constant 0 : i32
        %dma_start3A_213 = tpu.memref_slice %arg2[%add3A_204, %dma_start3A_212] : memref<2048x16384xf32, #tpu.memory_space<hbm>> -> memref<1x16384xf32, #tpu.memory_space<hbm>>
        %dma_start3A_214 = tpu.memref_squeeze %dma_start3A_213 : memref<1x16384xf32, #tpu.memory_space<hbm>> -> memref<16384xf32, #tpu.memory_space<hbm>>
        tpu.enqueue_dma source(%dma_start3A_214 : memref<16384xf32, #tpu.memory_space<hbm>>) target(%dma_start3A_211 : memref<16384xf32, #tpu.memory_space<vmem>>) target_semaphore(%arg13 : memref<!tpu.dma_semaphore, #tpu.memory_space<semaphore_mem>>)
      } else {
      }
      %get3A = arith.index_cast %mul3A_31 : i32 to index
      %get3A_46 = arith.constant 0 : index
      %get3A_47 = tpu.vector_load %arg6[%get3A, %get3A_46] {strides = array<i32>} : memref<64x16xf32, #tpu.memory_space<vmem>>, vector<16xf32>,
      %scan3A_48 = arith.constant 0 : i32
      %scan3A_49 = arith.constant 0 : i32
      %scan3A_50 = arith.constant 1024 : i32
      %scan3A_51 = arith.addi %scan3A_49, %scan3A_50 : i32
      %scan3A_52 = arith.constant 1 : i32
      %scan3A_53 = scf.for %scan3A_202 = %scan3A_49 to %scan3A_51 step %scan3A_52 iter_args(%scan3A_203 = %scan3A_48) -> (i32)  : i32 {
        %mul3A_204 = arith.constant 16 : i32
        %mul3A_205 = arith.muli %scan3A_202, %mul3A_204 : i32
        %get3A_206 = arith.index_cast %mul3A_205 : i32 to index
        %get3A_207 = tpu.vector_load %arg7[%get3A_206] {strides = array<i32>} : memref<16400xf32, #tpu.memory_space<vmem>>, vector<16xf32>,
        %ge3A = arith.cmpf oge, %get3A_207, %get3A_47 : vector<16xf32>
        %mul3A_208 = arith.constant 16 : i32
        %mul3A_209 = arith.muli %scan3A_202, %mul3A_208 : i32
        %add3A_210 = vector.broadcast %mul3A_209 : i32 to vector<16xi32>
        %add3A_211 = arith.addi %iota3A, %add3A_210 : vector<16xi32>
        %swap3A_212 = arith.index_cast %scan3A_203 : i32 to index
        %swap3A_213 = tpu.vector_load %arg9[%swap3A_212] masked %ge3A {strides = array<i32>} : memref<16416xi32, #tpu.memory_space<vmem>>, vector<16xi32>, vector<16xi1>
        tpu.vector_store %arg9[%swap3A_212], %add3A_211 masked %ge3A {strides = array<i32>} : memref<16416xi32, #tpu.memory_space<vmem>>, vector<16xi32>, vector<16xi1>
        %all_reduce_population_count3A = tpu.all_reduce %ge3A {dim = 0 : i64, kind = #tpu.reduction_kind<sum>} : vector<16xi1> -> vector<16xi32>
        %slice3A = vector.extract_strided_slice %all_reduce_population_count3A {offsets = [0], sizes = [1], strides = [1]} : vector<16xi32> to vector<1xi32>
        %squeeze3A = vector.extract %slice3A[0] : i32 from vector<1xi32>
        %add3A_214 = arith.addi %scan3A_203, %squeeze3A : i32
        scf.yield %add3A_214 : i32
      }
      %scan3A_54 = arith.constant 1024 : i32
      %add3A_55 = arith.constant 16384 : i32
      %add3A_56 = vector.broadcast %add3A_55 : i32 to vector<16xi32>
      %add3A_57 = arith.addi %iota3A, %add3A_56 : vector<16xi32>
      %swap3A_58 = arith.index_cast %scan3A_53 : i32 to index
      %swap3A_59 = tpu.vector_load %arg9[%swap3A_58] {strides = array<i32>} : memref<16416xi32, #tpu.memory_space<vmem>>, vector<16xi32>,
      tpu.vector_store %arg9[%swap3A_58], %add3A_57 {strides = array<i32>} : memref<16416xi32, #tpu.memory_space<vmem>>, vector<16xi32>,
      %jit3A = arith.constant 16 : i32
      %div3A = arith.divsi %scan3A_53, %jit3A : i32
      %sign3A = arith.constant 0 : i32
      %sign3A_60 = arith.cmpi sgt, %scan3A_53, %sign3A : i32
      %sign3A_61 = arith.extui %sign3A_60 : i1 to i32
      %sign3A_62 = arith.constant 0 : i32
      %sign3A_63 = arith.cmpi slt, %scan3A_53, %sign3A_62 : i32
      %sign3A_64 = arith.extui %sign3A_63 : i1 to i32
      %sign3A_65 = arith.subi %sign3A_61, %sign3A_64 : i32
      %sign3A_66 = arith.constant 0 : i32
      %sign3A_67 = arith.cmpi sgt, %jit3A, %sign3A_66 : i32
      %sign3A_68 = arith.extui %sign3A_67 : i1 to i32
      %sign3A_69 = arith.constant 0 : i32
      %sign3A_70 = arith.cmpi slt, %jit3A, %sign3A_69 : i32
      %sign3A_71 = arith.extui %sign3A_70 : i1 to i32
      %sign3A_72 = arith.subi %sign3A_68, %sign3A_71 : i32
      %ne3A = arith.cmpi ne, %sign3A_65, %sign3A_72 : i32
      %rem3A = arith.remsi %scan3A_53, %jit3A : i32
      %ne3A_73 = arith.constant 0 : i32
      %ne3A_74 = arith.cmpi ne, %rem3A, %ne3A_73 : i32
      %and3A = arith.andi %ne3A, %ne3A_74 : i1
      %sub3A = arith.constant 1 : i32
      %sub3A_75 = arith.subi %div3A, %sub3A : i32
      %select_n3A = arith.select %and3A, %sub3A_75, %div3A : i32
      %add3A_76 = arith.constant 1 : i32
      %add3A_77 = arith.addi %select_n3A, %add3A_76 : i32
      %while3A = arith.constant 0 : i32
      %while3A_78 = arith.subi %add3A_77, %while3A : i32
      %while3A_79 = arith.addi %while3A, %while3A_78 : i32
      %while3A_80 = arith.constant 1 : i32
      %while3A_81 = arith.divsi %while3A_78, %while3A_80 : i32
      %while3A_82 = arith.muli %while3A_81, %while3A_80 : i32
      %while3A_83 = arith.addi %while3A, %while3A_82 : i32
      %while3A_84 = arith.constant 1 : i32
      %while3A_85:4 = scf.for %while3A_202 = %while3A to %while3A_83 step %while3A_84 iter_args(%while3A_203 = %broadcast_in_dim3A_5, %while3A_204 = %broadcast_in_dim3A_3, %while3A_205 = %broadcast_in_dim3A_5, %while3A_206 = %broadcast_in_dim3A_3) -> (vector<16xf32>, vector<16xi32>, vector<16xf32>, vector<16xi32>)  : i32 {
        %mul3A_207 = arith.constant 16 : i32
        %mul3A_208 = arith.muli %while3A_202, %mul3A_207 : i32
        %get3A_209 = arith.index_cast %mul3A_208 : i32 to index
        %get3A_210 = tpu.vector_load %arg9[%get3A_209] {strides = array<i32>} : memref<16416xi32, #tpu.memory_space<vmem>>, vector<16xi32>,
        %gather3A = tpu.vector_load_idx %arg7[%get3A_210] : memref<16400xf32, #tpu.memory_space<vmem>>[vector<16xi32>], vector<16xf32>,
        %masked_sort3A = arith.constant dense<true> : vector<16xi1>
        %masked_sort3A_211, %masked_sort3A_212, %masked_sort3A_213 = tpu.sort %gather3A, %get3A_210 masked %masked_sort3A {descending = true} : (vector<16xf32>, vector<16xi32>, vector<16xi1>) -> (vector<16xi1>, vector<16xf32>, vector<16xi32>)
        %rev3A = arith.constant 15 : i32
        %rev3A_214 = vector.broadcast %rev3A : i32 to vector<16xi32>
        %rev3A_215 = tpu.iota {dimensions = array<i32: 0>} : vector<16xi32>
        %rev3A_216 = arith.subi %rev3A_214, %rev3A_215 : vector<16xi32>
        %rev3A_217 = tpu.dynamic_gather %masked_sort3A_212[%rev3A_216] in [0] : vector<16xf32>, vector<16xi32> -> vector<16xf32>
        %rev3A_218 = arith.constant 15 : i32
        %rev3A_219 = vector.broadcast %rev3A_218 : i32 to vector<16xi32>
        %rev3A_220 = tpu.iota {dimensions = array<i32: 0>} : vector<16xi32>
        %rev3A_221 = arith.subi %rev3A_219, %rev3A_220 : vector<16xi32>
        %rev3A_222 = tpu.dynamic_gather %masked_sort3A_213[%rev3A_221] in [0] : vector<16xi32>, vector<16xi32> -> vector<16xi32>
        %ge3A = arith.cmpf oge, %while3A_203, %rev3A_217 : vector<16xf32>
        %select_n3A_223 = arith.select %ge3A, %while3A_203, %rev3A_217 : vector<16xi1>, vector<16xf32>
        %select_n3A_224 = arith.select %ge3A, %while3A_204, %rev3A_222 : vector<16xi1>, vector<16xi32>
        %select_n3A_225 = arith.select %ge3A, %rev3A_217, %while3A_203 : vector<16xi1>, vector<16xf32>
        %select_n3A_226 = arith.select %ge3A, %rev3A_222, %while3A_204 : vector<16xi1>, vector<16xi32>
        %masked_sort3A_227 = arith.constant dense<true> : vector<16xi1>
        %masked_sort3A_228, %masked_sort3A_229, %masked_sort3A_230 = tpu.sort %select_n3A_223, %select_n3A_224 masked %masked_sort3A_227 {descending = true} : (vector<16xf32>, vector<16xi32>, vector<16xi1>) -> (vector<16xi1>, vector<16xf32>, vector<16xi32>)
        %masked_sort3A_231 = arith.constant dense<true> : vector<16xi1>
        %masked_sort3A_232, %masked_sort3A_233, %masked_sort3A_234 = tpu.sort %select_n3A_225, %select_n3A_226 masked %masked_sort3A_231 {descending = true} : (vector<16xf32>, vector<16xi32>, vector<16xi1>) -> (vector<16xi1>, vector<16xf32>, vector<16xi32>)
        %rev3A_235 = arith.constant 15 : i32
        %rev3A_236 = vector.broadcast %rev3A_235 : i32 to vector<16xi32>
        %rev3A_237 = tpu.iota {dimensions = array<i32: 0>} : vector<16xi32>
        %rev3A_238 = arith.subi %rev3A_236, %rev3A_237 : vector<16xi32>
        %rev3A_239 = tpu.dynamic_gather %masked_sort3A_233[%rev3A_238] in [0] : vector<16xf32>, vector<16xi32> -> vector<16xf32>
        %rev3A_240 = arith.constant 15 : i32
        %rev3A_241 = vector.broadcast %rev3A_240 : i32 to vector<16xi32>
        %rev3A_242 = tpu.iota {dimensions = array<i32: 0>} : vector<16xi32>
        %rev3A_243 = arith.subi %rev3A_241, %rev3A_242 : vector<16xi32>
        %rev3A_244 = tpu.dynamic_gather %masked_sort3A_234[%rev3A_243] in [0] : vector<16xi32>, vector<16xi32> -> vector<16xi32>
        %ge3A_245 = arith.cmpf oge, %while3A_205, %rev3A_239 : vector<16xf32>
        %select_n3A_246 = arith.select %ge3A_245, %while3A_205, %rev3A_239 : vector<16xi1>, vector<16xf32>
        %select_n3A_247 = arith.select %ge3A_245, %while3A_206, %rev3A_244 : vector<16xi1>, vector<16xi32>
        %select_n3A_248 = arith.select %ge3A_245, %rev3A_239, %while3A_205 : vector<16xi1>, vector<16xf32>
        %select_n3A_249 = arith.select %ge3A_245, %rev3A_244, %while3A_206 : vector<16xi1>, vector<16xi32>
        %masked_sort3A_250 = arith.constant dense<true> : vector<16xi1>
        %masked_sort3A_251, %masked_sort3A_252, %masked_sort3A_253 = tpu.sort %select_n3A_246, %select_n3A_247 masked %masked_sort3A_250 {descending = true} : (vector<16xf32>, vector<16xi32>, vector<16xi1>) -> (vector<16xi1>, vector<16xf32>, vector<16xi32>)
        %masked_sort3A_254 = arith.constant dense<true> : vector<16xi1>
        %masked_sort3A_255, %masked_sort3A_256, %masked_sort3A_257 = tpu.sort %select_n3A_248, %select_n3A_249 masked %masked_sort3A_254 {descending = true} : (vector<16xf32>, vector<16xi32>, vector<16xi1>) -> (vector<16xi1>, vector<16xf32>, vector<16xi32>)
        scf.yield %masked_sort3A_229, %masked_sort3A_230, %masked_sort3A_252, %masked_sort3A_253 : vector<16xf32>, vector<16xi32>, vector<16xf32>, vector<16xi32>
      }
      %while3A_86 = arith.constant 1 : i32
      %while3A_87:4 = scf.for %while3A_202 = %while3A_83 to %while3A_79 step %while3A_86 iter_args(%while3A_203 = %while3A_85#0, %while3A_204 = %while3A_85#1, %while3A_205 = %while3A_85#2, %while3A_206 = %while3A_85#3) -> (vector<16xf32>, vector<16xi32>, vector<16xf32>, vector<16xi32>)  : i32 {
        %mul3A_207 = arith.constant 16 : i32
        %mul3A_208 = arith.muli %while3A_202, %mul3A_207 : i32
        %get3A_209 = arith.index_cast %mul3A_208 : i32 to index
        %get3A_210 = tpu.vector_load %arg9[%get3A_209] {strides = array<i32>} : memref<16416xi32, #tpu.memory_space<vmem>>, vector<16xi32>,
        %gather3A = tpu.vector_load_idx %arg7[%get3A_210] : memref<16400xf32, #tpu.memory_space<vmem>>[vector<16xi32>], vector<16xf32>,
        %masked_sort3A = arith.constant dense<true> : vector<16xi1>
        %masked_sort3A_211, %masked_sort3A_212, %masked_sort3A_213 = tpu.sort %gather3A, %get3A_210 masked %masked_sort3A {descending = true} : (vector<16xf32>, vector<16xi32>, vector<16xi1>) -> (vector<16xi1>, vector<16xf32>, vector<16xi32>)
        %rev3A = arith.constant 15 : i32
        %rev3A_214 = vector.broadcast %rev3A : i32 to vector<16xi32>
        %rev3A_215 = tpu.iota {dimensions = array<i32: 0>} : vector<16xi32>
        %rev3A_216 = arith.subi %rev3A_214, %rev3A_215 : vector<16xi32>
        %rev3A_217 = tpu.dynamic_gather %masked_sort3A_212[%rev3A_216] in [0] : vector<16xf32>, vector<16xi32> -> vector<16xf32>
        %rev3A_218 = arith.constant 15 : i32
        %rev3A_219 = vector.broadcast %rev3A_218 : i32 to vector<16xi32>
        %rev3A_220 = tpu.iota {dimensions = array<i32: 0>} : vector<16xi32>
        %rev3A_221 = arith.subi %rev3A_219, %rev3A_220 : vector<16xi32>
        %rev3A_222 = tpu.dynamic_gather %masked_sort3A_213[%rev3A_221] in [0] : vector<16xi32>, vector<16xi32> -> vector<16xi32>
        %ge3A = arith.cmpf oge, %while3A_203, %rev3A_217 : vector<16xf32>
        %select_n3A_223 = arith.select %ge3A, %while3A_203, %rev3A_217 : vector<16xi1>, vector<16xf32>
        %select_n3A_224 = arith.select %ge3A, %while3A_204, %rev3A_222 : vector<16xi1>, vector<16xi32>
        %select_n3A_225 = arith.select %ge3A, %rev3A_217, %while3A_203 : vector<16xi1>, vector<16xf32>
        %select_n3A_226 = arith.select %ge3A, %rev3A_222, %while3A_204 : vector<16xi1>, vector<16xi32>
        %masked_sort3A_227 = arith.constant dense<true> : vector<16xi1>
        %masked_sort3A_228, %masked_sort3A_229, %masked_sort3A_230 = tpu.sort %select_n3A_223, %select_n3A_224 masked %masked_sort3A_227 {descending = true} : (vector<16xf32>, vector<16xi32>, vector<16xi1>) -> (vector<16xi1>, vector<16xf32>, vector<16xi32>)
        %masked_sort3A_231 = arith.constant dense<true> : vector<16xi1>
        %masked_sort3A_232, %masked_sort3A_233, %masked_sort3A_234 = tpu.sort %select_n3A_225, %select_n3A_226 masked %masked_sort3A_231 {descending = true} : (vector<16xf32>, vector<16xi32>, vector<16xi1>) -> (vector<16xi1>, vector<16xf32>, vector<16xi32>)
        %rev3A_235 = arith.constant 15 : i32
        %rev3A_236 = vector.broadcast %rev3A_235 : i32 to vector<16xi32>
        %rev3A_237 = tpu.iota {dimensions = array<i32: 0>} : vector<16xi32>
        %rev3A_238 = arith.subi %rev3A_236, %rev3A_237 : vector<16xi32>
        %rev3A_239 = tpu.dynamic_gather %masked_sort3A_233[%rev3A_238] in [0] : vector<16xf32>, vector<16xi32> -> vector<16xf32>
        %rev3A_240 = arith.constant 15 : i32
        %rev3A_241 = vector.broadcast %rev3A_240 : i32 to vector<16xi32>
        %rev3A_242 = tpu.iota {dimensions = array<i32: 0>} : vector<16xi32>
        %rev3A_243 = arith.subi %rev3A_241, %rev3A_242 : vector<16xi32>
        %rev3A_244 = tpu.dynamic_gather %masked_sort3A_234[%rev3A_243] in [0] : vector<16xi32>, vector<16xi32> -> vector<16xi32>
        %ge3A_245 = arith.cmpf oge, %while3A_205, %rev3A_239 : vector<16xf32>
        %select_n3A_246 = arith.select %ge3A_245, %while3A_205, %rev3A_239 : vector<16xi1>, vector<16xf32>
        %select_n3A_247 = arith.select %ge3A_245, %while3A_206, %rev3A_244 : vector<16xi1>, vector<16xi32>
        %select_n3A_248 = arith.select %ge3A_245, %rev3A_239, %while3A_205 : vector<16xi1>, vector<16xf32>
        %select_n3A_249 = arith.select %ge3A_245, %rev3A_244, %while3A_206 : vector<16xi1>, vector<16xi32>
        %masked_sort3A_250 = arith.constant dense<true> : vector<16xi1>
        %masked_sort3A_251, %masked_sort3A_252, %masked_sort3A_253 = tpu.sort %select_n3A_246, %select_n3A_247 masked %masked_sort3A_250 {descending = true} : (vector<16xf32>, vector<16xi32>, vector<16xi1>) -> (vector<16xi1>, vector<16xf32>, vector<16xi32>)
        %masked_sort3A_254 = arith.constant dense<true> : vector<16xi1>
        %masked_sort3A_255, %masked_sort3A_256, %masked_sort3A_257 = tpu.sort %select_n3A_248, %select_n3A_249 masked %masked_sort3A_254 {descending = true} : (vector<16xf32>, vector<16xi32>, vector<16xi1>) -> (vector<16xi1>, vector<16xf32>, vector<16xi32>)
        scf.yield %masked_sort3A_229, %masked_sort3A_230, %masked_sort3A_252, %masked_sort3A_253 : vector<16xf32>, vector<16xi32>, vector<16xf32>, vector<16xi32>
      }
      %mul3A_88 = arith.constant 32 : i32
      %mul3A_89 = arith.muli %mul3A_31, %mul3A_88 : i32
      %swap3A_90 = arith.index_cast %mul3A_89 : i32 to index
      %swap3A_91 = tpu.vector_load %arg10[%swap3A_90] {strides = array<i32>} : memref<2048xf32, #tpu.memory_space<vmem>>, vector<16xf32>,
      tpu.vector_store %arg10[%swap3A_90], %while3A_87#0 {strides = array<i32>} : memref<2048xf32, #tpu.memory_space<vmem>>, vector<16xf32>,
      %mul3A_92 = arith.constant 32 : i32
      %mul3A_93 = arith.muli %mul3A_31, %mul3A_92 : i32
      %add3A_94 = arith.constant 16 : i32
      %add3A_95 = arith.addi %mul3A_93, %add3A_94 : i32
      %swap3A_96 = arith.index_cast %add3A_95 : i32 to index
      %swap3A_97 = tpu.vector_load %arg10[%swap3A_96] {strides = array<i32>} : memref<2048xf32, #tpu.memory_space<vmem>>, vector<16xf32>,
      tpu.vector_store %arg10[%swap3A_96], %while3A_87#2 {strides = array<i32>} : memref<2048xf32, #tpu.memory_space<vmem>>, vector<16xf32>,
      %mul3A_98 = arith.constant 32 : i32
      %mul3A_99 = arith.muli %mul3A_31, %mul3A_98 : i32
      %swap3A_100 = arith.index_cast %mul3A_99 : i32 to index
      %swap3A_101 = tpu.vector_load %arg11[%swap3A_100] {strides = array<i32>} : memref<2048xi32, #tpu.memory_space<vmem>>, vector<16xi32>,
      tpu.vector_store %arg11[%swap3A_100], %while3A_87#1 {strides = array<i32>} : memref<2048xi32, #tpu.memory_space<vmem>>, vector<16xi32>,
      %mul3A_102 = arith.constant 32 : i32
      %mul3A_103 = arith.muli %mul3A_31, %mul3A_102 : i32
      %add3A_104 = arith.constant 16 : i32
      %add3A_105 = arith.addi %mul3A_103, %add3A_104 : i32
      %swap3A_106 = arith.index_cast %add3A_105 : i32 to index
      %swap3A_107 = tpu.vector_load %arg11[%swap3A_106] {strides = array<i32>} : memref<2048xi32, #tpu.memory_space<vmem>>, vector<16xi32>,
      tpu.vector_store %arg11[%swap3A_106], %while3A_87#3 {strides = array<i32>} : memref<2048xi32, #tpu.memory_space<vmem>>, vector<16xi32>,
      %mul3A_108 = arith.constant 2 : i32
      %mul3A_109 = arith.muli %mul3A_108, %scan3A_29 : i32
      %add3A_110 = arith.constant 1 : i32
      %add3A_111 = arith.addi %mul3A_109, %add3A_110 : i32
      %add3A_112 = arith.addi %mul3A_2, %add3A_111 : i32
      %dma_wait3A_113 = arith.constant 0 : i32
      %dma_wait3A_114 = tpu.memref_slice %arg8[%dma_wait3A_113] : memref<16400xf32, #tpu.memory_space<vmem>> -> memref<16384xf32, #tpu.memory_space<vmem>>
      %dma_wait3A_115 = arith.constant 0 : i32
      %dma_wait3A_116 = tpu.memref_slice %arg2[%add3A_112, %dma_wait3A_115] : memref<2048x16384xf32, #tpu.memory_space<hbm>> -> memref<1x16384xf32, #tpu.memory_space<hbm>>
      %dma_wait3A_117 = tpu.memref_squeeze %dma_wait3A_116 : memref<1x16384xf32, #tpu.memory_space<hbm>> -> memref<16384xf32, #tpu.memory_space<hbm>>
      %dma_wait3A_118 = arith.constant 0 : i32
      %dma_wait3A_119 = tpu.memref_slice %arg8[%dma_wait3A_118] : memref<16400xf32, #tpu.memory_space<vmem>> -> memref<16384xf32, #tpu.memory_space<vmem>>
      %dma_wait3A_120 = arith.constant 0 : i32
      %dma_wait3A_121 = tpu.memref_slice %arg2[%add3A_112, %dma_wait3A_120] : memref<2048x16384xf32, #tpu.memory_space<hbm>> -> memref<1x16384xf32, #tpu.memory_space<hbm>>
      %dma_wait3A_122 = tpu.memref_squeeze %dma_wait3A_121 : memref<1x16384xf32, #tpu.memory_space<hbm>> -> memref<16384xf32, #tpu.memory_space<hbm>>
      tpu.wait_dma2 semaphore(%arg13 : memref<!tpu.dma_semaphore, #tpu.memory_space<semaphore_mem>>) src(%dma_wait3A_122 : memref<16384xf32, #tpu.memory_space<hbm>>) dst(%dma_wait3A_119 : memref<16384xf32, #tpu.memory_space<vmem>>)
      %add3A_123 = arith.constant 1 : i32
      %add3A_124 = arith.addi %add3A_111, %add3A_123 : i32
      %lt3A_125 = arith.constant 64 : i32
      %lt3A_126 = arith.cmpi slt, %add3A_124, %lt3A_125 : i32
      %convert_element_type3A_127 = arith.extui %lt3A_126 : i1 to i32
      %cond3A_128 = arith.constant 0 : i32
      %cond3A_129 = arith.cmpi ne, %convert_element_type3A_127, %cond3A_128 : i32
      scf.if %cond3A_129 {
        %add3A_202 = arith.constant 1 : i32
        %add3A_203 = arith.addi %add3A_111, %add3A_202 : i32
        %add3A_204 = arith.addi %mul3A_2, %add3A_203 : i32
        %dma_start3A_205 = arith.constant 0 : i32
        %dma_start3A_206 = tpu.memref_slice %arg7[%dma_start3A_205] : memref<16400xf32, #tpu.memory_space<vmem>> -> memref<16384xf32, #tpu.memory_space<vmem>>
        %dma_start3A_207 = arith.constant 0 : i32
        %dma_start3A_208 = tpu.memref_slice %arg2[%add3A_204, %dma_start3A_207] : memref<2048x16384xf32, #tpu.memory_space<hbm>> -> memref<1x16384xf32, #tpu.memory_space<hbm>>
        %dma_start3A_209 = tpu.memref_squeeze %dma_start3A_208 : memref<1x16384xf32, #tpu.memory_space<hbm>> -> memref<16384xf32, #tpu.memory_space<hbm>>
        %dma_start3A_210 = arith.constant 0 : i32
        %dma_start3A_211 = tpu.memref_slice %arg7[%dma_start3A_210] : memref<16400xf32, #tpu.memory_space<vmem>> -> memref<16384xf32, #tpu.memory_space<vmem>>
        %dma_start3A_212 = arith.constant 0 : i32
        %dma_start3A_213 = tpu.memref_slice %arg2[%add3A_204, %dma_start3A_212] : memref<2048x16384xf32, #tpu.memory_space<hbm>> -> memref<1x16384xf32, #tpu.memory_space<hbm>>
        %dma_start3A_214 = tpu.memref_squeeze %dma_start3A_213 : memref<1x16384xf32, #tpu.memory_space<hbm>> -> memref<16384xf32, #tpu.memory_space<hbm>>
        tpu.enqueue_dma source(%dma_start3A_214 : memref<16384xf32, #tpu.memory_space<hbm>>) target(%dma_start3A_211 : memref<16384xf32, #tpu.memory_space<vmem>>) target_semaphore(%arg12 : memref<!tpu.dma_semaphore, #tpu.memory_space<semaphore_mem>>)
      } else {
      }
      %get3A_130 = arith.index_cast %add3A_111 : i32 to index
      %get3A_131 = arith.constant 0 : index
      %get3A_132 = tpu.vector_load %arg6[%get3A_130, %get3A_131] {strides = array<i32>} : memref<64x16xf32, #tpu.memory_space<vmem>>, vector<16xf32>,
      %scan3A_133 = arith.constant 0 : i32
      %scan3A_134 = arith.constant 0 : i32
      %scan3A_135 = arith.constant 1024 : i32
      %scan3A_136 = arith.addi %scan3A_134, %scan3A_135 : i32
      %scan3A_137 = arith.constant 1 : i32
      %scan3A_138 = scf.for %scan3A_202 = %scan3A_134 to %scan3A_136 step %scan3A_137 iter_args(%scan3A_203 = %scan3A_133) -> (i32)  : i32 {
        %mul3A_204 = arith.constant 16 : i32
        %mul3A_205 = arith.muli %scan3A_202, %mul3A_204 : i32
        %get3A_206 = arith.index_cast %mul3A_205 : i32 to index
        %get3A_207 = tpu.vector_load %arg8[%get3A_206] {strides = array<i32>} : memref<16400xf32, #tpu.memory_space<vmem>>, vector<16xf32>,
        %ge3A = arith.cmpf oge, %get3A_207, %get3A_132 : vector<16xf32>
        %mul3A_208 = arith.constant 16 : i32
        %mul3A_209 = arith.muli %scan3A_202, %mul3A_208 : i32
        %add3A_210 = vector.broadcast %mul3A_209 : i32 to vector<16xi32>
        %add3A_211 = arith.addi %iota3A, %add3A_210 : vector<16xi32>
        %swap3A_212 = arith.index_cast %scan3A_203 : i32 to index
        %swap3A_213 = tpu.vector_load %arg9[%swap3A_212] masked %ge3A {strides = array<i32>} : memref<16416xi32, #tpu.memory_space<vmem>>, vector<16xi32>, vector<16xi1>
        tpu.vector_store %arg9[%swap3A_212], %add3A_211 masked %ge3A {strides = array<i32>} : memref<16416xi32, #tpu.memory_space<vmem>>, vector<16xi32>, vector<16xi1>
        %all_reduce_population_count3A = tpu.all_reduce %ge3A {dim = 0 : i64, kind = #tpu.reduction_kind<sum>} : vector<16xi1> -> vector<16xi32>
        %slice3A = vector.extract_strided_slice %all_reduce_population_count3A {offsets = [0], sizes = [1], strides = [1]} : vector<16xi32> to vector<1xi32>
        %squeeze3A = vector.extract %slice3A[0] : i32 from vector<1xi32>
        %add3A_214 = arith.addi %scan3A_203, %squeeze3A : i32
        scf.yield %add3A_214 : i32
      }
      %scan3A_139 = arith.constant 1024 : i32
      %add3A_140 = arith.constant 16384 : i32
      %add3A_141 = vector.broadcast %add3A_140 : i32 to vector<16xi32>
      %add3A_142 = arith.addi %iota3A, %add3A_141 : vector<16xi32>
      %swap3A_143 = arith.index_cast %scan3A_138 : i32 to index
      %swap3A_144 = tpu.vector_load %arg9[%swap3A_143] {strides = array<i32>} : memref<16416xi32, #tpu.memory_space<vmem>>, vector<16xi32>,
      tpu.vector_store %arg9[%swap3A_143], %add3A_142 {strides = array<i32>} : memref<16416xi32, #tpu.memory_space<vmem>>, vector<16xi32>,
      %jit3A_145 = arith.constant 16 : i32
      %div3A_146 = arith.divsi %scan3A_138, %jit3A_145 : i32
      %sign3A_147 = arith.constant 0 : i32
      %sign3A_148 = arith.cmpi sgt, %scan3A_138, %sign3A_147 : i32
      %sign3A_149 = arith.extui %sign3A_148 : i1 to i32
      %sign3A_150 = arith.constant 0 : i32
      %sign3A_151 = arith.cmpi slt, %scan3A_138, %sign3A_150 : i32
      %sign3A_152 = arith.extui %sign3A_151 : i1 to i32
      %sign3A_153 = arith.subi %sign3A_149, %sign3A_152 : i32
      %sign3A_154 = arith.constant 0 : i32
      %sign3A_155 = arith.cmpi sgt, %jit3A_145, %sign3A_154 : i32
      %sign3A_156 = arith.extui %sign3A_155 : i1 to i32
      %sign3A_157 = arith.constant 0 : i32
      %sign3A_158 = arith.cmpi slt, %jit3A_145, %sign3A_157 : i32
      %sign3A_159 = arith.extui %sign3A_158 : i1 to i32
      %sign3A_160 = arith.subi %sign3A_156, %sign3A_159 : i32
      %ne3A_161 = arith.cmpi ne, %sign3A_153, %sign3A_160 : i32
      %rem3A_162 = arith.remsi %scan3A_138, %jit3A_145 : i32
      %ne3A_163 = arith.constant 0 : i32
      %ne3A_164 = arith.cmpi ne, %rem3A_162, %ne3A_163 : i32
      %and3A_165 = arith.andi %ne3A_161, %ne3A_164 : i1
      %sub3A_166 = arith.constant 1 : i32
      %sub3A_167 = arith.subi %div3A_146, %sub3A_166 : i32
      %select_n3A_168 = arith.select %and3A_165, %sub3A_167, %div3A_146 : i32
      %add3A_169 = arith.constant 1 : i32
      %add3A_170 = arith.addi %select_n3A_168, %add3A_169 : i32
      %while3A_171 = arith.constant 0 : i32
      %while3A_172 = arith.subi %add3A_170, %while3A_171 : i32
      %while3A_173 = arith.addi %while3A_171, %while3A_172 : i32
      %while3A_174 = arith.constant 1 : i32
      %while3A_175 = arith.divsi %while3A_172, %while3A_174 : i32
      %while3A_176 = arith.muli %while3A_175, %while3A_174 : i32
      %while3A_177 = arith.addi %while3A_171, %while3A_176 : i32
      %while3A_178 = arith.constant 1 : i32
      %while3A_179:4 = scf.for %while3A_202 = %while3A_171 to %while3A_177 step %while3A_178 iter_args(%while3A_203 = %broadcast_in_dim3A_5, %while3A_204 = %broadcast_in_dim3A_3, %while3A_205 = %broadcast_in_dim3A_5, %while3A_206 = %broadcast_in_dim3A_3) -> (vector<16xf32>, vector<16xi32>, vector<16xf32>, vector<16xi32>)  : i32 {
        %mul3A_207 = arith.constant 16 : i32
        %mul3A_208 = arith.muli %while3A_202, %mul3A_207 : i32
        %get3A_209 = arith.index_cast %mul3A_208 : i32 to index
        %get3A_210 = tpu.vector_load %arg9[%get3A_209] {strides = array<i32>} : memref<16416xi32, #tpu.memory_space<vmem>>, vector<16xi32>,
        %gather3A = tpu.vector_load_idx %arg8[%get3A_210] : memref<16400xf32, #tpu.memory_space<vmem>>[vector<16xi32>], vector<16xf32>,
        %masked_sort3A = arith.constant dense<true> : vector<16xi1>
        %masked_sort3A_211, %masked_sort3A_212, %masked_sort3A_213 = tpu.sort %gather3A, %get3A_210 masked %masked_sort3A {descending = true} : (vector<16xf32>, vector<16xi32>, vector<16xi1>) -> (vector<16xi1>, vector<16xf32>, vector<16xi32>)
        %rev3A = arith.constant 15 : i32
        %rev3A_214 = vector.broadcast %rev3A : i32 to vector<16xi32>
        %rev3A_215 = tpu.iota {dimensions = array<i32: 0>} : vector<16xi32>
        %rev3A_216 = arith.subi %rev3A_214, %rev3A_215 : vector<16xi32>
        %rev3A_217 = tpu.dynamic_gather %masked_sort3A_212[%rev3A_216] in [0] : vector<16xf32>, vector<16xi32> -> vector<16xf32>
        %rev3A_218 = arith.constant 15 : i32
        %rev3A_219 = vector.broadcast %rev3A_218 : i32 to vector<16xi32>
        %rev3A_220 = tpu.iota {dimensions = array<i32: 0>} : vector<16xi32>
        %rev3A_221 = arith.subi %rev3A_219, %rev3A_220 : vector<16xi32>
        %rev3A_222 = tpu.dynamic_gather %masked_sort3A_213[%rev3A_221] in [0] : vector<16xi32>, vector<16xi32> -> vector<16xi32>
        %ge3A = arith.cmpf oge, %while3A_203, %rev3A_217 : vector<16xf32>
        %select_n3A_223 = arith.select %ge3A, %while3A_203, %rev3A_217 : vector<16xi1>, vector<16xf32>
        %select_n3A_224 = arith.select %ge3A, %while3A_204, %rev3A_222 : vector<16xi1>, vector<16xi32>
        %select_n3A_225 = arith.select %ge3A, %rev3A_217, %while3A_203 : vector<16xi1>, vector<16xf32>
        %select_n3A_226 = arith.select %ge3A, %rev3A_222, %while3A_204 : vector<16xi1>, vector<16xi32>
        %masked_sort3A_227 = arith.constant dense<true> : vector<16xi1>
        %masked_sort3A_228, %masked_sort3A_229, %masked_sort3A_230 = tpu.sort %select_n3A_223, %select_n3A_224 masked %masked_sort3A_227 {descending = true} : (vector<16xf32>, vector<16xi32>, vector<16xi1>) -> (vector<16xi1>, vector<16xf32>, vector<16xi32>)
        %masked_sort3A_231 = arith.constant dense<true> : vector<16xi1>
        %masked_sort3A_232, %masked_sort3A_233, %masked_sort3A_234 = tpu.sort %select_n3A_225, %select_n3A_226 masked %masked_sort3A_231 {descending = true} : (vector<16xf32>, vector<16xi32>, vector<16xi1>) -> (vector<16xi1>, vector<16xf32>, vector<16xi32>)
        %rev3A_235 = arith.constant 15 : i32
        %rev3A_236 = vector.broadcast %rev3A_235 : i32 to vector<16xi32>
        %rev3A_237 = tpu.iota {dimensions = array<i32: 0>} : vector<16xi32>
        %rev3A_238 = arith.subi %rev3A_236, %rev3A_237 : vector<16xi32>
        %rev3A_239 = tpu.dynamic_gather %masked_sort3A_233[%rev3A_238] in [0] : vector<16xf32>, vector<16xi32> -> vector<16xf32>
        %rev3A_240 = arith.constant 15 : i32
        %rev3A_241 = vector.broadcast %rev3A_240 : i32 to vector<16xi32>
        %rev3A_242 = tpu.iota {dimensions = array<i32: 0>} : vector<16xi32>
        %rev3A_243 = arith.subi %rev3A_241, %rev3A_242 : vector<16xi32>
        %rev3A_244 = tpu.dynamic_gather %masked_sort3A_234[%rev3A_243] in [0] : vector<16xi32>, vector<16xi32> -> vector<16xi32>
        %ge3A_245 = arith.cmpf oge, %while3A_205, %rev3A_239 : vector<16xf32>
        %select_n3A_246 = arith.select %ge3A_245, %while3A_205, %rev3A_239 : vector<16xi1>, vector<16xf32>
        %select_n3A_247 = arith.select %ge3A_245, %while3A_206, %rev3A_244 : vector<16xi1>, vector<16xi32>
        %select_n3A_248 = arith.select %ge3A_245, %rev3A_239, %while3A_205 : vector<16xi1>, vector<16xf32>
        %select_n3A_249 = arith.select %ge3A_245, %rev3A_244, %while3A_206 : vector<16xi1>, vector<16xi32>
        %masked_sort3A_250 = arith.constant dense<true> : vector<16xi1>
        %masked_sort3A_251, %masked_sort3A_252, %masked_sort3A_253 = tpu.sort %select_n3A_246, %select_n3A_247 masked %masked_sort3A_250 {descending = true} : (vector<16xf32>, vector<16xi32>, vector<16xi1>) -> (vector<16xi1>, vector<16xf32>, vector<16xi32>)
        %masked_sort3A_254 = arith.constant dense<true> : vector<16xi1>
        %masked_sort3A_255, %masked_sort3A_256, %masked_sort3A_257 = tpu.sort %select_n3A_248, %select_n3A_249 masked %masked_sort3A_254 {descending = true} : (vector<16xf32>, vector<16xi32>, vector<16xi1>) -> (vector<16xi1>, vector<16xf32>, vector<16xi32>)
        scf.yield %masked_sort3A_229, %masked_sort3A_230, %masked_sort3A_252, %masked_sort3A_253 : vector<16xf32>, vector<16xi32>, vector<16xf32>, vector<16xi32>
      }
      %while3A_180 = arith.constant 1 : i32
      %while3A_181:4 = scf.for %while3A_202 = %while3A_177 to %while3A_173 step %while3A_180 iter_args(%while3A_203 = %while3A_179#0, %while3A_204 = %while3A_179#1, %while3A_205 = %while3A_179#2, %while3A_206 = %while3A_179#3) -> (vector<16xf32>, vector<16xi32>, vector<16xf32>, vector<16xi32>)  : i32 {
        %mul3A_207 = arith.constant 16 : i32
        %mul3A_208 = arith.muli %while3A_202, %mul3A_207 : i32
        %get3A_209 = arith.index_cast %mul3A_208 : i32 to index
        %get3A_210 = tpu.vector_load %arg9[%get3A_209] {strides = array<i32>} : memref<16416xi32, #tpu.memory_space<vmem>>, vector<16xi32>,
        %gather3A = tpu.vector_load_idx %arg8[%get3A_210] : memref<16400xf32, #tpu.memory_space<vmem>>[vector<16xi32>], vector<16xf32>,
        %masked_sort3A = arith.constant dense<true> : vector<16xi1>
        %masked_sort3A_211, %masked_sort3A_212, %masked_sort3A_213 = tpu.sort %gather3A, %get3A_210 masked %masked_sort3A {descending = true} : (vector<16xf32>, vector<16xi32>, vector<16xi1>) -> (vector<16xi1>, vector<16xf32>, vector<16xi32>)
        %rev3A = arith.constant 15 : i32
        %rev3A_214 = vector.broadcast %rev3A : i32 to vector<16xi32>
        %rev3A_215 = tpu.iota {dimensions = array<i32: 0>} : vector<16xi32>
        %rev3A_216 = arith.subi %rev3A_214, %rev3A_215 : vector<16xi32>
        %rev3A_217 = tpu.dynamic_gather %masked_sort3A_212[%rev3A_216] in [0] : vector<16xf32>, vector<16xi32> -> vector<16xf32>
        %rev3A_218 = arith.constant 15 : i32
        %rev3A_219 = vector.broadcast %rev3A_218 : i32 to vector<16xi32>
        %rev3A_220 = tpu.iota {dimensions = array<i32: 0>} : vector<16xi32>
        %rev3A_221 = arith.subi %rev3A_219, %rev3A_220 : vector<16xi32>
        %rev3A_222 = tpu.dynamic_gather %masked_sort3A_213[%rev3A_221] in [0] : vector<16xi32>, vector<16xi32> -> vector<16xi32>
        %ge3A = arith.cmpf oge, %while3A_203, %rev3A_217 : vector<16xf32>
        %select_n3A_223 = arith.select %ge3A, %while3A_203, %rev3A_217 : vector<16xi1>, vector<16xf32>
        %select_n3A_224 = arith.select %ge3A, %while3A_204, %rev3A_222 : vector<16xi1>, vector<16xi32>
        %select_n3A_225 = arith.select %ge3A, %rev3A_217, %while3A_203 : vector<16xi1>, vector<16xf32>
        %select_n3A_226 = arith.select %ge3A, %rev3A_222, %while3A_204 : vector<16xi1>, vector<16xi32>
        %masked_sort3A_227 = arith.constant dense<true> : vector<16xi1>
        %masked_sort3A_228, %masked_sort3A_229, %masked_sort3A_230 = tpu.sort %select_n3A_223, %select_n3A_224 masked %masked_sort3A_227 {descending = true} : (vector<16xf32>, vector<16xi32>, vector<16xi1>) -> (vector<16xi1>, vector<16xf32>, vector<16xi32>)
        %masked_sort3A_231 = arith.constant dense<true> : vector<16xi1>
        %masked_sort3A_232, %masked_sort3A_233, %masked_sort3A_234 = tpu.sort %select_n3A_225, %select_n3A_226 masked %masked_sort3A_231 {descending = true} : (vector<16xf32>, vector<16xi32>, vector<16xi1>) -> (vector<16xi1>, vector<16xf32>, vector<16xi32>)
        %rev3A_235 = arith.constant 15 : i32
        %rev3A_236 = vector.broadcast %rev3A_235 : i32 to vector<16xi32>
        %rev3A_237 = tpu.iota {dimensions = array<i32: 0>} : vector<16xi32>
        %rev3A_238 = arith.subi %rev3A_236, %rev3A_237 : vector<16xi32>
        %rev3A_239 = tpu.dynamic_gather %masked_sort3A_233[%rev3A_238] in [0] : vector<16xf32>, vector<16xi32> -> vector<16xf32>
        %rev3A_240 = arith.constant 15 : i32
        %rev3A_241 = vector.broadcast %rev3A_240 : i32 to vector<16xi32>
        %rev3A_242 = tpu.iota {dimensions = array<i32: 0>} : vector<16xi32>
        %rev3A_243 = arith.subi %rev3A_241, %rev3A_242 : vector<16xi32>
        %rev3A_244 = tpu.dynamic_gather %masked_sort3A_234[%rev3A_243] in [0] : vector<16xi32>, vector<16xi32> -> vector<16xi32>
        %ge3A_245 = arith.cmpf oge, %while3A_205, %rev3A_239 : vector<16xf32>
        %select_n3A_246 = arith.select %ge3A_245, %while3A_205, %rev3A_239 : vector<16xi1>, vector<16xf32>
        %select_n3A_247 = arith.select %ge3A_245, %while3A_206, %rev3A_244 : vector<16xi1>, vector<16xi32>
        %select_n3A_248 = arith.select %ge3A_245, %rev3A_239, %while3A_205 : vector<16xi1>, vector<16xf32>
        %select_n3A_249 = arith.select %ge3A_245, %rev3A_244, %while3A_206 : vector<16xi1>, vector<16xi32>
        %masked_sort3A_250 = arith.constant dense<true> : vector<16xi1>
        %masked_sort3A_251, %masked_sort3A_252, %masked_sort3A_253 = tpu.sort %select_n3A_246, %select_n3A_247 masked %masked_sort3A_250 {descending = true} : (vector<16xf32>, vector<16xi32>, vector<16xi1>) -> (vector<16xi1>, vector<16xf32>, vector<16xi32>)
        %masked_sort3A_254 = arith.constant dense<true> : vector<16xi1>
        %masked_sort3A_255, %masked_sort3A_256, %masked_sort3A_257 = tpu.sort %select_n3A_248, %select_n3A_249 masked %masked_sort3A_254 {descending = true} : (vector<16xf32>, vector<16xi32>, vector<16xi1>) -> (vector<16xi1>, vector<16xf32>, vector<16xi32>)
        scf.yield %masked_sort3A_229, %masked_sort3A_230, %masked_sort3A_252, %masked_sort3A_253 : vector<16xf32>, vector<16xi32>, vector<16xf32>, vector<16xi32>
      }
      %mul3A_182 = arith.constant 32 : i32
      %mul3A_183 = arith.muli %add3A_111, %mul3A_182 : i32
      %swap3A_184 = arith.index_cast %mul3A_183 : i32 to index
      %swap3A_185 = tpu.vector_load %arg10[%swap3A_184] {strides = array<i32>} : memref<2048xf32, #tpu.memory_space<vmem>>, vector<16xf32>,
      tpu.vector_store %arg10[%swap3A_184], %while3A_181#0 {strides = array<i32>} : memref<2048xf32, #tpu.memory_space<vmem>>, vector<16xf32>,
      %mul3A_186 = arith.constant 32 : i32
      %mul3A_187 = arith.muli %add3A_111, %mul3A_186 : i32
      %add3A_188 = arith.constant 16 : i32
      %add3A_189 = arith.addi %mul3A_187, %add3A_188 : i32
      %swap3A_190 = arith.index_cast %add3A_189 : i32 to index
      %swap3A_191 = tpu.vector_load %arg10[%swap3A_190] {strides = array<i32>} : memref<2048xf32, #tpu.memory_space<vmem>>, vector<16xf32>,
      tpu.vector_store %arg10[%swap3A_190], %while3A_181#2 {strides = array<i32>} : memref<2048xf32, #tpu.memory_space<vmem>>, vector<16xf32>,
      %mul3A_192 = arith.constant 32 : i32
      %mul3A_193 = arith.muli %add3A_111, %mul3A_192 : i32
      %swap3A_194 = arith.index_cast %mul3A_193 : i32 to index
      %swap3A_195 = tpu.vector_load %arg11[%swap3A_194] {strides = array<i32>} : memref<2048xi32, #tpu.memory_space<vmem>>, vector<16xi32>,
      tpu.vector_store %arg11[%swap3A_194], %while3A_181#1 {strides = array<i32>} : memref<2048xi32, #tpu.memory_space<vmem>>, vector<16xi32>,
      %mul3A_196 = arith.constant 32 : i32
      %mul3A_197 = arith.muli %add3A_111, %mul3A_196 : i32
      %add3A_198 = arith.constant 16 : i32
      %add3A_199 = arith.addi %mul3A_197, %add3A_198 : i32
      %swap3A_200 = arith.index_cast %add3A_199 : i32 to index
      %swap3A_201 = tpu.vector_load %arg11[%swap3A_200] {strides = array<i32>} : memref<2048xi32, #tpu.memory_space<vmem>>, vector<16xi32>,
      tpu.vector_store %arg11[%swap3A_200], %while3A_181#3 {strides = array<i32>} : memref<2048xi32, #tpu.memory_space<vmem>>, vector<16xi32>,
    }
    %scan3A_24 = arith.constant 32 : i32
    %mul3A_25 = arith.constant 32 : i32
    %mul3A_26 = arith.muli %mul3A_2, %mul3A_25 : i32
    "tpu.region"() ({
      %run_scoped3A = tpu.sem_alloc : memref<!tpu.dma_semaphore, #tpu.memory_space<semaphore_mem>>
      %dma_start3A_29 = tpu.memref_slice %arg4[%mul3A_26] : memref<65536xf32, #tpu.memory_space<hbm>> -> memref<2048xf32, #tpu.memory_space<hbm>>
      %dma_start3A_30 = tpu.memref_slice %arg4[%mul3A_26] : memref<65536xf32, #tpu.memory_space<hbm>> -> memref<2048xf32, #tpu.memory_space<hbm>>
      tpu.enqueue_dma source(%arg10 : memref<2048xf32, #tpu.memory_space<vmem>>) target(%dma_start3A_30 : memref<2048xf32, #tpu.memory_space<hbm>>) target_semaphore(%run_scoped3A : memref<!tpu.dma_semaphore, #tpu.memory_space<semaphore_mem>>)
      %dma_wait3A = tpu.memref_slice %arg4[%mul3A_26] : memref<65536xf32, #tpu.memory_space<hbm>> -> memref<2048xf32, #tpu.memory_space<hbm>>
      %dma_wait3A_31 = tpu.memref_slice %arg4[%mul3A_26] : memref<65536xf32, #tpu.memory_space<hbm>> -> memref<2048xf32, #tpu.memory_space<hbm>>
      tpu.wait_dma2 semaphore(%run_scoped3A : memref<!tpu.dma_semaphore, #tpu.memory_space<semaphore_mem>>) src(%arg10 : memref<2048xf32, #tpu.memory_space<vmem>>) dst(%dma_wait3A_31 : memref<2048xf32, #tpu.memory_space<hbm>>)
      tpu.yield
    }) : () -> ()
    %mul3A_27 = arith.constant 32 : i32
    %mul3A_28 = arith.muli %mul3A_2, %mul3A_27 : i32
    "tpu.region"() ({
      %run_scoped3A = tpu.sem_alloc : memref<!tpu.dma_semaphore, #tpu.memory_space<semaphore_mem>>
      %dma_start3A_29 = tpu.memref_slice %arg5[%mul3A_28] : memref<65536xi32, #tpu.memory_space<hbm>> -> memref<2048xi32, #tpu.memory_space<hbm>>
      %dma_start3A_30 = tpu.memref_slice %arg5[%mul3A_28] : memref<65536xi32, #tpu.memory_space<hbm>> -> memref<2048xi32, #tpu.memory_space<hbm>>
      tpu.enqueue_dma source(%arg11 : memref<2048xi32, #tpu.memory_space<vmem>>) target(%dma_start3A_30 : memref<2048xi32, #tpu.memory_space<hbm>>) target_semaphore(%run_scoped3A : memref<!tpu.dma_semaphore, #tpu.memory_space<semaphore_mem>>)
      %dma_wait3A = tpu.memref_slice %arg5[%mul3A_28] : memref<65536xi32, #tpu.memory_space<hbm>> -> memref<2048xi32, #tpu.memory_space<hbm>>
      %dma_wait3A_31 = tpu.memref_slice %arg5[%mul3A_28] : memref<65536xi32, #tpu.memory_space<hbm>> -> memref<2048xi32, #tpu.memory_space<hbm>>
      tpu.wait_dma2 semaphore(%run_scoped3A : memref<!tpu.dma_semaphore, #tpu.memory_space<semaphore_mem>>) src(%arg11 : memref<2048xi32, #tpu.memory_space<vmem>>) dst(%dma_wait3A_31 : memref<2048xi32, #tpu.memory_space<hbm>>)
      tpu.yield
    }) : () -> ()
    return
  }
}

module attributes {stable_mosaic.version = 14 : i64} {
  func.func @_loss_body(%arg0: memref<32x16xf32, #tpu.memory_space<vmem>>, %arg1: memref<1x1xf32, #tpu.memory_space<vmem>>) attributes {dimension_semantics = [], scalar_prefetch = 0 : i64, scratch_operands = 0 : i64, tpu.core_type = #tpu.core_type<tc>} {
    %get3A = arith.constant 0 : index
    %get3A_0 = arith.constant 0 : index
    %get3A_1 = vector.load %arg0[%get3A, %get3A_0] : memref<32x16xf32, #tpu.memory_space<vmem>>, vector<32x16xf32>
    %reduce_sum3A = vector.shape_cast %get3A_1 : vector<32x16xf32> to vector<1x32x16xf32>
    %reduce_sum3A_2 = arith.constant dense<0.000000e+00> : vector<1xf32>
    %reduce_sum3A_3 = vector.multi_reduction <add>, %reduce_sum3A, %reduce_sum3A_2 [1, 2] : vector<1x32x16xf32> to vector<1xf32>
    %reduce_sum3A_4 = vector.shape_cast %reduce_sum3A_3 : vector<1xf32> to vector<1x1x1xf32>
    %reduce_sum3A_5 = vector.extract %reduce_sum3A_4[0, 0, 0] : f32 from vector<1x1x1xf32>
    %div3A = arith.constant 2.048000e+03 : f32
    %div3A_6 = arith.divf %reduce_sum3A_5, %div3A : f32
    %reshape3A = vector.broadcast %div3A_6 : f32 to vector<1x1xf32>
    %swap3A = arith.constant 0 : index
    %swap3A_7 = arith.constant 0 : index
    %swap3A_8 = vector.load %arg1[%swap3A, %swap3A_7] : memref<1x1xf32, #tpu.memory_space<vmem>>, vector<1x1xf32>
    tpu.vector_store %arg1[%swap3A, %swap3A_7], %reshape3A {strides = array<i32>} : memref<1x1xf32, #tpu.memory_space<vmem>>, vector<1x1xf32>,
    return
  }
}

module attributes {stable_mosaic.version = 14 : i64} {
  func.func @_mm_body(%arg0: i32, %arg1: i32, %arg2: memref<256x768xf32, #tpu.memory_space<vmem>>, %arg3: memref<1024x768xf32, #tpu.memory_space<vmem>>, %arg4: memref<256x1024xf32, #tpu.memory_space<vmem>>, %arg5: memref<256x16xf32, #tpu.memory_space<vmem>>, %arg6: memref<16x256x8xf32, #tpu.memory_space<vmem>>) attributes {dimension_semantics = [#tpu.dimension_semantics<parallel>, #tpu.dimension_semantics<arbitrary>], iteration_bounds = array<i64: 8, 16>, scalar_prefetch = 0 : i64, scratch_operands = 1 : i64, tpu.core_type = #tpu.core_type<tc>, window_params = [{transform_indices = @transform_0, window_bounds = array<i64: 256, 768>}, {transform_indices = @transform_1, window_bounds = array<i64: 1024, 768>}, {transform_indices = @transform_2, window_bounds = array<i64: 256, 1024>}, {transform_indices = @transform_3, window_bounds = array<i64: 256, 16>}]} {
    %get3A = arith.constant 0 : index
    %get3A_0 = arith.constant 0 : index
    %get3A_1 = vector.load %arg2[%get3A, %get3A_0] : memref<256x768xf32, #tpu.memory_space<vmem>>, vector<256x768xf32>
    %get3A_2 = arith.constant 0 : index
    %get3A_3 = arith.constant 0 : index
    %get3A_4 = vector.load %arg3[%get3A_2, %get3A_3] : memref<1024x768xf32, #tpu.memory_space<vmem>>, vector<1024x768xf32>
    %dot_general3A = arith.constant dense<0.000000e+00> : vector<256x1024xf32>
    %dot_general3A_5 = tpu.matmul %get3A_1, %get3A_4, %dot_general3A {dimension_numbers = #tpu.dot_dimension_numbers<[1], [1], [0], [0], [0, 0, 1, 0], [], []>, transpose_lhs_hint = false} : vector<256x768xf32>, vector<1024x768xf32>, vector<256x1024xf32> -> vector<256x1024xf32>
    %swap3A = arith.constant 0 : index
    %swap3A_6 = arith.constant 0 : index
    %swap3A_7 = vector.load %arg4[%swap3A, %swap3A_6] : memref<256x1024xf32, #tpu.memory_space<vmem>>, vector<256x1024xf32>
    tpu.vector_store %arg4[%swap3A, %swap3A_6], %dot_general3A_5 {strides = array<i32>} : memref<256x1024xf32, #tpu.memory_space<vmem>>, vector<256x1024xf32>,
    %reshape3A = vector.shape_cast %dot_general3A_5 : vector<256x1024xf32> to vector<256x8x128xf32>
    %reduce_max3A = arith.constant dense<0xFF800000> : vector<256x8xf32>
    %reduce_max3A_8 = vector.multi_reduction <maximumf>, %reshape3A, %reduce_max3A [2] : vector<256x8x128xf32> to vector<256x8xf32>
    %swap3A_9 = arith.index_cast %arg1 : i32 to index
    %swap3A_10 = arith.constant 0 : index
    %swap3A_11 = arith.constant 0 : index
    %swap3A_12 = vector.load %arg6[%swap3A_9, %swap3A_10, %swap3A_11] : memref<16x256x8xf32, #tpu.memory_space<vmem>>, vector<1x256x8xf32>
    %swap3A_13 = vector.shape_cast %swap3A_12 : vector<1x256x8xf32> to vector<256x8xf32>
    %swap3A_14 = vector.shape_cast %reduce_max3A_8 : vector<256x8xf32> to vector<1x256x8xf32>
    tpu.vector_store %arg6[%swap3A_9, %swap3A_10, %swap3A_11], %swap3A_14 {strides = array<i32>} : memref<16x256x8xf32, #tpu.memory_space<vmem>>, vector<1x256x8xf32>,
    %eq3A = arith.constant 15 : i32
    %eq3A_15 = arith.cmpi eq, %arg1, %eq3A : i32
    %convert_element_type3A = arith.extui %eq3A_15 : i1 to i32
    %cond3A = arith.constant 0 : i32
    %cond3A_16 = arith.cmpi ne, %convert_element_type3A, %cond3A : i32
    scf.if %cond3A_16 {
      %get3A_17 = arith.constant 0 : index
      %get3A_18 = arith.constant 0 : index
      %get3A_19 = arith.constant 0 : index
      %get3A_20 = vector.load %arg6[%get3A_17, %get3A_18, %get3A_19] : memref<16x256x8xf32, #tpu.memory_space<vmem>>, vector<1x256x8xf32>
      %get3A_21 = vector.shape_cast %get3A_20 : vector<1x256x8xf32> to vector<256x8xf32>
      %get3A_22 = arith.constant 1 : index
      %get3A_23 = arith.constant 0 : index
      %get3A_24 = arith.constant 0 : index
      %get3A_25 = vector.load %arg6[%get3A_22, %get3A_23, %get3A_24] : memref<16x256x8xf32, #tpu.memory_space<vmem>>, vector<1x256x8xf32>
      %get3A_26 = vector.shape_cast %get3A_25 : vector<1x256x8xf32> to vector<256x8xf32>
      %get3A_27 = arith.constant 2 : index
      %get3A_28 = arith.constant 0 : index
      %get3A_29 = arith.constant 0 : index
      %get3A_30 = vector.load %arg6[%get3A_27, %get3A_28, %get3A_29] : memref<16x256x8xf32, #tpu.memory_space<vmem>>, vector<1x256x8xf32>
      %get3A_31 = vector.shape_cast %get3A_30 : vector<1x256x8xf32> to vector<256x8xf32>
      %get3A_32 = arith.constant 3 : index
      %get3A_33 = arith.constant 0 : index
      %get3A_34 = arith.constant 0 : index
      %get3A_35 = vector.load %arg6[%get3A_32, %get3A_33, %get3A_34] : memref<16x256x8xf32, #tpu.memory_space<vmem>>, vector<1x256x8xf32>
      %get3A_36 = vector.shape_cast %get3A_35 : vector<1x256x8xf32> to vector<256x8xf32>
      %get3A_37 = arith.constant 4 : index
      %get3A_38 = arith.constant 0 : index
      %get3A_39 = arith.constant 0 : index
      %get3A_40 = vector.load %arg6[%get3A_37, %get3A_38, %get3A_39] : memref<16x256x8xf32, #tpu.memory_space<vmem>>, vector<1x256x8xf32>
      %get3A_41 = vector.shape_cast %get3A_40 : vector<1x256x8xf32> to vector<256x8xf32>
      %get3A_42 = arith.constant 5 : index
      %get3A_43 = arith.constant 0 : index
      %get3A_44 = arith.constant 0 : index
      %get3A_45 = vector.load %arg6[%get3A_42, %get3A_43, %get3A_44] : memref<16x256x8xf32, #tpu.memory_space<vmem>>, vector<1x256x8xf32>
      %get3A_46 = vector.shape_cast %get3A_45 : vector<1x256x8xf32> to vector<256x8xf32>
      %get3A_47 = arith.constant 6 : index
      %get3A_48 = arith.constant 0 : index
      %get3A_49 = arith.constant 0 : index
      %get3A_50 = vector.load %arg6[%get3A_47, %get3A_48, %get3A_49] : memref<16x256x8xf32, #tpu.memory_space<vmem>>, vector<1x256x8xf32>
      %get3A_51 = vector.shape_cast %get3A_50 : vector<1x256x8xf32> to vector<256x8xf32>
      %get3A_52 = arith.constant 7 : index
      %get3A_53 = arith.constant 0 : index
      %get3A_54 = arith.constant 0 : index
      %get3A_55 = vector.load %arg6[%get3A_52, %get3A_53, %get3A_54] : memref<16x256x8xf32, #tpu.memory_space<vmem>>, vector<1x256x8xf32>
      %get3A_56 = vector.shape_cast %get3A_55 : vector<1x256x8xf32> to vector<256x8xf32>
      %get3A_57 = arith.constant 8 : index
      %get3A_58 = arith.constant 0 : index
      %get3A_59 = arith.constant 0 : index
      %get3A_60 = vector.load %arg6[%get3A_57, %get3A_58, %get3A_59] : memref<16x256x8xf32, #tpu.memory_space<vmem>>, vector<1x256x8xf32>
      %get3A_61 = vector.shape_cast %get3A_60 : vector<1x256x8xf32> to vector<256x8xf32>
      %get3A_62 = arith.constant 9 : index
      %get3A_63 = arith.constant 0 : index
      %get3A_64 = arith.constant 0 : index
      %get3A_65 = vector.load %arg6[%get3A_62, %get3A_63, %get3A_64] : memref<16x256x8xf32, #tpu.memory_space<vmem>>, vector<1x256x8xf32>
      %get3A_66 = vector.shape_cast %get3A_65 : vector<1x256x8xf32> to vector<256x8xf32>
      %get3A_67 = arith.constant 10 : index
      %get3A_68 = arith.constant 0 : index
      %get3A_69 = arith.constant 0 : index
      %get3A_70 = vector.load %arg6[%get3A_67, %get3A_68, %get3A_69] : memref<16x256x8xf32, #tpu.memory_space<vmem>>, vector<1x256x8xf32>
      %get3A_71 = vector.shape_cast %get3A_70 : vector<1x256x8xf32> to vector<256x8xf32>
      %get3A_72 = arith.constant 11 : index
      %get3A_73 = arith.constant 0 : index
      %get3A_74 = arith.constant 0 : index
      %get3A_75 = vector.load %arg6[%get3A_72, %get3A_73, %get3A_74] : memref<16x256x8xf32, #tpu.memory_space<vmem>>, vector<1x256x8xf32>
      %get3A_76 = vector.shape_cast %get3A_75 : vector<1x256x8xf32> to vector<256x8xf32>
      %get3A_77 = arith.constant 12 : index
      %get3A_78 = arith.constant 0 : index
      %get3A_79 = arith.constant 0 : index
      %get3A_80 = vector.load %arg6[%get3A_77, %get3A_78, %get3A_79] : memref<16x256x8xf32, #tpu.memory_space<vmem>>, vector<1x256x8xf32>
      %get3A_81 = vector.shape_cast %get3A_80 : vector<1x256x8xf32> to vector<256x8xf32>
      %get3A_82 = arith.constant 13 : index
      %get3A_83 = arith.constant 0 : index
      %get3A_84 = arith.constant 0 : index
      %get3A_85 = vector.load %arg6[%get3A_82, %get3A_83, %get3A_84] : memref<16x256x8xf32, #tpu.memory_space<vmem>>, vector<1x256x8xf32>
      %get3A_86 = vector.shape_cast %get3A_85 : vector<1x256x8xf32> to vector<256x8xf32>
      %get3A_87 = arith.constant 14 : index
      %get3A_88 = arith.constant 0 : index
      %get3A_89 = arith.constant 0 : index
      %get3A_90 = vector.load %arg6[%get3A_87, %get3A_88, %get3A_89] : memref<16x256x8xf32, #tpu.memory_space<vmem>>, vector<1x256x8xf32>
      %get3A_91 = vector.shape_cast %get3A_90 : vector<1x256x8xf32> to vector<256x8xf32>
      %get3A_92 = arith.constant 15 : index
      %get3A_93 = arith.constant 0 : index
      %get3A_94 = arith.constant 0 : index
      %get3A_95 = vector.load %arg6[%get3A_92, %get3A_93, %get3A_94] : memref<16x256x8xf32, #tpu.memory_space<vmem>>, vector<1x256x8xf32>
      %get3A_96 = vector.shape_cast %get3A_95 : vector<1x256x8xf32> to vector<256x8xf32>
      %concatenate3A = tpu.concatenate %get3A_21, %get3A_26, %get3A_31, %get3A_36, %get3A_41, %get3A_46, %get3A_51, %get3A_56, %get3A_61, %get3A_66, %get3A_71, %get3A_76, %get3A_81, %get3A_86, %get3A_91, %get3A_96 in 1 : vector<256x8xf32>, vector<256x8xf32>, vector<256x8xf32>, vector<256x8xf32>, vector<256x8xf32>, vector<256x8xf32>, vector<256x8xf32>, vector<256x8xf32>, vector<256x8xf32>, vector<256x8xf32>, vector<256x8xf32>, vector<256x8xf32>, vector<256x8xf32>, vector<256x8xf32>, vector<256x8xf32>, vector<256x8xf32> -> vector<256x128xf32>
      %broadcast_in_dim3A = arith.constant 0.000000e+00 : f32
      %broadcast_in_dim3A_97 = vector.broadcast %broadcast_in_dim3A : f32 to vector<256x1xf32>
      %scan3A = arith.constant 0 : i32
      %scan3A_98 = arith.constant 32 : i32
      %scan3A_99 = arith.addi %scan3A, %scan3A_98 : i32
      %scan3A_100 = arith.constant 1 : i32
      %scan3A_101:2 = scf.for %scan3A_107 = %scan3A to %scan3A_99 step %scan3A_100 iter_args(%scan3A_108 = %concatenate3A, %scan3A_109 = %broadcast_in_dim3A_97) -> (vector<256x128xf32>, vector<256x1xf32>)  : i32 {
        %reduce_max3A_110 = arith.constant dense<0xFF800000> : vector<256xf32>
        %reduce_max3A_111 = vector.multi_reduction <maximumf>, %scan3A_108, %reduce_max3A_110 [1] : vector<256x128xf32> to vector<256xf32>
        %broadcast_in_dim3A_112 = vector.shape_cast %reduce_max3A_111 : vector<256xf32> to vector<256x1xf32>
        %ge3A = vector.broadcast %broadcast_in_dim3A_112 : vector<256x1xf32> to vector<256x128xf32>
        %ge3A_113 = arith.cmpf oge, %scan3A_108, %ge3A : vector<256x128xf32>
        %jit3A = arith.constant 0xFF800000 : f32
        %broadcast_in_dim3A_114 = vector.broadcast %jit3A : f32 to vector<256x128xf32>
        %select_n3A = arith.select %ge3A_113, %broadcast_in_dim3A_114, %scan3A_108 : vector<256x128xi1>, vector<256x128xf32>
        scf.yield %select_n3A, %broadcast_in_dim3A_112 : vector<256x128xf32>, vector<256x1xf32>
      }
      %broadcast_in_dim3A_102 = vector.shape_cast %scan3A_101#1 : vector<256x1xf32> to vector<256x1xf32>
      %broadcast_in_dim3A_103 = vector.broadcast %broadcast_in_dim3A_102 : vector<256x1xf32> to vector<256x16xf32>
      %swap3A_104 = arith.constant 0 : index
      %swap3A_105 = arith.constant 0 : index
      %swap3A_106 = vector.load %arg5[%swap3A_104, %swap3A_105] : memref<256x16xf32, #tpu.memory_space<vmem>>, vector<256x16xf32>
      tpu.vector_store %arg5[%swap3A_104, %swap3A_105], %broadcast_in_dim3A_103 {strides = array<i32>} : memref<256x16xf32, #tpu.memory_space<vmem>>, vector<256x16xf32>,
    } else {
    }
    return
  }
  func.func @transform_0(%arg0: i32, %arg1: i32) -> (i32, i32) {
    %c0_i32 = arith.constant 0 : i32
    %c0_i32_0 = arith.constant 0 : i32
    return %arg0, %c0_i32 : i32, i32
  }
  func.func @transform_1(%arg0: i32, %arg1: i32) -> (i32, i32) {
    %c0_i32 = arith.constant 0 : i32
    %c0_i32_0 = arith.constant 0 : i32
    return %arg1, %c0_i32 : i32, i32
  }
  func.func @transform_2(%arg0: i32, %arg1: i32) -> (i32, i32) {
    %c0_i32 = arith.constant 0 : i32
    return %arg0, %arg1 : i32, i32
  }
  func.func @transform_3(%arg0: i32, %arg1: i32) -> (i32, i32) {
    %c0_i32 = arith.constant 0 : i32
    %c0_i32_0 = arith.constant 0 : i32
    return %arg0, %c0_i32 : i32, i32
  }
}

</mosaic_0001>

<sc_bundles>
// kernel: kernel.6.cloned.1.call-start
scs
__scs_entry_jumppad:
0x0: {  	(pc) =	sbr.rel $0x88, $3  }
0x1: {  	(tag) =	ssettag $0x0;
	lr =	simm.s32 $0x1  }
0x2: {  	[smem:$0x3F9F] =	sst lr;
	_ =	strace $0xD0000000  }
0x3: {  	_ = 	snop  }
0x4: {  	_ = 	snop  }
0x5: {  	_ = 	snop  }
0x6: {  	_ = 	snop  }
0x7: {  	_ = 	snop  }
__scs_overlays_trampoline_lowered:
0x8: {  	[smem:$0x3FAE] =	sst s0  }
0x9: {  	[smem:$0x3FAF] =	sst s1  }
0xa: {  	[smem:$0x3FB0] =	sst s2  }
0xb: {  	[smem:$0x3FB1] =	sst s3  }
0xc: {  	[smem:$0x3FB2] =	sst s4  }
0xd: {  	[smem:$0x3FB3] =	sst s5  }
0xe: {  	[smem:$0x3FB4] =	sst s6  }
0xf: {  	[smem:$0x3FB5] =	sst s7  }
0x10: {  	[smem:$0x3FB6] =	sst s8  }
0x11: {  	[smem:$0x3FB7] =	sst s9;
	s0 =	simm.s32 @!p0 $0x0  }
0x12: {  	s1 =	sld [smem:$0x3F9D];
	s0 =	simm.s32 @p0 $0x1  }
0x13: {  	[smem:$0x3FB8] =	sst s0;
	s0 =	simm.s32 @!p1 $0x0  }
0x14: {  	s2 =	sld [smem:$0x3F9C];
	s0 =	simm.s32 @p1 $0x1  }
0x15: {  	[smem:$0x3FB9] =	sst s0;
	s0 =	simm.s32 @!p2 $0x0  }
0x16: {  	s3 =	sld [smem:$0x3FDB];
	s0 =	simm.s32 @p2 $0x1  }
0x17: {  	s4 =	simm.s32 $0x1BF5;
	[smem:$0x3FBB] =	sst s0  }
0x18: {  	s0 =	sld [smem:$0x3F9E];
	_ =	swait.ge [sflag:s4], $0x0  }
0x19: {  	s7 =	sld [smem:$0x3F9F]  }
0x1a: {  	s8 =	sadd.s32 $0xFFFFE003, lr  }
0x1b: {  	s9 =	sadd.s32 $0xFFFFFEF7, lr;
	s5 =	simm.s32 $0xFFFFFFFF;
	p2 =	slt.u32 s8, $0xFFFFF086  }
0x1c: {  	p1 =	slt.u32 s9, $0xF7A;
	s5 =	simm.s32 @!p2 $0x0  }
0x1d: {  	s5 =	simm.s32 @p1 $0x1;
	p0 =	seq.s32 s7, s2  }
0x1e: {  	s7 =	smul.u32 @!p0 $0xF7A, s2;
	p2 =	seq.s32 @!p0 s5, $0x0  }
0x1f: {  	s9 =	smul.u32 $0xF7A, s1;
	s8 =	simm.s32 @!p0 $0x1BF5;
	p2 =	por !p2, p0  }
0x20: {  	[sflag:s8] =	ssyncset.s32 @!p0 $0xFFFFF086;
	s6 =	sadd.s32 @!p0 s3, s7;
	s7 =	simm.s32 @!p0 $0x108  }
0x21: {  	s3 =	sadd.s32 s3, s9;
	s6 =	sadd.s32 @!p0 $0x88, s6;
	s7 =	simm.s32 @p2 $0x1082  }
0x22: {  	[simem:s7], [sflag:s8] =	dma.local @!p0 [hbm:s6], $0xF7A  }
0x23: {  	s9 =	sor.u32 $0xD0000000, s2;
	s6 =	simm.s32 $0x108;
	_ =	swait.ge @!p0 [sflag:s8], $0x0  }
0x24: {  	s3 =	sadd.s32 $0x88, s3;
	s6 =	simm.s32 @!p1 $0x1082;
	[sflag:s4] =	ssyncset.s32 $0xFFFFF086  }
0x25: {  	[simem:s6], [sflag:s4] =	dma.local [hbm:s3], $0xF7A  }
0x26: {  	[smem:$0x3F9F] =	sst s1;
	(tag) =	ssettag s2;
	_ =	strace s9  }
0x27: {  	s1 =	sld [smem:$0x3FAF]  }
0x28: {  	s2 =	sld [smem:$0x3FB0]  }
0x29: {  	s4 =	sld [smem:$0x3FB2]  }
0x2a: {  	p0 =	seq.s32 s5, $0x0;
	s5 =	sld [smem:$0x3FB3]  }
0x2b: {  	s6 =	sld [smem:$0x3FB4]  }
0x2c: {  	s7 =	sld [smem:$0x3FB5]  }
0x2d: {  	s3 =	simm.s32 $0x108;
	s8 =	sld [smem:$0x3FB6]  }
0x2e: {  	s3 =	simm.s32 @!p0 $0x1082;
	s9 =	sld [smem:$0x3FB7]  }
0x2f: {  	lr =	sadd.s32 s0, s3;
	s0 =	sld [smem:$0x3FAE]  }
0x30: {  	s3 =	sld [smem:$0x3FB1]  }
0x31: {  	[smem:$0x3FBA] =	sst s10  }
0x32: {  	s10 =	sld [smem:$0x3FB8];
	_ =	sdelay $0x3  }
0x33: {  	p0 =	seq.s32 s10, $0x1;
	s10 =	sld [smem:$0x3FBA];
	_ =	sdelay $0x3  }
0x34: {  	[smem:$0x3FBA] =	sst s10  }
0x35: {  	s10 =	sld [smem:$0x3FB9];
	_ =	sdelay $0x3  }
0x36: {  	p1 =	seq.s32 s10, $0x1;
	s10 =	sld [smem:$0x3FBA];
	_ =	sdelay $0x3  }
0x37: {  	[smem:$0x3FBA] =	sst s10  }
0x38: {  	s10 =	sld [smem:$0x3FBB]  }
0x39: {  	_ = 	snop;
	(pc) =	sbr.ind lr, $3  }
0x3a: {  	_ = 	snop  }
0x3b: {  	_ = 	snop  }
0x3c: {  	p2 =	seq.s32 s10, $0x1;
	s10 =	sld [smem:$0x3FBA]  }
0x3d: {  	_ =	shalt  }
0x3e: {  	_ =	shalt  }
0x3f: {  	_ =	shalt  }
0x40: {  	_ =	shalt  }
0x41: {  	_ =	shalt  }
0x42: {  	_ =	shalt  }
0x43: {  	_ =	shalt  }
0x44: {  	_ =	shalt  }
0x45: {  	_ =	shalt  }
0x46: {  	_ =	shalt  }
0x47: {  	_ =	shalt  }
0x48: {  	_ =	shalt  }
0x49: {  	_ =	shalt  }
0x4a: {  	_ =	shalt  }
0x4b: {  	_ =	shalt  }
0x4c: {  	_ =	shalt  }
0x4d: {  	_ =	shalt  }
0x4e: {  	_ =	shalt  }
0x4f: {  	_ =	shalt  }
0x50: {  	_ =	shalt  }
0x51: {  	_ =	shalt  }
0x52: {  	_ =	shalt  }
0x53: {  	_ =	shalt  }
0x54: {  	_ =	shalt  }
0x55: {  	_ =	shalt  }
0x56: {  	_ =	shalt  }
0x57: {  	_ =	shalt  }
0x58: {  	_ =	shalt  }
0x59: {  	_ =	shalt  }
0x5a: {  	_ =	shalt  }
0x5b: {  	_ =	shalt  }
0x5c: {  	_ =	shalt  }
0x5d: {  	_ =	shalt  }
0x5e: {  	_ =	shalt  }
0x5f: {  	_ =	shalt  }
0x60: {  	_ =	shalt  }
0x61: {  	_ =	shalt  }
0x62: {  	_ =	shalt  }
0x63: {  	_ =	shalt  }
0x64: {  	_ =	shalt  }
0x65: {  	_ =	shalt  }
0x66: {  	_ =	shalt  }
0x67: {  	_ =	shalt  }
0x68: {  	_ =	shalt  }
0x69: {  	_ =	shalt  }
0x6a: {  	_ =	shalt  }
0x6b: {  	_ =	shalt  }
0x6c: {  	_ =	shalt  }
0x6d: {  	_ =	shalt  }
0x6e: {  	_ =	shalt  }
0x6f: {  	_ =	shalt  }
0x70: {  	_ =	shalt  }
0x71: {  	_ =	shalt  }
0x72: {  	_ =	shalt  }
0x73: {  	_ =	shalt  }
0x74: {  	_ =	shalt  }
0x75: {  	_ =	shalt  }
0x76: {  	_ =	shalt  }
0x77: {  	_ =	shalt  }
0x78: {  	_ =	shalt  }
0x79: {  	_ =	shalt  }
0x7a: {  	_ =	shalt  }
0x7b: {  	_ =	shalt  }
0x7c: {  	_ =	shalt  }
0x7d: {  	_ =	shalt  }
0x7e: {  	_ =	shalt  }
0x7f: {  	_ =	shalt  }
0x80: {  	_ =	shalt  }
0x81: {  	_ =	shalt  }
0x82: {  	_ =	shalt  }
0x83: {  	_ =	shalt  }
0x84: {  	_ =	shalt  }
0x85: {  	_ =	shalt  }
0x86: {  	_ =	shalt  }
0x87: {  	_ =	shalt  }
.Lfunc_end0:
.L_simem_size_0:
called_computation_lowered:
.L_overlay_start_0:
0x88: {  	s2 =	sld [smem:$0x3FD9]  }
0x89: {  	s3 =	sld [smem:$0x3FFE];
	_ =	sdelay $0x1  }
0x8a: {  	s1 =	srdreg.scid  }
0x8b: {  	s0 =	sand.u32 $0x1, s1  }
0x8c: {  	s14 =	sshll.u32 s0, $0xA;
	s2 =	sadd.s32 s3, s2  }
0x8d: {  	s2 =	sadd.s32 s2, s14  }
0x8e: {  	[smem:$0x3FC6] =	sst s2  }
0x8f: {  	_ = 	snop  }
0x90: {  	s2 =	sld [smem:$0x3FD0];
	_ =	sdelay $0x2  }
0x91: {  	s15 =	simm.s32 $0xA;
	s4 =	simm.s32 $0x10  }
0x92: {  	[smem:s4], [sflag:s15] =	dma.local [hbm:s2], $0x1  }
0x93: {  	_ =	swait.eq [sflag:s15], $0x1  }
0x94: {  	[sflag:s15] =	ssyncset.done $0x0  }
0x95: {  	s16 =	sld [smem:$0x11];
	[sflag:s15] =	ssyncadd.s32 $0xFFFFFFFF  }
0x96: {  	s17 =	sld [smem:$0x12];
	(tm) =	ssettm $0x1  }
0x97: {  	s18 =	sld [smem:$0x3FFB];
	_ =	sdelay $0x3  }
0x98: {  	_ =	strace s18  }
0x99: {  	s4 =	sld [smem:$0x3FFC];
	_ =	sdelay $0x3  }
0x9a: {  	_ =	strace s4  }
0x9b: {  	s4 =	sld [smem:$0x3FFD];
	_ =	sdelay $0x3  }
0x9c: {  	_ =	strace s4  }
0x9d: {  	_ =	strace $0x8FFFFFFF  }
0x9e: {  	s19 =	sld [smem:$0x3FDB];
	_ =	sdelay $0x1  }
0x9f: {  	s5 =	simm.s32 $_scs_section_size  }
0xa0: {  	s6 =	simm.s32 $_size__tile_overlayer_lowered;
	s7 =	simm.s32 $_tile_overlayer_lowered  }
0xa1: {  	s22 =	simm.s32 $0x1BFF;
	s21 =	sshll.u32 s7, $0x1;
	s4 =	sadd.s32 s5, s19  }
0xa2: {  	s8 =	simm.s32 $0x0;
	s20 =	sshll.u32 s6, $0x1;
	s6 =	sadd.s32 s21, s4  }
0xa3: {  	[timem:s8], [sflag:s22] =	dma.local [hbm:s6], s20  }
0xa4: {  	_ =	swait.ge [sflag:s22], s20  }
0xa5: {  	s5 =	ssub.s32 $0x0, s20;
	[sflag:s22] =	ssyncset.done $0x0  }
0xa6: {  	[sflag:s22] =	ssyncadd.s32 s5;
	_ =	sdelay $0x1  }
0xa7: {  	s23 =	simm.s32 $0x1B8B  }
0xa8: {  	_ =	swait.ge [sflag:s23], $0x1  }
0xa9: {  	[sflag:s23] =	ssyncset.done $0x0  }
0xaa: {  	s25 =	simm.s32 $0x1B8E;
	s24 =	sld [smem:$0x3FFE];
	[sflag:s23] =	ssyncadd.s32 $0xFFFFFFFF  }
0xab: {  	s26 =	simm.s32 $execute0_lowered;
	[smem:$0x3FD2] =	sst s25  }
0xac: {  	s6 =	sshll.u32 s26, $0x1;
	_ =	strace $0x80000046;
	[dreg:$0x1] =	wrdreg $0xFFFFFFFF  }
0xad: {  	s28 =	simm.s32 $_size_execute0_lowered;
	s4 =	sadd.s32 s4, s6;
	[dreg:$0x0] =	wrdreg $0x0  }
0xae: {  	s6 =	sshll.u32 s28, $0x1;
	[dreg:$0x2] =	wrdreg s4  }
0xaf: {  	[dreg:$0x3] =	wrdreg s6  }
0xb0: {  	[dreg:$0x4] =	wrdreg $0xC0  }
0xb1: {  	_ =	task [dreg:s8], $0x5FFFF  }
0xb2: {  	[dreg:$0x1] =	wrdreg $0xFFFFFFFF  }
0xb3: {  	[dreg:$0x0] =	wrdreg $0x60  }
0xb4: {  	[dreg:$0x2] =	wrdreg s17  }
0xb5: {  	[dreg:$0x3] =	wrdreg s16  }
0xb6: {  	[dreg:$0x4] =	wrdreg s24  }
0xb7: {  	[dreg:$0x5] =	wrdreg $0x9  }
0xb8: {  	_ =	task.clear_ibuf [dreg:s8], $0x6FFFF;
	_ =	strace $0x90000046  }
0xb9: {  	s29 =	simm.s32 $0x9;
	_ =	strace $0x80000048  }
0xba: {  	_ =	swait.ge [sflag:s29], $0x1  }
0xbb: {  	[sflag:s29] =	ssyncadd.s32 $0xFFFFFFFF  }
0xbc: {  	_ =	strace $0x90000048  }
0xbd: {  	_ =	sfence  }
0xbe: {  	s30 =	sld [smem:$0x0];
	_ =	sdelay $0x2  }
0xbf: {  	s31 =	sshll.u32 s1, $0xD;
	s1 =	sshrl.u32 s1, $0x2  }
0xc0: {  	s3 =	sand.u32 $0x4000, s31;
	s1 =	sadd.s32 s1, s30  }
0xc1: {  	s0 =	sor.u32 s3, s0;
	s1 =	sshll.u32 s1, $0x11  }
0xc2: {  	s0 =	sor.u32 s1, s0  }
0xc3: {  	s0 =	sadd.s32 $0x8F2B, s0  }
0xc4: {  	[sflag:s0] =	ssyncadd.remote.s32 $0x1  }
0xc5: {  	_ =	sfence.sel $0xFFFF  }
0xc6: {  	[dreg:$0x0] =	wrdreg $0xFFFFFFFF;
	(pc) =	sbr.abs _section_cstart, $3  }
0xc7: {  	[dreg:$0x1] =	wrdreg $0xFFFFFFFF  }
0xc8: {  	_ =	task.clear_ibuf [dreg:s8], $0x2FFFF;
	_ =	strace $0x9FFFFFFF  }
0xc9: {  	(tm) =	ssettm $0x7FFFFFFF  }
tec
execute0_lowered:
.L_overlay_start_1:
0x0: {  	(tag) =	ssettag $0x1  }
0x1: {  	s2 =	rddreg [dreg:$0x0]  }
0x2: {  	s5 =	rddreg [dreg:$0x1]  }
0x3: {  	s4 =	rddreg [dreg:$0x2];
	s3 =	srdreg.scid  }
0x4: {  	s1 =	stileid.u32;
	s0 =	rddreg [dreg:$0x3]  }
0x5: {  	s10 =	simm.s32 $0x3;
	s11 =	simm.s32 $0x80;
	s12 =	simm.s32 $0x400  }
0x6: {  	s13 =	simm.s32 $0x2000;
	s14 =	simm.s32 $0x1;
	s15 =	simm.s32 $0x6080  }
0x7: {  	s16 =	simm.s32 $0x2;
	s17 =	simm.s32 $0xE180;
	s18 =	simm.s32 $0xE980  }
0x8: {  	s19 =	simm.s32 $0x0;
	s6 =	sand.u32 $0x1, s3;
	s7 =	sshll.u32 s1, $0x1  }
0x9: {  	s3 =	simm.s32 $0x0;
	s7 =	sor.u32 s6, s7;
	s6 =	ssub.s32 $0x2, s6  }
.Ltmp0:
0xa: {  	[smem:$0x7FF] =	sst s3;
	s8 =	sshll.u32 s7, $0x8;
	(pc) =	sbr.rel .LBB2_1-.Ltmp0, $4  }
0xb: {  	v0 =	vlaneseq.u32;
	s9 =	sshrl.u32 s6, $0x1;
	_ =	strace $0x80000047;
	s31 =	sshll.u32 s7, $0xA  }
0xc: {  	v3 =	vmul.u32 $0xFFFFFFFF, v0;
	s8 =	sadd.s32 s8, s4;
	s4 =	sshll.u32 s7, $0x6;
	s7 =	sshll.u32 s7, $0x11  }
0xd: {  	s9 =	ssub.s32 s6, s9;
	s5 =	sadd.s32 s5, s31;
	s6 =	sadd.s32 s2, s7  }
0xe: {  	v1 =	vimm.f32 $-Inf;
	v2 =	vor.u32 $0x4000, v0;
	v3 =	vadd.s32 $0xF, v3;
	s7 =	sadd.s32 $0x1800, s8;
	s8 =	sadd.s32 $0x3800, s8;
	s9 =	smax.u32 s9, $0x1  }
.LBB2_33:
0xf: {  	[hbm4b:s7+s3] =	stream.linear.scatter [tilespmem:s17], [sflag:$0x3], $0x800, $0x38;
	[tilespmem:$0xF180] =	vst v63  }
0x10: {  	s19 =	sadd.s32 $0x1, s19;
	_ =	swait.ge [sflag:s10], $0x800  }
0x11: {  	p0 =	sne.s32 s19, s9;
	[sflag:s10] =	ssyncset.done $0x0  }
.Ltmp1:
0x12: {  	[sflag:s10] =	ssyncadd.s32 $0xFFFFF800;
	(pc) =	sbr.rel @!p0 .LBB2_34-.Ltmp1, $4  }
0x13: {  	[hbm4b:s8+s3] =	stream.linear.scatter [tilespmem:s18], [sflag:$0x3], $0x800, $0x38;
	[tilespmem:$0xF180] =	vst v63  }
0x14: {  	_ =	swait.ge [sflag:s10], $0x800  }
0x15: {  	[sflag:s10] =	ssyncset.done $0x0  }
0x16: {  	[sflag:s10] =	ssyncadd.s32 $0xFFFFF800  }
.LBB2_1:
0x17: {  	[tilespmem:s3], [sflag:$0x3] =	stream.linear.gather [hbm4b:s5+s3], $0x2000, $0x38;
	[tilespmem:$0xF180] =	vst v63  }
0x18: {  	_ =	swait.ge [sflag:s10], $0x2000  }
.Ltmp2:
0x19: {  	[sflag:s10] =	ssyncset.done $0x0;
	(pc) =	sbr.rel .LBB2_2-.Ltmp2, $4  }
0x1a: {  	[sflag:s10] =	ssyncadd.s32 $0xFFFFE000  }
0x1b: {  	[tilespmem:$0x6000] =	vst v1  }
0x1c: {  	s20 =	simm.s32 $0x0;
	[tilespmem:$0xA080] =	vst v1  }
0x1d: {  	[tilespmem:s13], [sflag:$0x1] =	stream.strided.gather [hbm4b:s6+s11], $0x4000, s12, s11, $0x38;
	[tilespmem:$0xF180] =	vst v63  }
.LBB2_20:
0x1e: {  	v6 =	vimm.s32 $0x0  }
0x1f: {  	v7 =	vimm.f32 $-Inf;
	v5 =	vimm.f32 $-Inf;
	v4 =	vimm.s32 $0x0  }
.LBB2_32:
0x20: {  	s20 =	sadd.s32 $0x1, s20  }
0x21: {  	p0 =	sne.s32 s20, $0x20  }
.Ltmp3:
0x22: {  	s21 =	sshll.u32 s21, $0x5;
	(pc) =	sbr.rel @!p0 .LBB2_33-.Ltmp3, $4  }
0x23: {  	[tilespmem:s21+$0xE180] =	vst v7  }
0x24: {  	[tilespmem:s21+$0xE190] =	vst v5  }
0x25: {  	[tilespmem:s21+$0xE980] =	vst v6  }
0x26: {  	[tilespmem:s21+$0xE990] =	vst v4  }
.LBB2_2:
0x27: {  	s22 =	sshll.u32 s20, $0x1;
	s21 =	sshllo.u32 s20, $0x1  }
0x28: {  	s23 =	sadd.s32 s4, s22;
	s24 =	sshll.u32 s21, $0x4  }
0x29: {  	_ =	swait.ge [sflag:s14], $0x4000;
	s23 =	sshll.u32 s23, $0xB;
	s24 =	sand.u32 $0x70, s24  }
0x2a: {  	[sflag:s14] =	ssyncset.done $0x0;
	s23 =	sand.u32 $0xFFFC000, s23;
	s24 =	sadd.s32 s2, s24  }
0x2b: {  	s30 =	sshll.u32 s20, $0x8;
	[sflag:s14] =	ssyncadd.s32 $0xFFFFC000;
	s23 =	sadd.s32 s23, s24  }
0x2c: {  	[tilespmem:s15], [sflag:$0x2] =	stream.strided.gather [hbm4b:s23+s11], $0x4000, s12, s11, $0x38;
	[tilespmem:$0xF180] =	vst v63  }
0x2d: {  	s23 =	sand.u32 $0x3FFFFF00, s30  }
0x2e: {  	s31 =	simm.s32 $0x2000;
	v4 =	vld [tilespmem:s23+$0x0]  }
0x2f: {  	v5 =	vld [tilespmem:s31+$0x0];
	_ =	sdelay $0x4  }
0x30: {  	vm0 =	vge.f32 v5, v4  }
0x31: {  	v5 =	vmpcnt.ones.xlane vm0;
	_ =	sdelay $0x1  }
0x32: {  	(v2sf) =	vpush v5, $0x0;
	_ =	sdelay $0x4  }
0x33: {  	s24 =	simm.s32 $0x0  }
0x34: {  	v6 =	vor.u32 s24, v0  }
0x35: {  	s25 =	simm.s32 $0x2010;
	[tilespmem:s24+$0xA100] =	vst.msk vm0, v6  }
0x36: {  	s26 =	simm.s32 $0x20;
	s23 =	simm.s32 $0x10;
	v5 =	vld [tilespmem:s25+$0x0]  }
.LBB2_3:
0x37: {  	p0 =	sne.s32 s26, $0x3FF0;
	_ =	sdelay $0x3  }
0x38: {  	vm0 =	vge.f32 v5, v4  }
0x39: {  	v5 =	vmpcnt.ones.xlane vm0  }
0x3a: {  	s28 =	spop (v2sf)  }
0x3b: {  	v6 =	vor.u32 s23, v0;
	s23 =	smov.u32 s26;
	(v2sf) =	vpush v5, $0x0;
	s24 =	sadd.s32 s24, s28  }
0x3c: {  	[tilespmem:s24+$0xA100] =	vst.msk vm0, v6;
	_ =	sdelay $0x2  }
.Ltmp4:
0x3d: {  	(pc) =	sbr.rel @p0 .LBB2_3-.Ltmp4, $3  }
0x3e: {  	_ =	sdelay $0x1  }
0x3f: {  	s25 =	sadd.s32 $0x10, s25  }
0x40: {  	s26 =	sadd.s32 $0x10, s26;
	v5 =	vld [tilespmem:s25+$0x0]  }
0x41: {  	_ =	sdelay $0x3  }
0x42: {  	vm0 =	vge.f32 v5, v4  }
0x43: {  	v4 =	vmpcnt.ones.xlane vm0;
	_ =	sdelay $0x1  }
0x44: {  	(v2sf) =	vpush v4, $0x0;
	_ =	sdelay $0xd  }
0x45: {  	s25 =	spop (v2sf)  }
0x46: {  	s25 =	sadd.s32 s24, s25;
	s29 =	spop (v2sf)  }
0x47: {  	s26 =	sadd.s32 s25, s29  }
0x48: {  	s24 =	sand.u32 $0xF, s26  }
0x49: {  	s28 =	sshra.s32 s26, $0x1F;
	p0 =	slt.s32 s26, $0x1;
	p1 =	sne.s32 s24, $0x0  }
0x4a: {  	s30 =	sshrl.u32 s28, $0x1C;
	p0 =	por !p0, !p1  }
0x4b: {  	s28 =	simm.s32 $0x1;
	s24 =	sadd.s32 s30, s26;
	p0 =	por !p0, !p0  }
0x4c: {  	s24 =	sshra.s32 s24, $0x4;
	s28 =	simm.s32 @!p0 $0x0  }
0x4d: {  	s31 =	ssub.s32 s24, s28  }
0x4e: {  	p1 =	slt.s32 s31, $0x0  }
.Ltmp5:
0x4f: {  	_ = 	snop;
	(pc) =	sbr.rel @p1 .LBB2_5-.Ltmp5, $4  }
0x50: {  	_ = 	snop  }
0x51: {  	v4 =	vor.u32 s23, v0  }
0x52: {  	[tilespmem:s25+$0xA100] =	vst.msk vm0, v4  }
0x53: {  	[tilespmem:s26+$0xA100] =	vst v2  }
0x54: {  	s23 =	simm.s32 $0xFFFFFFFF  }
0x55: {  	s23 =	simm.s32 @!p0 $0x0  }
0x56: {  	s23 =	sadd.s32 s23, s24  }
0x57: {  	s23 =	sadd.s32 $0x1, s23  }
0x58: {  	p4 =	sne.s32 s23, $0x1  }
.Ltmp6:
0x59: {  	_ = 	snop;
	(pc) =	sbr.rel @!p4 .LBB2_7-.Ltmp6, $3  }
0x5a: {  	_ =	sdelay $0x1  }
0x5b: {  	s31 =	simm.s32 $0xA100;
	p1 =	por $0x0, $0x0;
	p2 =	por $0x0, $0x0  }
0x5c: {  	v5 =	vimm.f32 $-Inf;
	v4 =	vimm.s32 $0x0;
	p3 =	por $0x0, $0x0;
	p0 =	por $0x0, $0x0;
	v6 =	vld [tilespmem:s31+$0x0];
	s23 =	sadd.s32 $0xFFFFFFFF, s23  }
0x5d: {  	_ =	sdelay $0x7  }
0x5e: {  	p4 =	sne.s32 s23, $0x1;
	v7 =	vld.idx.msk [tilespmem:v6+s13+$0x0], $0xffff  }
.Ltmp7:
0x5f: {  	_ = 	snop;
	(pc) =	sbr.rel @!p4 .LBB2_9-.Ltmp7, $3  }
0x60: {  	_ =	sdelay $0x1  }
0x61: {  	s24 =	simm.s32 $0xA110  }
0x62: {  	s23 =	sadd.s32 $0xFFFFFFFF, s23;
	p0 =	por $0x1, $0x1;
	(xrf1) =	vsort.dscd.msk.f32 $0xffff, v7, v6;
	v6 =	vld [tilespmem:s24+$0x0]  }
0x63: {  	_ =	sdelay $0xb  }
0x64: {  	v7 =	vld.idx.msk [tilespmem:v6+s13+$0x0], $0xffff  }
0x65: {  	v8, v9, _ =	vpop (xrf1)  }
0x66: {  	p4 =	sne.s32 s23, $0x1;
	v8 =	vperm.xlane v8, v3  }
.Ltmp8:
0x67: {  	v9 =	vperm.xlane v9, v3;
	(pc) =	sbr.rel @!p4 .LBB2_11-.Ltmp8, $4  }
0x68: {  	vm0 =	vge.f32 v5, v8  }
0x69: {  	(xrf1) =	vsort.dscd.msk.f32 $0xffff, v7, v6;
	v6 =	vsel vm0, v5, v8;
	v7 =	vsel vm0, v4, v9  }
0x6a: {  	s24 =	simm.s32 $0xA120;
	v8 =	vsel vm0, v8, v5;
	v9 =	vsel vm0, v9, v4;
	(xrf1) =	vsort.dscd.msk.f32 $0xffff, v6, v7  }
0x6b: {  	s23 =	sadd.s32 $0xFFFFFFFF, s23;
	p1 =	por $0x1, $0x1;
	v6 =	vld [tilespmem:s24+$0x0];
	(xrf1) =	vsort.dscd.msk.f32 $0xffff, v8, v9  }
0x6c: {  	_ =	sdelay $0x9  }
0x6d: {  	v7 =	vld.idx.msk [tilespmem:v6+s13+$0x0], $0xffff  }
0x6e: {  	v8, v9, _ =	vpop (xrf1)  }
0x6f: {  	p4 =	sne.s32 s23, $0x1;
	v8 =	vperm.xlane v8, v3  }
.Ltmp9:
0x70: {  	v9 =	vperm.xlane v9, v3;
	v10, v11, _ =	vpop (xrf1);
	(pc) =	sbr.rel @!p4 .LBB2_13-.Ltmp9, $4  }
0x71: {  	vm0 =	vge.f32 v10, v8  }
0x72: {  	(xrf1) =	vsort.dscd.msk.f32 $0xffff, v7, v6;
	v6 =	vsel vm0, v10, v8;
	v7 =	vsel vm0, v11, v9  }
0x73: {  	s25 =	simm.s32 $0xA130;
	v12, v13, _ =	vpop (xrf1);
	v8 =	vsel vm0, v8, v10;
	v9 =	vsel vm0, v9, v11;
	(xrf1) =	vsort.dscd.msk.f32 $0xffff, v6, v7  }
0x74: {  	s24 =	sadd.s32 $0xFFFFFFFF, s23;
	p2 =	por $0x1, $0x1;
	v7 =	vperm.xlane v13, v3;
	v6 =	vld [tilespmem:s25+$0x0];
	(xrf1) =	vsort.dscd.msk.f32 $0xffff, v8, v9;
	v8 =	vperm.xlane v12, v3  }
0x75: {  	_ =	sdelay $0x1  }
0x76: {  	vm0 =	vge.f32 v5, v8  }
0x77: {  	v12 =	vsel vm0, v5, v8;
	v13 =	vsel vm0, v4, v7  }
0x78: {  	(xrf1) =	vsort.dscd.msk.f32 $0xffff, v12, v13;
	_ =	sdelay $0x4  }
0x79: {  	v9 =	vld.idx.msk [tilespmem:v6+s13+$0x0], $0xffff;
	_ =	sdelay $0x1  }
0x7a: {  	v10, v11, _ =	vpop (xrf1)  }
0x7b: {  	p4 =	sne.s32 s24, $0x1;
	v10 =	vperm.xlane v10, v3  }
.Ltmp10:
0x7c: {  	v11 =	vperm.xlane v11, v3;
	v14, v15, _ =	vpop (xrf1);
	(pc) =	sbr.rel @!p4 .LBB2_16-.Ltmp10, $4  }
0x7d: {  	(xrf1) =	vsort.dscd.msk.f32 $0xffff, v9, v6;
	vm15 =	vge.f32 v14, v10  }
0x7e: {  	v6 =	vsel vm15, v14, v10;
	v9 =	vsel vm15, v15, v11  }
0x7f: {  	s23 =	simm.s32 $0xA140;
	v12, v13, _ =	vpop (xrf1);
	v10 =	vsel vm15, v10, v14;
	v11 =	vsel vm15, v11, v15;
	(xrf1) =	vsort.dscd.msk.f32 $0xffff, v6, v9  }
0x80: {  	s24 =	sadd.s32 $0xFFFFFFFF, s24;
	p3 =	por $0x1, $0x1;
	v9 =	vperm.xlane v13, v3;
	v6 =	vld [tilespmem:s23+$0x0];
	(xrf1) =	vsort.dscd.msk.f32 $0xffff, v10, v11;
	v10 =	vperm.xlane v12, v3  }
.LBB2_15:
0x81: {  	p4 =	sne.s32 s24, $0x1;
	s24 =	sadd.s32 $0xFFFFFFFF, s24;
	v11, v12, _ =	vpop (xrf1)  }
0x82: {  	vm0 =	vge.f32 v11, v10  }
0x83: {  	v10 =	vsel vm0, v11, v10;
	v9 =	vsel vm0, v12, v9  }
0x84: {  	(xrf1) =	vsort.dscd.msk.f32 $0xffff, v10, v9;
	_ =	sdelay $0x3  }
0x85: {  	v9 =	vld.idx.msk [tilespmem:v6+s13+$0x0], $0xffff;
	_ =	sdelay $0x2  }
0x86: {  	v10, v11, _ =	vpop (xrf1)  }
0x87: {  	v10 =	vperm.xlane v10, v3  }
.Ltmp11:
0x88: {  	v11 =	vperm.xlane v11, v3;
	v12, v13, _ =	vpop (xrf1);
	(pc) =	sbr.rel @p4 .LBB2_15-.Ltmp11, $4  }
0x89: {  	(xrf1) =	vsort.dscd.msk.f32 $0xffff, v9, v6;
	vm0 =	vge.f32 v12, v10;
	v14, v6, _ =	vpop (xrf1)  }
0x8a: {  	v15 =	vsel vm0, v12, v10;
	v16 =	vsel vm0, v13, v11;
	v9 =	vperm.xlane v6, v3  }
0x8b: {  	s23 =	sadd.s32 $0x10, s23;
	v10 =	vsel vm0, v10, v12;
	v11 =	vsel vm0, v11, v13;
	(xrf1) =	vsort.dscd.msk.f32 $0xffff, v15, v16  }
0x8c: {  	v6 =	vld [tilespmem:s23+$0x0];
	(xrf1) =	vsort.dscd.msk.f32 $0xffff, v10, v11;
	v10 =	vperm.xlane v14, v3  }
.LBB2_16:
0x8d: {  	v11, v12, _ =	vpop @p3 (xrf1)  }
0x8e: {  	v11 =	vpsel p3, v11, v5  }
0x8f: {  	v12 =	vpsel p3, v12, v4;
	vm0 =	vge.f32 @p2 v11, v10  }
0x90: {  	v10 =	vsel @p2 vm0, v11, v10;
	v9 =	vsel @p2 vm0, v12, v9  }
0x91: {  	(xrf1) =	vsort.dscd.msk.f32 @p2 $0xffff, v10, v9;
	_ =	sdelay $0x6  }
0x92: {  	v60 =	vld.idx.msk [tilespmem:v6+s13+$0x0], $0xffff  }
0x93: {  	v10, v11, _ =	vpop @p0 (xrf1)  }
0x94: {  	v10 =	vperm.xlane @p0 v10, v3;
	v12, v13, _ =	vpop @p1 (xrf1)  }
0x95: {  	v11 =	vperm.xlane @p0 v11, v3;
	v12 =	vpsel p1, v12, v5;
	v13 =	vpsel p1, v13, v4  }
0x96: {  	vm0 =	vge.f32 @p0 v12, v10  }
0x97: {  	(xrf1) =	vsort.dscd.msk.f32 $0xffff, v60, v6;
	v6, v9, _ =	vpop @p1 (xrf1);
	v14 =	vsel @p0 vm0, v12, v10;
	v15 =	vsel @p0 vm0, v13, v11  }
0x98: {  	v9 =	vperm.xlane @p1 v9, v3;
	v6 =	vperm.xlane @p1 v6, v3;
	(xrf1) =	vsort.dscd.msk.f32 @p0 $0xffff, v14, v15  }
0x99: {  	v10 =	vsel @p0 vm0, v10, v12;
	v11 =	vsel @p0 vm0, v11, v13;
	v12, v13, _ =	vpop @p2 (xrf1)  }
0x9a: {  	v6 =	vpsel p1, v6, v8;
	v7 =	vpsel p1, v9, v7;
	v8 =	vpsel p2, v12, v5  }
0x9b: {  	(xrf1) =	vsort.dscd.msk.f32 @p0 $0xffff, v10, v11;
	v9 =	vpsel p2, v13, v4;
	vm0 =	vge.f32 @p1 v8, v6  }
0x9c: {  	v6 =	vsel @p1 vm0, v8, v6;
	v7 =	vsel @p1 vm0, v9, v7  }
0x9d: {  	(xrf1) =	vsort.dscd.msk.f32 @p1 $0xffff, v6, v7;
	_ =	sdelay $0x7  }
0x9e: {  	v6, v7, _ =	vpop (xrf1)  }
0x9f: {  	v8, v9, _ =	vpop @p0 (xrf1)  }
0xa0: {  	v6 =	vperm.xlane v6, v3;
	v9 =	vpsel p0, v9, v4  }
0xa1: {  	v8 =	vpsel p0, v8, v5  }
0xa2: {  	v7 =	vperm.xlane v7, v3;
	v10, v11, _ =	vpop @p0 (xrf1);
	vm14 =	vge.f32 v8, v6  }
0xa3: {  	v10 =	vperm.xlane @p0 v10, v3;
	v11 =	vperm.xlane @p0 v11, v3;
	v61 =	vsel vm14, v8, v6  }
0xa4: {  	v62 =	vsel vm14, v9, v7;
	v6 =	vsel vm14, v6, v8;
	v7 =	vsel vm14, v7, v9;
	v8, v9, _ =	vpop @p1 (xrf1)  }
0xa5: {  	(xrf1) =	vsort.dscd.msk.f32 $0xffff, v61, v62;
	v10 =	vpsel p0, v10, v0;
	v8 =	vpsel p1, v8, v5  }
0xa6: {  	v11 =	vpsel p0, v11, v0;
	v9 =	vpsel p1, v9, v4;
	vm0 =	vge.f32 @p0 v8, v10  }
0xa7: {  	(xrf1) =	vsort.dscd.msk.f32 $0xffff, v6, v7;
	v6 =	vsel @p0 vm0, v8, v10;
	v7 =	vsel @p0 vm0, v9, v11  }
0xa8: {  	(xrf1) =	vsort.dscd.msk.f32 @p0 $0xffff, v6, v7;
	_ =	sdelay $0xb  }
0xa9: {  	v7, v6, _ =	vpop (xrf1)  }
0xaa: {  	v8, v63, _ =	vpop (xrf1)  }
0xab: {  	v8 =	vperm.xlane v8, v3;
	v10, v11, _ =	vpop @p0 (xrf1)  }
0xac: {  	v9 =	vperm.xlane v63, v3;
	v5 =	vpsel p0, v10, v5  }
0xad: {  	v4 =	vpsel p0, v11, v4;
	vm15 =	vge.f32 v5, v8  }
0xae: {  	v5 =	vsel vm15, v5, v8;
	v4 =	vsel vm15, v4, v9  }
0xaf: {  	(xrf1) =	vsort.dscd.msk.f32 $0xffff, v5, v4;
	_ =	sdelay $0x9  }
.Ltmp12:
0xb0: {  	_ = 	snop;
	(pc) =	sbr.rel .LBB2_17-.Ltmp12, $2  }
0xb1: {  	_ =	sdelay $0x2  }
0xb2: {  	v5, v4, _ =	vpop (xrf1)  }
.LBB2_5:
0xb3: {  	v6 =	vimm.s32 $0x0  }
0xb4: {  	v7 =	vimm.f32 $-Inf;
	v5 =	vimm.f32 $-Inf;
	v4 =	vimm.s32 $0x0  }
.LBB2_17:
0xb5: {  	s23 =	sshll.u32 s20, $0x6  }
0xb6: {  	[tilespmem:s23+$0xE180] =	vst v7  }
0xb7: {  	p0 =	seq.s32 s20, $0x1F;
	[tilespmem:s23+$0xE190] =	vst v5  }
0xb8: {  	s30 =	sshll.u32 s21, $0x7;
	[tilespmem:s23+$0xE980] =	vst v6;
	s22 =	sadd.s32 @!p0 $0x2, s22;
	s24 =	simm.s32 @!p0 $0x400  }
0xb9: {  	[tilespmem:s23+$0xE990] =	vst v4;
	s25 =	simm.s32 @!p0 $0x2000;
	s23 =	sadd.s32 @!p0 s4, s22;
	s22 =	sshll.u32 @!p0 s22, $0x4  }
0xba: {  	_ =	swait.ge [sflag:s16], $0x4000;
	s23 =	sshll.u32 @!p0 s23, $0xB;
	s22 =	sand.u32 @!p0 $0x60, s22  }
0xbb: {  	[sflag:s16] =	ssyncset.done $0x0;
	s23 =	sand.u32 @!p0 $0xFFFC000, s23;
	s22 =	sadd.s32 @!p0 s2, s22  }
0xbc: {  	[sflag:s16] =	ssyncadd.s32 $0xFFFFC000;
	s22 =	sadd.s32 @!p0 s23, s22;
	s23 =	simm.s32 @!p0 $0x80  }
0xbd: {  	[tilespmem:s25], [sflag:$0x1] =	stream.strided.gather @!p0 [hbm4b:s22+s23], $0x4000, s24, s23, $0x38;
	[tilespmem:$0xF180] =	vst v63  }
0xbe: {  	s22 =	sand.u32 $0x3FFFFF80, s30  }
0xbf: {  	s31 =	simm.s32 $0x6080;
	v4 =	vld [tilespmem:s22+$0x0]  }
0xc0: {  	v5 =	vld [tilespmem:s31+$0x0];
	_ =	sdelay $0x4  }
0xc1: {  	vm0 =	vge.f32 v5, v4  }
0xc2: {  	v5 =	vmpcnt.ones.xlane vm0;
	_ =	sdelay $0x1  }
0xc3: {  	(v2sf) =	vpush v5, $0x0;
	_ =	sdelay $0x4  }
0xc4: {  	s23 =	simm.s32 $0x0  }
0xc5: {  	v6 =	vor.u32 s23, v0  }
0xc6: {  	s24 =	simm.s32 $0x6090;
	[tilespmem:s23+$0xA100] =	vst.msk vm0, v6  }
0xc7: {  	s25 =	simm.s32 $0x20;
	s22 =	simm.s32 $0x10;
	v5 =	vld [tilespmem:s24+$0x0]  }
.LBB2_18:
0xc8: {  	p0 =	sne.s32 s25, $0x3FF0;
	_ =	sdelay $0x3  }
0xc9: {  	vm0 =	vge.f32 v5, v4  }
0xca: {  	v5 =	vmpcnt.ones.xlane vm0  }
0xcb: {  	s26 =	spop (v2sf)  }
0xcc: {  	v6 =	vor.u32 s22, v0;
	s22 =	smov.u32 s25;
	(v2sf) =	vpush v5, $0x0;
	s23 =	sadd.s32 s23, s26  }
0xcd: {  	[tilespmem:s23+$0xA100] =	vst.msk vm0, v6;
	_ =	sdelay $0x2  }
.Ltmp13:
0xce: {  	(pc) =	sbr.rel @p0 .LBB2_18-.Ltmp13, $3  }
0xcf: {  	_ =	sdelay $0x1  }
0xd0: {  	s24 =	sadd.s32 $0x10, s24  }
0xd1: {  	s25 =	sadd.s32 $0x10, s25;
	v5 =	vld [tilespmem:s24+$0x0]  }
0xd2: {  	_ =	sdelay $0x3  }
0xd3: {  	vm0 =	vge.f32 v5, v4  }
0xd4: {  	v4 =	vmpcnt.ones.xlane vm0;
	_ =	sdelay $0x1  }
0xd5: {  	(v2sf) =	vpush v4, $0x0;
	_ =	sdelay $0xd  }
0xd6: {  	s24 =	spop (v2sf)  }
0xd7: {  	s24 =	sadd.s32 s23, s24;
	s29 =	spop (v2sf)  }
0xd8: {  	s25 =	sadd.s32 s24, s29  }
0xd9: {  	s23 =	sand.u32 $0xF, s25  }
0xda: {  	s26 =	sshra.s32 s25, $0x1F;
	p0 =	slt.s32 s25, $0x1;
	p1 =	sne.s32 s23, $0x0  }
0xdb: {  	s30 =	sshrl.u32 s26, $0x1C;
	p0 =	por !p0, !p1  }
0xdc: {  	s26 =	simm.s32 $0x1;
	s23 =	sadd.s32 s30, s25;
	p0 =	por !p0, !p0  }
0xdd: {  	s23 =	sshra.s32 s23, $0x4;
	s26 =	simm.s32 @!p0 $0x0  }
0xde: {  	s31 =	ssub.s32 s23, s26  }
0xdf: {  	p1 =	slt.s32 s31, $0x0  }
.Ltmp14:
0xe0: {  	_ = 	snop;
	(pc) =	sbr.rel @p1 .LBB2_20-.Ltmp14, $4  }
0xe1: {  	_ = 	snop  }
0xe2: {  	v4 =	vor.u32 s22, v0  }
0xe3: {  	[tilespmem:s24+$0xA100] =	vst.msk vm0, v4  }
0xe4: {  	[tilespmem:s25+$0xA100] =	vst v2  }
0xe5: {  	s22 =	simm.s32 $0xFFFFFFFF  }
0xe6: {  	s22 =	simm.s32 @!p0 $0x0  }
0xe7: {  	s22 =	sadd.s32 s22, s23  }
0xe8: {  	s22 =	sadd.s32 $0x1, s22  }
0xe9: {  	p4 =	sne.s32 s22, $0x1  }
.Ltmp15:
0xea: {  	_ = 	snop;
	(pc) =	sbr.rel @!p4 .LBB2_22-.Ltmp15, $3  }
0xeb: {  	_ =	sdelay $0x1  }
0xec: {  	s31 =	simm.s32 $0xA100;
	p1 =	por $0x0, $0x0;
	p2 =	por $0x0, $0x0  }
0xed: {  	v5 =	vimm.f32 $-Inf;
	v4 =	vimm.s32 $0x0;
	p3 =	por $0x0, $0x0;
	p0 =	por $0x0, $0x0;
	v6 =	vld [tilespmem:s31+$0x0];
	s22 =	sadd.s32 $0xFFFFFFFF, s22  }
0xee: {  	_ =	sdelay $0x7  }
0xef: {  	p4 =	sne.s32 s22, $0x1;
	v7 =	vld.idx.msk [tilespmem:v6+s15+$0x0], $0xffff  }
.Ltmp16:
0xf0: {  	_ = 	snop;
	(pc) =	sbr.rel @!p4 .LBB2_24-.Ltmp16, $3  }
0xf1: {  	_ =	sdelay $0x1  }
0xf2: {  	s23 =	simm.s32 $0xA110  }
0xf3: {  	s22 =	sadd.s32 $0xFFFFFFFF, s22;
	p0 =	por $0x1, $0x1;
	(xrf1) =	vsort.dscd.msk.f32 $0xffff, v7, v6;
	v6 =	vld [tilespmem:s23+$0x0]  }
0xf4: {  	_ =	sdelay $0xb  }
0xf5: {  	v7 =	vld.idx.msk [tilespmem:v6+s15+$0x0], $0xffff  }
0xf6: {  	v8, v9, _ =	vpop (xrf1)  }
0xf7: {  	p4 =	sne.s32 s22, $0x1;
	v8 =	vperm.xlane v8, v3  }
.Ltmp17:
0xf8: {  	v9 =	vperm.xlane v9, v3;
	(pc) =	sbr.rel @!p4 .LBB2_26-.Ltmp17, $4  }
0xf9: {  	vm0 =	vge.f32 v5, v8  }
0xfa: {  	(xrf1) =	vsort.dscd.msk.f32 $0xffff, v7, v6;
	v6 =	vsel vm0, v5, v8;
	v7 =	vsel vm0, v4, v9  }
0xfb: {  	s23 =	simm.s32 $0xA120;
	v8 =	vsel vm0, v8, v5;
	v9 =	vsel vm0, v9, v4;
	(xrf1) =	vsort.dscd.msk.f32 $0xffff, v6, v7  }
0xfc: {  	s22 =	sadd.s32 $0xFFFFFFFF, s22;
	p1 =	por $0x1, $0x1;
	v6 =	vld [tilespmem:s23+$0x0];
	(xrf1) =	vsort.dscd.msk.f32 $0xffff, v8, v9  }
0xfd: {  	_ =	sdelay $0x9  }
0xfe: {  	v7 =	vld.idx.msk [tilespmem:v6+s15+$0x0], $0xffff  }
0xff: {  	v8, v9, _ =	vpop (xrf1)  }
0x100: {  	p4 =	sne.s32 s22, $0x1;
	v8 =	vperm.xlane v8, v3  }
.Ltmp18:
0x101: {  	v9 =	vperm.xlane v9, v3;
	v10, v11, _ =	vpop (xrf1);
	(pc) =	sbr.rel @!p4 .LBB2_28-.Ltmp18, $4  }
0x102: {  	vm0 =	vge.f32 v10, v8  }
0x103: {  	(xrf1) =	vsort.dscd.msk.f32 $0xffff, v7, v6;
	v6 =	vsel vm0, v10, v8;
	v7 =	vsel vm0, v11, v9  }
0x104: {  	s24 =	simm.s32 $0xA130;
	v12, v13, _ =	vpop (xrf1);
	v8 =	vsel vm0, v8, v10;
	v9 =	vsel vm0, v9, v11;
	(xrf1) =	vsort.dscd.msk.f32 $0xffff, v6, v7  }
0x105: {  	s23 =	sadd.s32 $0xFFFFFFFF, s22;
	p2 =	por $0x1, $0x1;
	v7 =	vperm.xlane v13, v3;
	v6 =	vld [tilespmem:s24+$0x0];
	(xrf1) =	vsort.dscd.msk.f32 $0xffff, v8, v9;
	v8 =	vperm.xlane v12, v3  }
0x106: {  	_ =	sdelay $0x1  }
0x107: {  	vm0 =	vge.f32 v5, v8  }
0x108: {  	v12 =	vsel vm0, v5, v8;
	v13 =	vsel vm0, v4, v7  }
0x109: {  	(xrf1) =	vsort.dscd.msk.f32 $0xffff, v12, v13;
	_ =	sdelay $0x4  }
0x10a: {  	v9 =	vld.idx.msk [tilespmem:v6+s15+$0x0], $0xffff;
	_ =	sdelay $0x1  }
0x10b: {  	v10, v11, _ =	vpop (xrf1)  }
0x10c: {  	p4 =	sne.s32 s23, $0x1;
	v10 =	vperm.xlane v10, v3  }
.Ltmp19:
0x10d: {  	v11 =	vperm.xlane v11, v3;
	v14, v15, _ =	vpop (xrf1);
	(pc) =	sbr.rel @!p4 .LBB2_31-.Ltmp19, $4  }
0x10e: {  	(xrf1) =	vsort.dscd.msk.f32 $0xffff, v9, v6;
	vm15 =	vge.f32 v14, v10  }
0x10f: {  	v6 =	vsel vm15, v14, v10;
	v9 =	vsel vm15, v15, v11  }
0x110: {  	s22 =	simm.s32 $0xA140;
	v12, v13, _ =	vpop (xrf1);
	v10 =	vsel vm15, v10, v14;
	v11 =	vsel vm15, v11, v15;
	(xrf1) =	vsort.dscd.msk.f32 $0xffff, v6, v9  }
0x111: {  	s23 =	sadd.s32 $0xFFFFFFFF, s23;
	p3 =	por $0x1, $0x1;
	v9 =	vperm.xlane v13, v3;
	v6 =	vld [tilespmem:s22+$0x0];
	(xrf1) =	vsort.dscd.msk.f32 $0xffff, v10, v11;
	v10 =	vperm.xlane v12, v3  }
.LBB2_30:
0x112: {  	p4 =	sne.s32 s23, $0x1;
	s23 =	sadd.s32 $0xFFFFFFFF, s23;
	v11, v12, _ =	vpop (xrf1)  }
0x113: {  	vm0 =	vge.f32 v11, v10  }
0x114: {  	v10 =	vsel vm0, v11, v10;
	v9 =	vsel vm0, v12, v9  }
0x115: {  	(xrf1) =	vsort.dscd.msk.f32 $0xffff, v10, v9;
	_ =	sdelay $0x3  }
0x116: {  	v9 =	vld.idx.msk [tilespmem:v6+s15+$0x0], $0xffff;
	_ =	sdelay $0x2  }
0x117: {  	v10, v11, _ =	vpop (xrf1)  }
0x118: {  	v10 =	vperm.xlane v10, v3  }
.Ltmp20:
0x119: {  	v11 =	vperm.xlane v11, v3;
	v12, v13, _ =	vpop (xrf1);
	(pc) =	sbr.rel @p4 .LBB2_30-.Ltmp20, $4  }
0x11a: {  	(xrf1) =	vsort.dscd.msk.f32 $0xffff, v9, v6;
	vm0 =	vge.f32 v12, v10;
	v14, v6, _ =	vpop (xrf1)  }
0x11b: {  	v15 =	vsel vm0, v12, v10;
	v16 =	vsel vm0, v13, v11;
	v9 =	vperm.xlane v6, v3  }
0x11c: {  	s22 =	sadd.s32 $0x10, s22;
	v10 =	vsel vm0, v10, v12;
	v11 =	vsel vm0, v11, v13;
	(xrf1) =	vsort.dscd.msk.f32 $0xffff, v15, v16  }
0x11d: {  	v6 =	vld [tilespmem:s22+$0x0];
	(xrf1) =	vsort.dscd.msk.f32 $0xffff, v10, v11;
	v10 =	vperm.xlane v14, v3  }
.LBB2_31:
0x11e: {  	v11, v12, _ =	vpop @p3 (xrf1)  }
0x11f: {  	v11 =	vpsel p3, v11, v5  }
0x120: {  	v12 =	vpsel p3, v12, v4;
	vm0 =	vge.f32 @p2 v11, v10  }
0x121: {  	v10 =	vsel @p2 vm0, v11, v10;
	v9 =	vsel @p2 vm0, v12, v9  }
0x122: {  	(xrf1) =	vsort.dscd.msk.f32 @p2 $0xffff, v10, v9;
	_ =	sdelay $0x6  }
0x123: {  	v60 =	vld.idx.msk [tilespmem:v6+s15+$0x0], $0xffff  }
0x124: {  	v10, v11, _ =	vpop @p0 (xrf1)  }
0x125: {  	v10 =	vperm.xlane @p0 v10, v3;
	v12, v13, _ =	vpop @p1 (xrf1)  }
0x126: {  	v11 =	vperm.xlane @p0 v11, v3;
	v12 =	vpsel p1, v12, v5;
	v13 =	vpsel p1, v13, v4  }
0x127: {  	vm0 =	vge.f32 @p0 v12, v10  }
0x128: {  	(xrf1) =	vsort.dscd.msk.f32 $0xffff, v60, v6;
	v6, v9, _ =	vpop @p1 (xrf1);
	v14 =	vsel @p0 vm0, v12, v10;
	v15 =	vsel @p0 vm0, v13, v11  }
0x129: {  	v9 =	vperm.xlane @p1 v9, v3;
	v6 =	vperm.xlane @p1 v6, v3;
	(xrf1) =	vsort.dscd.msk.f32 @p0 $0xffff, v14, v15  }
0x12a: {  	v10 =	vsel @p0 vm0, v10, v12;
	v11 =	vsel @p0 vm0, v11, v13;
	v12, v13, _ =	vpop @p2 (xrf1)  }
0x12b: {  	v6 =	vpsel p1, v6, v8;
	v7 =	vpsel p1, v9, v7;
	v8 =	vpsel p2, v12, v5  }
0x12c: {  	(xrf1) =	vsort.dscd.msk.f32 @p0 $0xffff, v10, v11;
	v9 =	vpsel p2, v13, v4;
	vm0 =	vge.f32 @p1 v8, v6  }
0x12d: {  	v6 =	vsel @p1 vm0, v8, v6;
	v7 =	vsel @p1 vm0, v9, v7  }
0x12e: {  	(xrf1) =	vsort.dscd.msk.f32 @p1 $0xffff, v6, v7;
	_ =	sdelay $0x7  }
0x12f: {  	v6, v7, _ =	vpop (xrf1)  }
0x130: {  	v8, v9, _ =	vpop @p0 (xrf1)  }
0x131: {  	v6 =	vperm.xlane v6, v3;
	v9 =	vpsel p0, v9, v4  }
0x132: {  	v8 =	vpsel p0, v8, v5  }
0x133: {  	v7 =	vperm.xlane v7, v3;
	v10, v11, _ =	vpop @p0 (xrf1);
	vm14 =	vge.f32 v8, v6  }
0x134: {  	v10 =	vperm.xlane @p0 v10, v3;
	v11 =	vperm.xlane @p0 v11, v3;
	v61 =	vsel vm14, v8, v6  }
0x135: {  	v62 =	vsel vm14, v9, v7;
	v6 =	vsel vm14, v6, v8;
	v7 =	vsel vm14, v7, v9;
	v8, v9, _ =	vpop @p1 (xrf1)  }
0x136: {  	(xrf1) =	vsort.dscd.msk.f32 $0xffff, v61, v62;
	v10 =	vpsel p0, v10, v0;
	v8 =	vpsel p1, v8, v5  }
0x137: {  	v11 =	vpsel p0, v11, v0;
	v9 =	vpsel p1, v9, v4;
	vm0 =	vge.f32 @p0 v8, v10  }
0x138: {  	(xrf1) =	vsort.dscd.msk.f32 $0xffff, v6, v7;
	v6 =	vsel @p0 vm0, v8, v10;
	v7 =	vsel @p0 vm0, v9, v11  }
0x139: {  	(xrf1) =	vsort.dscd.msk.f32 @p0 $0xffff, v6, v7;
	_ =	sdelay $0xb  }
0x13a: {  	v7, v6, _ =	vpop (xrf1)  }
0x13b: {  	v8, v63, _ =	vpop (xrf1)  }
0x13c: {  	v8 =	vperm.xlane v8, v3;
	v10, v11, _ =	vpop @p0 (xrf1)  }
0x13d: {  	v9 =	vperm.xlane v63, v3;
	v5 =	vpsel p0, v10, v5  }
0x13e: {  	v4 =	vpsel p0, v11, v4;
	vm15 =	vge.f32 v5, v8  }
0x13f: {  	v5 =	vsel vm15, v5, v8;
	v4 =	vsel vm15, v4, v9  }
0x140: {  	(xrf1) =	vsort.dscd.msk.f32 $0xffff, v5, v4;
	_ =	sdelay $0x9  }
.Ltmp21:
0x141: {  	_ = 	snop;
	(pc) =	sbr.rel .LBB2_32-.Ltmp21, $2  }
0x142: {  	_ =	sdelay $0x2  }
0x143: {  	v5, v4, _ =	vpop (xrf1)  }
.LBB2_7:
.Ltmp22:
0x144: {  	(pc) =	sbr.rel .LBB2_16-.Ltmp22, $2  }
0x145: {  	_ =	sdelay $0x2  }
0x146: {  	_ = 	snop  }
.LBB2_22:
.Ltmp23:
0x147: {  	(pc) =	sbr.rel .LBB2_31-.Ltmp23, $2  }
0x148: {  	_ =	sdelay $0x2  }
0x149: {  	_ = 	snop  }
.LBB2_9:
.Ltmp24:
0x14a: {  	(pc) =	sbr.rel .LBB2_16-.Ltmp24, $2  }
0x14b: {  	_ =	sdelay $0x2  }
0x14c: {  	_ = 	snop  }
.LBB2_24:
.Ltmp25:
0x14d: {  	(pc) =	sbr.rel .LBB2_31-.Ltmp25, $2  }
0x14e: {  	_ =	sdelay $0x2  }
0x14f: {  	_ = 	snop  }
.LBB2_11:
.Ltmp26:
0x150: {  	(pc) =	sbr.rel .LBB2_16-.Ltmp26, $2  }
0x151: {  	_ =	sdelay $0x2  }
0x152: {  	_ = 	snop  }
.LBB2_26:
.Ltmp27:
0x153: {  	(pc) =	sbr.rel .LBB2_31-.Ltmp27, $2  }
0x154: {  	_ =	sdelay $0x2  }
0x155: {  	_ = 	snop  }
.LBB2_13:
.Ltmp28:
0x156: {  	(pc) =	sbr.rel .LBB2_16-.Ltmp28, $2  }
0x157: {  	_ =	sdelay $0x2  }
0x158: {  	v10 =	vmov v8;
	v9 =	vmov v7  }
.LBB2_28:
.Ltmp29:
0x159: {  	(pc) =	sbr.rel .LBB2_31-.Ltmp29, $2  }
0x15a: {  	_ =	sdelay $0x2  }
0x15b: {  	v10 =	vmov v8;
	v9 =	vmov v7  }
.LBB2_34:
0x15c: {  	_ =	sfence.sel $0x180000  }
0x15d: {  	[bflag:$0x0] =	sbarrier.arrive $0xFFFF  }
0x15e: {  	p0 =	sne.s32 s1, $0x0;
	_ =	strace $0x90000047  }
0x15f: {  	s0 =	sadd.s32 @!p0 $0x100000, s0;
	[bflag:$0x2] =	sbarrier.arrive $0xFFFF  }
0x160: {  	[sflag:s0] =	ssyncadd.tile.s32 @!p0 $0x1;
	_ =	shalt  }
.Lfunc_end2:
_tile_overlayer_lowered:
.L_overlay_start_2:
0x161: {  	(tag) =	ssettag $0x2  }
0x162: {  	s0 =	rddreg [dreg:$0x0];
	s2 =	stileid.u32  }
0x163: {  	s1 =	rddreg [dreg:$0x1];
	p0 =	sne.s32 s2, $0x0  }
0x164: {  	s3 =	rddreg [dreg:$0x2];
	[bflag:$0x3] =	sbarrier.arrive $0xFFFF;
	s2 =	simm.s32 @!p0 $0x1C03  }
0x165: {  	[timem:s3], [sflag:s2] =	dma.local @!p0 [hbm:s0], s1  }
0x166: {  	s0 =	simm.s32 @!p0 $0x3  }
0x167: {  	_ =	swait.ge @!p0 [sflag:s0], s1  }
0x168: {  	s1 =	ssub.s32 @!p0 $0x0, s1;
	[sflag:s0] =	ssyncset.done @!p0 $0x0  }
0x169: {  	[sflag:s0] =	ssyncadd.s32 @!p0 s1  }
0x16a: {  	[bflag:$0x3] =	sbarrier.arrive $0xFFFF  }
0x16b: {  	_ =	shalt  }

// kernel: kernel.9.cloned.1.call-start
scs
__scs_entry_jumppad:
0x0: {  	(pc) =	sbr.rel $0x88, $3  }
0x1: {  	(tag) =	ssettag $0x0;
	lr =	simm.s32 $0x1  }
0x2: {  	[smem:$0x3F9F] =	sst lr;
	_ =	strace $0xD0000000  }
0x3: {  	_ = 	snop  }
0x4: {  	_ = 	snop  }
0x5: {  	_ = 	snop  }
0x6: {  	_ = 	snop  }
0x7: {  	_ = 	snop  }
__scs_overlays_trampoline_lowered:
0x8: {  	[smem:$0x3FAE] =	sst s0  }
0x9: {  	[smem:$0x3FAF] =	sst s1  }
0xa: {  	[smem:$0x3FB0] =	sst s2  }
0xb: {  	[smem:$0x3FB1] =	sst s3  }
0xc: {  	[smem:$0x3FB2] =	sst s4  }
0xd: {  	[smem:$0x3FB3] =	sst s5  }
0xe: {  	[smem:$0x3FB4] =	sst s6  }
0xf: {  	[smem:$0x3FB5] =	sst s7  }
0x10: {  	[smem:$0x3FB6] =	sst s8  }
0x11: {  	[smem:$0x3FB7] =	sst s9;
	s0 =	simm.s32 @!p0 $0x0  }
0x12: {  	s1 =	sld [smem:$0x3F9D];
	s0 =	simm.s32 @p0 $0x1  }
0x13: {  	[smem:$0x3FB8] =	sst s0;
	s0 =	simm.s32 @!p1 $0x0  }
0x14: {  	s2 =	sld [smem:$0x3F9C];
	s0 =	simm.s32 @p1 $0x1  }
0x15: {  	[smem:$0x3FB9] =	sst s0;
	s0 =	simm.s32 @!p2 $0x0  }
0x16: {  	s3 =	sld [smem:$0x3FDB];
	s0 =	simm.s32 @p2 $0x1  }
0x17: {  	s4 =	simm.s32 $0x1BF5;
	[smem:$0x3FBB] =	sst s0  }
0x18: {  	s0 =	sld [smem:$0x3F9E];
	_ =	swait.ge [sflag:s4], $0x0  }
0x19: {  	s7 =	sld [smem:$0x3F9F]  }
0x1a: {  	s8 =	sadd.s32 $0xFFFFE003, lr  }
0x1b: {  	s9 =	sadd.s32 $0xFFFFFEF7, lr;
	s5 =	simm.s32 $0xFFFFFFFF;
	p2 =	slt.u32 s8, $0xFFFFF086  }
0x1c: {  	p1 =	slt.u32 s9, $0xF7A;
	s5 =	simm.s32 @!p2 $0x0  }
0x1d: {  	s5 =	simm.s32 @p1 $0x1;
	p0 =	seq.s32 s7, s2  }
0x1e: {  	s7 =	smul.u32 @!p0 $0xF7A, s2;
	p2 =	seq.s32 @!p0 s5, $0x0  }
0x1f: {  	s9 =	smul.u32 $0xF7A, s1;
	s8 =	simm.s32 @!p0 $0x1BF5;
	p2 =	por !p2, p0  }
0x20: {  	[sflag:s8] =	ssyncset.s32 @!p0 $0xFFFFF086;
	s6 =	sadd.s32 @!p0 s3, s7;
	s7 =	simm.s32 @!p0 $0x108  }
0x21: {  	s3 =	sadd.s32 s3, s9;
	s6 =	sadd.s32 @!p0 $0x88, s6;
	s7 =	simm.s32 @p2 $0x1082  }
0x22: {  	[simem:s7], [sflag:s8] =	dma.local @!p0 [hbm:s6], $0xF7A  }
0x23: {  	s9 =	sor.u32 $0xD0000000, s2;
	s6 =	simm.s32 $0x108;
	_ =	swait.ge @!p0 [sflag:s8], $0x0  }
0x24: {  	s3 =	sadd.s32 $0x88, s3;
	s6 =	simm.s32 @!p1 $0x1082;
	[sflag:s4] =	ssyncset.s32 $0xFFFFF086  }
0x25: {  	[simem:s6], [sflag:s4] =	dma.local [hbm:s3], $0xF7A  }
0x26: {  	[smem:$0x3F9F] =	sst s1;
	(tag) =	ssettag s2;
	_ =	strace s9  }
0x27: {  	s1 =	sld [smem:$0x3FAF]  }
0x28: {  	s2 =	sld [smem:$0x3FB0]  }
0x29: {  	s4 =	sld [smem:$0x3FB2]  }
0x2a: {  	p0 =	seq.s32 s5, $0x0;
	s5 =	sld [smem:$0x3FB3]  }
0x2b: {  	s6 =	sld [smem:$0x3FB4]  }
0x2c: {  	s7 =	sld [smem:$0x3FB5]  }
0x2d: {  	s3 =	simm.s32 $0x108;
	s8 =	sld [smem:$0x3FB6]  }
0x2e: {  	s3 =	simm.s32 @!p0 $0x1082;
	s9 =	sld [smem:$0x3FB7]  }
0x2f: {  	lr =	sadd.s32 s0, s3;
	s0 =	sld [smem:$0x3FAE]  }
0x30: {  	s3 =	sld [smem:$0x3FB1]  }
0x31: {  	[smem:$0x3FBA] =	sst s10  }
0x32: {  	s10 =	sld [smem:$0x3FB8];
	_ =	sdelay $0x3  }
0x33: {  	p0 =	seq.s32 s10, $0x1;
	s10 =	sld [smem:$0x3FBA];
	_ =	sdelay $0x3  }
0x34: {  	[smem:$0x3FBA] =	sst s10  }
0x35: {  	s10 =	sld [smem:$0x3FB9];
	_ =	sdelay $0x3  }
0x36: {  	p1 =	seq.s32 s10, $0x1;
	s10 =	sld [smem:$0x3FBA];
	_ =	sdelay $0x3  }
0x37: {  	[smem:$0x3FBA] =	sst s10  }
0x38: {  	s10 =	sld [smem:$0x3FBB]  }
0x39: {  	_ = 	snop;
	(pc) =	sbr.ind lr, $3  }
0x3a: {  	_ = 	snop  }
0x3b: {  	_ = 	snop  }
0x3c: {  	p2 =	seq.s32 s10, $0x1;
	s10 =	sld [smem:$0x3FBA]  }
0x3d: {  	_ =	shalt  }
0x3e: {  	_ =	shalt  }
0x3f: {  	_ =	shalt  }
0x40: {  	_ =	shalt  }
0x41: {  	_ =	shalt  }
0x42: {  	_ =	shalt  }
0x43: {  	_ =	shalt  }
0x44: {  	_ =	shalt  }
0x45: {  	_ =	shalt  }
0x46: {  	_ =	shalt  }
0x47: {  	_ =	shalt  }
0x48: {  	_ =	shalt  }
0x49: {  	_ =	shalt  }
0x4a: {  	_ =	shalt  }
0x4b: {  	_ =	shalt  }
0x4c: {  	_ =	shalt  }
0x4d: {  	_ =	shalt  }
0x4e: {  	_ =	shalt  }
0x4f: {  	_ =	shalt  }
0x50: {  	_ =	shalt  }
0x51: {  	_ =	shalt  }
0x52: {  	_ =	shalt  }
0x53: {  	_ =	shalt  }
0x54: {  	_ =	shalt  }
0x55: {  	_ =	shalt  }
0x56: {  	_ =	shalt  }
0x57: {  	_ =	shalt  }
0x58: {  	_ =	shalt  }
0x59: {  	_ =	shalt  }
0x5a: {  	_ =	shalt  }
0x5b: {  	_ =	shalt  }
0x5c: {  	_ =	shalt  }
0x5d: {  	_ =	shalt  }
0x5e: {  	_ =	shalt  }
0x5f: {  	_ =	shalt  }
0x60: {  	_ =	shalt  }
0x61: {  	_ =	shalt  }
0x62: {  	_ =	shalt  }
0x63: {  	_ =	shalt  }
0x64: {  	_ =	shalt  }
0x65: {  	_ =	shalt  }
0x66: {  	_ =	shalt  }
0x67: {  	_ =	shalt  }
0x68: {  	_ =	shalt  }
0x69: {  	_ =	shalt  }
0x6a: {  	_ =	shalt  }
0x6b: {  	_ =	shalt  }
0x6c: {  	_ =	shalt  }
0x6d: {  	_ =	shalt  }
0x6e: {  	_ =	shalt  }
0x6f: {  	_ =	shalt  }
0x70: {  	_ =	shalt  }
0x71: {  	_ =	shalt  }
0x72: {  	_ =	shalt  }
0x73: {  	_ =	shalt  }
0x74: {  	_ =	shalt  }
0x75: {  	_ =	shalt  }
0x76: {  	_ =	shalt  }
0x77: {  	_ =	shalt  }
0x78: {  	_ =	shalt  }
0x79: {  	_ =	shalt  }
0x7a: {  	_ =	shalt  }
0x7b: {  	_ =	shalt  }
0x7c: {  	_ =	shalt  }
0x7d: {  	_ =	shalt  }
0x7e: {  	_ =	shalt  }
0x7f: {  	_ =	shalt  }
0x80: {  	_ =	shalt  }
0x81: {  	_ =	shalt  }
0x82: {  	_ =	shalt  }
0x83: {  	_ =	shalt  }
0x84: {  	_ =	shalt  }
0x85: {  	_ =	shalt  }
0x86: {  	_ =	shalt  }
0x87: {  	_ =	shalt  }
.Lfunc_end0:
.L_simem_size_0:
called_computation.1_lowered:
.L_overlay_start_0:
0x88: {  	s2 =	sld [smem:$0x3FD9]  }
0x89: {  	s3 =	sld [smem:$0x3FFE];
	_ =	sdelay $0x1  }
0x8a: {  	s1 =	srdreg.scid  }
0x8b: {  	s0 =	sand.u32 $0x1, s1  }
0x8c: {  	s14 =	sshll.u32 s0, $0xA;
	s2 =	sadd.s32 s3, s2  }
0x8d: {  	s2 =	sadd.s32 s2, s14  }
0x8e: {  	[smem:$0x3FC6] =	sst s2  }
0x8f: {  	_ = 	snop  }
0x90: {  	s2 =	sld [smem:$0x3FD0];
	_ =	sdelay $0x1  }
0x91: {  	s15 =	sld [smem:$0x3FC9]  }
0x92: {  	s5 =	simm.s32 $0xA;
	s6 =	simm.s32 $0x10;
	s4 =	sld [smem:$0x3FC8]  }
0x93: {  	[smem:s6], [sflag:s5] =	dma.local [hbm:s2], $0x1  }
0x94: {  	_ =	swait.eq [sflag:s5], $0x1  }
0x95: {  	[sflag:s5] =	ssyncset.done $0x0  }
0x96: {  	s16 =	sld [smem:$0x11];
	[sflag:s5] =	ssyncadd.s32 $0xFFFFFFFF  }
0x97: {  	s17 =	sld [smem:$0x12];
	(tm) =	ssettm $0x1  }
0x98: {  	s18 =	sld [smem:$0x3FFB];
	_ =	sdelay $0x3  }
0x99: {  	_ =	strace s18  }
0x9a: {  	s6 =	sld [smem:$0x3FFC];
	_ =	sdelay $0x3  }
0x9b: {  	_ =	strace s6  }
0x9c: {  	s6 =	sld [smem:$0x3FFD];
	_ =	sdelay $0x3  }
0x9d: {  	_ =	strace s6  }
0x9e: {  	_ =	strace $0x8FFFFFFF  }
0x9f: {  	s19 =	sld [smem:$0x3FDB];
	_ =	sdelay $0x1  }
0xa0: {  	s7 =	simm.s32 $_scs_section_size  }
0xa1: {  	s8 =	simm.s32 $_size__tile_overlayer_lowered;
	s9 =	simm.s32 $_tile_overlayer_lowered  }
0xa2: {  	s22 =	simm.s32 $0x1BFF;
	s21 =	sshll.u32 s9, $0x1;
	s6 =	sadd.s32 s7, s19  }
0xa3: {  	s10 =	simm.s32 $0x0;
	s20 =	sshll.u32 s8, $0x1;
	s8 =	sadd.s32 s21, s6  }
0xa4: {  	[timem:s10], [sflag:s22] =	dma.local [hbm:s8], s20  }
0xa5: {  	_ =	swait.ge [sflag:s22], s20  }
0xa6: {  	s7 =	ssub.s32 $0x0, s20;
	[sflag:s22] =	ssyncset.done $0x0  }
0xa7: {  	[sflag:s22] =	ssyncadd.s32 s7;
	_ =	sdelay $0x1  }
0xa8: {  	s23 =	simm.s32 $0x1B8B  }
0xa9: {  	_ =	swait.ge [sflag:s23], $0x1  }
0xaa: {  	[sflag:s23] =	ssyncset.done $0x0  }
0xab: {  	s25 =	simm.s32 $0x1B8E;
	s24 =	sld [smem:$0x3FFE];
	[sflag:s23] =	ssyncadd.s32 $0xFFFFFFFF  }
0xac: {  	s26 =	simm.s32 $execute0_lowered;
	[smem:$0x3FD2] =	sst s25  }
0xad: {  	s8 =	sshll.u32 s26, $0x1;
	_ =	strace $0x80000049;
	[dreg:$0x1] =	wrdreg $0xFFFFFFFF  }
0xae: {  	s28 =	simm.s32 $_size_execute0_lowered;
	s6 =	sadd.s32 s6, s8;
	[dreg:$0x0] =	wrdreg $0x0  }
0xaf: {  	s8 =	sshll.u32 s28, $0x1;
	[dreg:$0x2] =	wrdreg s6  }
0xb0: {  	[dreg:$0x3] =	wrdreg s8  }
0xb1: {  	[dreg:$0x4] =	wrdreg $0xC0  }
0xb2: {  	_ =	task [dreg:s10], $0x5FFFF  }
0xb3: {  	[dreg:$0x1] =	wrdreg $0xFFFFFFFF  }
0xb4: {  	[dreg:$0x0] =	wrdreg $0x60  }
0xb5: {  	[dreg:$0x2] =	wrdreg s4  }
0xb6: {  	[dreg:$0x3] =	wrdreg s15  }
0xb7: {  	[dreg:$0x4] =	wrdreg s24  }
0xb8: {  	[dreg:$0x5] =	wrdreg s17  }
0xb9: {  	[dreg:$0x6] =	wrdreg s16  }
0xba: {  	[dreg:$0x7] =	wrdreg $0x9  }
0xbb: {  	_ =	task.clear_ibuf [dreg:s10], $0x8FFFF;
	_ =	strace $0x90000049  }
0xbc: {  	s29 =	simm.s32 $0x9;
	_ =	strace $0x8000004B  }
0xbd: {  	_ =	swait.ge [sflag:s29], $0x1  }
0xbe: {  	[sflag:s29] =	ssyncadd.s32 $0xFFFFFFFF  }
0xbf: {  	_ =	strace $0x9000004B  }
0xc0: {  	_ =	sfence  }
0xc1: {  	s30 =	sld [smem:$0x0];
	_ =	sdelay $0x2  }
0xc2: {  	s31 =	sshll.u32 s1, $0xD;
	s1 =	sshrl.u32 s1, $0x2  }
0xc3: {  	s3 =	sand.u32 $0x4000, s31;
	s1 =	sadd.s32 s1, s30  }
0xc4: {  	s0 =	sor.u32 s3, s0;
	s1 =	sshll.u32 s1, $0x11  }
0xc5: {  	s0 =	sor.u32 s1, s0  }
0xc6: {  	s0 =	sadd.s32 $0x8F2B, s0  }
0xc7: {  	[sflag:s0] =	ssyncadd.remote.s32 $0x1  }
0xc8: {  	_ =	sfence.sel $0xFFFF  }
0xc9: {  	[dreg:$0x0] =	wrdreg $0xFFFFFFFF;
	(pc) =	sbr.abs _section_cstart, $3  }
0xca: {  	[dreg:$0x1] =	wrdreg $0xFFFFFFFF  }
0xcb: {  	_ =	task.clear_ibuf [dreg:s10], $0x2FFFF;
	_ =	strace $0x9FFFFFFF  }
0xcc: {  	(tm) =	ssettm $0x7FFFFFFF  }
0xcd: {  	_ =	shalt  }
tec
execute0_lowered:
.L_overlay_start_1:
0x0: {  	(tag) =	ssettag $0x1  }
0x1: {  	s1 =	rddreg [dreg:$0x0]  }
0x2: {  	s28 =	rddreg [dreg:$0x1]  }
0x3: {  	s0 =	rddreg [dreg:$0x2]  }
0x4: {  	s17 =	rddreg [dreg:$0x4];
	s6 =	simm.s32 $0x0;
	s2 =	srdreg.scid  }
0x5: {  	s3 =	stileid.u32;
	s30 =	simm.s32 $0x80;
	s31 =	simm.s32 $0x400  }
0x6: {  	s16 =	simm.s32 $0x3;
	s12 =	simm.s32 $0x2;
	s13 =	simm.s32 $0x4  }
0x7: {  	s14 =	simm.s32 $0x8000;
	s18 =	simm.s32 $0x8;
	s19 =	simm.s32 $0x0  }
0x8: {  	[smem:$0x7FF] =	sst s6;
	s2 =	sand.u32 $0x1, s2;
	s4 =	sshll.u32 s3, $0x1  }
0x9: {  	s10 =	sadd.s32 $0x100, s1;
	s11 =	sadd.s32 $0x200, s1;
	s4 =	sor.u32 s2, s4  }
0xa: {  	_ =	strace $0x8000004A;
	s2 =	ssub.s32 $0x2, s2;
	s7 =	sshll.u32 s4, $0xA  }
0xb: {  	s8 =	sshll.u32 s4, $0x4;
	s23 =	sshrl.u32 s2, $0x1;
	s9 =	sadd.s32 s7, s0  }
0xc: {  	s0 =	sadd.s32 s8, s0;
	s2 =	ssub.s32 s2, s23;
	s24 =	sadd.s32 $0x5800, s9  }
0xd: {  	s7 =	sshll.u32 s4, $0x6;
	s25 =	sadd.s32 $0xD800, s9;
	[dreg:$0x6] =	wrdreg s24  }
0xe: {  	s4 =	smul.u32 $0x1800, s4;
	s0 =	sadd.s32 $0x1800, s0;
	[dreg:$0x7] =	wrdreg s25  }
0xf: {  	v3 =	vlaneseq.u32;
	s3 =	simm.s32 $0x0;
	s29 =	smax.u32 s2, $0x1;
	[dreg:$0x9] =	wrdreg s0  }
0x10: {  	v0 =	vimm.f32 $0.0e+00;
	vm0 =	vmmov $0xffff;
	v2 =	vshrl.u32 v3, $0x3;
	s8 =	simm.s32 $0x4000;
	s26 =	sadd.s32 s28, s4;
	[dreg:$0xa] =	wrdreg s29  }
0x11: {  	v1 =	vand.u32 $0x7, v3;
	v3 =	vor.u32 $0x8, v3;
	v2 =	vmul.u32 $0x8, v2;
	s2 =	simm.s32 $0x9;
	s4 =	simm.s32 $0x1;
	[dreg:$0x8] =	wrdreg s26  }
.LBB2_1:
0x12: {  	[dreg:$0xb] =	wrdreg s3  }
0x13: {  	s0 =	rddreg [dreg:$0x6]  }
0x14: {  	[tilespmem:s6], [sflag:$0x9] =	stream.linear.gather [hbm4b:s0+s6], $0x2000, $0x38;
	[tilespmem:$0x18C80] =	vst v63  }
0x15: {  	_ =	swait.ge [sflag:s2], $0x2000  }
0x16: {  	[sflag:s2] =	ssyncset.done $0x0  }
0x17: {  	s29 =	simm.s32 $0x2000;
	s26 =	rddreg [dreg:$0x7];
	[sflag:s2] =	ssyncadd.s32 $0xFFFFE000  }
0x18: {  	[tilespmem:s29], [sflag:$0x9] =	stream.linear.gather [hbm4b:s26+s6], $0x2000, $0x38;
	[tilespmem:$0x18C80] =	vst v63  }
0x19: {  	_ =	swait.ge [sflag:s2], $0x2000  }
0x1a: {  	[sflag:s2] =	ssyncset.done $0x0  }
0x1b: {  	s0 =	simm.s32 $0x40;
	[sflag:s2] =	ssyncadd.s32 $0xFFFFE000;
	s2 =	simm.s32 $0x0  }
.LBB2_2:
0x1c: {  	p0 =	sne.s32 s0, $0xFFC0;
	[tilespmem:s2+$0x4000] =	vst v0;
	s9 =	smov.u32 s0;
	s0 =	sadd.s32 $0x40, s0  }
.Ltmp0:
0x1d: {  	[tilespmem:s2+$0x8000] =	vst v0;
	(pc) =	sbr.rel @p0 .LBB2_2-.Ltmp0, $2  }
0x1e: {  	_ =	sdelay $0x2  }
0x1f: {  	s2 =	sshra.s32 s9, $0x2  }
0x20: {  	[tilespmem:s2+$0x4000] =	vst v0  }
0x21: {  	[tilespmem:s2+$0x8000] =	vst v0  }
0x22: {  	v4 =	vld [tilespmem:$0x2000];
	_ =	sdelay $0x4  }
0x23: {  	v5 =	vshrl.u32 v4, $0x3  }
0x24: {  	v5 =	vmul.u32 $0x30, v5  }
0x25: {  	v4 =	vand.u32 $0x7, v4  }
0x26: {  	v4 =	vor.u32 v4, v5  }
0x27: {  	v5 =	vperm.xlane v4, v1;
	_ =	sdelay $0x1  }
0x28: {  	v5 =	vadd.s32 v2, v5  }
0x29: {  	v6 =	vld [tilespmem:$0x2010];
	_ =	sdelay $0x2  }
0x2a: {  	s0 =	simm.s32 $0xC000;
	v4 =	vperm.xlane v4, v3  }
0x2b: {  	[tilespmem:s0], [sflag:$0x1] =	stream.indirect_vreg.gather [hbm4b:s1+s19], $0x80, v5, vm0, $0xb8;
	[tilespmem:$0x18C80] =	vst v63  }
0x2c: {  	s2 =	simm.s32 $0xC800;
	v7 =	vshrl.u32 v6, $0x3;
	v4 =	vadd.s32 v2, v4  }
0x2d: {  	v7 =	vmul.u32 $0x30, v7;
	[tilespmem:s2], [sflag:$0x1] =	stream.indirect_vreg.gather [hbm4b:s10+s19], $0x80, v5, vm0, $0xb8;
	[tilespmem:$0x18C80] =	vst v63  }
0x2e: {  	s3 =	simm.s32 $0xD000;
	v6 =	vand.u32 $0x7, v6  }
0x2f: {  	[tilespmem:s3], [sflag:$0x1] =	stream.indirect_vreg.gather [hbm4b:s11+s19], $0x80, v5, vm0, $0xb8;
	v5 =	vor.u32 v6, v7;
	[tilespmem:$0x18C80] =	vst v63  }
0x30: {  	s5 =	simm.s32 $0xD800;
	v6 =	vperm.xlane v5, v1  }
0x31: {  	[tilespmem:s5], [sflag:$0x1] =	stream.indirect_vreg.gather [hbm4b:s1+s19], $0x80, v4, vm0, $0xb8;
	[tilespmem:$0x18C80] =	vst v63  }
0x32: {  	s9 =	simm.s32 $0xE000;
	v6 =	vadd.s32 v2, v6  }
0x33: {  	[tilespmem:s9], [sflag:$0x1] =	stream.indirect_vreg.gather [hbm4b:s10+s19], $0x80, v4, vm0, $0xb8;
	[tilespmem:$0x18C80] =	vst v63  }
0x34: {  	s15 =	simm.s32 $0xE800  }
0x35: {  	[tilespmem:s15], [sflag:$0x1] =	stream.indirect_vreg.gather [hbm4b:s11+s19], $0x80, v4, vm0, $0xb8;
	[tilespmem:$0x18C80] =	vst v63  }
0x36: {  	s20 =	simm.s32 $0xF000;
	v4 =	vperm.xlane v5, v3  }
0x37: {  	[tilespmem:s20], [sflag:$0x1] =	stream.indirect_vreg.gather [hbm4b:s1+s19], $0x80, v6, vm0, $0xb8;
	[tilespmem:$0x18C80] =	vst v63  }
0x38: {  	s21 =	simm.s32 $0xF800;
	v4 =	vadd.s32 v2, v4  }
0x39: {  	[tilespmem:s21], [sflag:$0x1] =	stream.indirect_vreg.gather [hbm4b:s10+s19], $0x80, v6, vm0, $0xb8;
	[tilespmem:$0x18C80] =	vst v63  }
0x3a: {  	s22 =	simm.s32 $0x10000  }
0x3b: {  	[tilespmem:s22], [sflag:$0x1] =	stream.indirect_vreg.gather [hbm4b:s11+s19], $0x80, v6, vm0, $0xb8;
	[tilespmem:$0x18C80] =	vst v63  }
0x3c: {  	s23 =	simm.s32 $0x10800  }
0x3d: {  	[tilespmem:s23], [sflag:$0x1] =	stream.indirect_vreg.gather [hbm4b:s1+s19], $0x80, v4, vm0, $0xb8;
	[tilespmem:$0x18C80] =	vst v63  }
0x3e: {  	s24 =	simm.s32 $0x11000  }
0x3f: {  	[tilespmem:s24], [sflag:$0x1] =	stream.indirect_vreg.gather [hbm4b:s10+s19], $0x80, v4, vm0, $0xb8;
	[tilespmem:$0x18C80] =	vst v63  }
0x40: {  	s25 =	simm.s32 $0x11800  }
0x41: {  	[tilespmem:s25], [sflag:$0x1] =	stream.indirect_vreg.gather [hbm4b:s11+s19], $0x80, v4, vm0, $0xb8;
	[tilespmem:$0x18C80] =	vst v63  }
0x42: {  	s26 =	rddreg [dreg:$0x8];
	s29 =	simm.s32 $0x18000;
	s20 =	simm.s32 $0x0  }
0x43: {  	v36 =	vimm.f32 $0.0e+00;
	[tilespmem:s29], [sflag:$0x3] =	stream.strided.gather [hbm4b:s26+s30], $0x300, s31, s30, $0x38;
	[tilespmem:$0x18C80] =	vst v63  }
.LBB2_4:
0x44: {  	_ =	swait.ge [sflag:s4], $0x3000  }
0x45: {  	[sflag:s4] =	ssyncset.done $0x0  }
0x46: {  	[sflag:s4] =	ssyncadd.s32 $0xFFFFD000  }
0x47: {  	_ =	swait.ge [sflag:s4], $0x3000  }
0x48: {  	[sflag:s4] =	ssyncset.done $0x0  }
0x49: {  	[sflag:s4] =	ssyncadd.s32 $0xFFFFD000  }
0x4a: {  	_ =	swait.ge [sflag:s16], $0x300  }
0x4b: {  	[sflag:s16] =	ssyncset.done $0x0  }
0x4c: {  	s22 =	sshll.u32 s20, $0x8;
	[sflag:s16] =	ssyncadd.s32 $0xFFFFFD00  }
0x4d: {  	v4 =	vld [tilespmem:s22+$0x2080];
	_ =	sdelay $0x4  }
0x4e: {  	v5 =	vshrl.u32 v4, $0x3  }
0x4f: {  	v5 =	vmul.u32 $0x30, v5  }
0x50: {  	v4 =	vand.u32 $0x7, v4  }
0x51: {  	v4 =	vor.u32 v4, v5  }
0x52: {  	v5 =	vperm.xlane v4, v1;
	_ =	sdelay $0x1  }
0x53: {  	v5 =	vadd.s32 v2, v5  }
0x54: {  	v6 =	vld [tilespmem:s22+$0x2090];
	_ =	sdelay $0x2  }
0x55: {  	s0 =	simm.s32 $0x12000;
	v4 =	vperm.xlane v4, v3  }
0x56: {  	[tilespmem:s0], [sflag:$0x2] =	stream.indirect_vreg.gather [hbm4b:s1+s6], $0x80, v5, vm0, $0xb8;
	[tilespmem:$0x18C80] =	vst v63  }
0x57: {  	s26 =	simm.s32 $0x12800;
	v7 =	vshrl.u32 v6, $0x3;
	v4 =	vadd.s32 v2, v4  }
0x58: {  	v7 =	vmul.u32 $0x30, v7;
	[tilespmem:s26], [sflag:$0x2] =	stream.indirect_vreg.gather [hbm4b:s10+s6], $0x80, v5, vm0, $0xb8;
	[tilespmem:$0x18C80] =	vst v63  }
0x59: {  	s2 =	simm.s32 $0x13000;
	v6 =	vand.u32 $0x7, v6  }
0x5a: {  	[tilespmem:s2], [sflag:$0x2] =	stream.indirect_vreg.gather [hbm4b:s11+s6], $0x80, v5, vm0, $0xb8;
	v5 =	vor.u32 v6, v7;
	[tilespmem:$0x18C80] =	vst v63  }
0x5b: {  	s3 =	simm.s32 $0x13800;
	v6 =	vperm.xlane v5, v1  }
0x5c: {  	[tilespmem:s3], [sflag:$0x2] =	stream.indirect_vreg.gather [hbm4b:s1+s6], $0x80, v4, vm0, $0xb8;
	[tilespmem:$0x18C80] =	vst v63  }
0x5d: {  	s5 =	simm.s32 $0x14000;
	v6 =	vadd.s32 v2, v6  }
0x5e: {  	[tilespmem:s5], [sflag:$0x2] =	stream.indirect_vreg.gather [hbm4b:s10+s6], $0x80, v4, vm0, $0xb8;
	[tilespmem:$0x18C80] =	vst v63  }
0x5f: {  	s9 =	simm.s32 $0x14800  }
0x60: {  	[tilespmem:s9], [sflag:$0x2] =	stream.indirect_vreg.gather [hbm4b:s11+s6], $0x80, v4, vm0, $0xb8;
	[tilespmem:$0x18C80] =	vst v63  }
0x61: {  	s15 =	simm.s32 $0x15000  }
0x62: {  	v4 =	vperm.xlane v5, v3;
	[tilespmem:s15], [sflag:$0x2] =	stream.indirect_vreg.gather [hbm4b:s1+s6], $0x80, v6, vm0, $0xb8;
	[tilespmem:$0x18C80] =	vst v63  }
0x63: {  	s21 =	simm.s32 $0x15800;
	s26 =	sshll.u32 s20, $0x1  }
0x64: {  	v4 =	vadd.s32 v2, v4;
	[tilespmem:s21], [sflag:$0x2] =	stream.indirect_vreg.gather [hbm4b:s10+s6], $0x80, v6, vm0, $0xb8;
	[tilespmem:$0x18C80] =	vst v63  }
0x65: {  	s23 =	simm.s32 $0x16000;
	s24 =	sor.u32 s7, s26  }
0x66: {  	[tilespmem:s23], [sflag:$0x2] =	stream.indirect_vreg.gather [hbm4b:s11+s6], $0x80, v6, vm0, $0xb8;
	[tilespmem:$0x18C80] =	vst v63  }
0x67: {  	s0 =	sshrl.u32 s24, $0x3;
	s23 =	sor.u32 $0x80, s22  }
0x68: {  	s2 =	simm.s32 $0x16800;
	s29 =	smul.u32 $0x1800, s0;
	s24 =	sand.u32 $0x380, s23  }
0x69: {  	[tilespmem:s2], [sflag:$0x2] =	stream.indirect_vreg.gather [hbm4b:s1+s6], $0x80, v4, vm0, $0xb8;
	[tilespmem:$0x18C80] =	vst v63  }
0x6a: {  	s25 =	simm.s32 $0x17000;
	s5 =	sor.u32 s24, s29  }
0x6b: {  	[tilespmem:s25], [sflag:$0x2] =	stream.indirect_vreg.gather [hbm4b:s10+s6], $0x80, v4, vm0, $0xb8;
	[tilespmem:$0x18C80] =	vst v63  }
0x6c: {  	s3 =	simm.s32 $0x17800;
	s21 =	sshrl.u32 s5, $0x3  }
0x6d: {  	[tilespmem:s3], [sflag:$0x2] =	stream.indirect_vreg.gather [hbm4b:s11+s6], $0x80, v4, vm0, $0xb8;
	[tilespmem:$0x18C80] =	vst v63  }
0x6e: {  	p0 =	seq.s32 s20, $0x0;
	s2 =	sadd.s32 s28, s21;
	s3 =	simm.s32 $0x18300  }
0x6f: {  	[tilespmem:s3], [sflag:$0x4] =	stream.strided.gather [hbm4b:s2+s30], $0x300, s31, s30, $0x38;
	[tilespmem:$0x18C80] =	vst v63  }
0x70: {  	s2 =	simm.s32 @!p0 $0x5  }
0x71: {  	_ =	swait.ge @!p0 [sflag:s2], $0x4000  }
0x72: {  	[sflag:s2] =	ssyncset.done @!p0 $0x0  }
0x73: {  	[sflag:s2] =	ssyncadd.s32 @!p0 $0xFFFFC000;
	s2 =	simm.s32 @!p0 $0x7  }
0x74: {  	_ =	swait.ge @!p0 [sflag:s2], $0x300  }
0x75: {  	[sflag:s2] =	ssyncset.done @!p0 $0x0  }
0x76: {  	[sflag:s2] =	ssyncadd.s32 @!p0 $0xFFFFFD00  }
0x77: {  	v4 =	vld @!p0 [tilespmem:s22+$0x1F00]  }
0x78: {  	v5 =	vld @!p0 [tilespmem:s22+$0x1F10];
	_ =	sdelay $0x5  }
0x79: {  	v6 =	vimm.f32 @!p0 $0.0e+00;
	s2 =	simm.s32 @!p0 $0x4000  }
0x7a: {  	[tilespmem:v4+s2+$0x0] =	vst.idx.msk @!p0 $0xffff, v6  }
0x7b: {  	[tilespmem:v5+s2+$0x0] =	vst.idx.msk @!p0 $0xffff, v6  }
0x7c: {  	v4 =	vld [tilespmem:s22+$0x2000]  }
0x7d: {  	v5 =	vld [tilespmem:s22+$0x2010];
	_ =	sdelay $0x1  }
0x7e: {  	s9 =	sor.u32 $0x10, s22;
	v19 =	vld [tilespmem:s22+$0x0]  }
0x7f: {  	v35 =	vld [tilespmem:s9+$0x0];
	_ =	sdelay $0x1  }
0x80: {  	s25 =	sshll.u32 s0, $0x11;
	s9 =	sand.u32 $0x300, s22  }
0x81: {  	s0 =	sor.u32 s9, s25  }
0x82: {  	s15 =	rddreg [dreg:$0x3];
	s0 =	sshrl.u32 s0, $0x3;
	[tilespmem:v4+s8+$0x0] =	vst.idx.msk $0xffff, v19  }
0x83: {  	s3 =	sand.u32 $0x70, s19;
	s0 =	sadd.s32 s15, s0;
	s15 =	sand.u32 $0x1C00, s19;
	[tilespmem:v5+s8+$0x0] =	vst.idx.msk $0xffff, v35  }
0x84: {  	[hbm4b:s0+s30] =	stream.strided.scatter [tilespmem:s8], [sflag:$0x5], $0x4000, s31, s30, $0x38;
	[tilespmem:$0x18C80] =	vst v63  }
0x85: {  	s0 =	sor.u32 s3, s15  }
0x86: {  	v7 =	vld [tilespmem:s0+$0xC000]  }
0x87: {  	v8 =	vld [tilespmem:s0+$0xC080];
	_ =	sdelay $0x1  }
0x88: {  	v9 =	vld [tilespmem:s0+$0xC100]  }
0x89: {  	v6 =	vbroadcast v19, $0x1;
	v5 =	vbroadcast v19, $0x0  }
0x8a: {  	v4 =	vbroadcast v19, $0x2;
	v10 =	vld [tilespmem:s0+$0xC180]  }
0x8b: {  	v11 =	vmul.f32 v7, v5;
	v8 =	vmul.f32 v8, v6  }
0x8c: {  	v12 =	vld [tilespmem:s0+$0xC200]  }
0x8d: {  	v7 =	vbroadcast v19, $0x3;
	v9 =	vmul.f32 v9, v4;
	v11 =	vadd.f32 v8, v11  }
0x8e: {  	v13 =	vld [tilespmem:s0+$0xC280]  }
0x8f: {  	v8 =	vbroadcast v19, $0x4;
	v10 =	vmul.f32 v10, v7;
	v11 =	vadd.f32 v9, v11  }
0x90: {  	v14 =	vld [tilespmem:s0+$0xC300]  }
0x91: {  	v9 =	vbroadcast v19, $0x5;
	v12 =	vmul.f32 v12, v8;
	v11 =	vadd.f32 v10, v11  }
0x92: {  	v15 =	vld [tilespmem:s0+$0xC380]  }
0x93: {  	v10 =	vbroadcast v19, $0x6;
	v13 =	vmul.f32 v13, v9;
	v12 =	vadd.f32 v12, v11  }
0x94: {  	v16 =	vld [tilespmem:s0+$0xD800]  }
0x95: {  	v11 =	vbroadcast v19, $0x7;
	v14 =	vmul.f32 v14, v10;
	v13 =	vadd.f32 v13, v12  }
0x96: {  	v17 =	vld [tilespmem:s0+$0xD880]  }
0x97: {  	v12 =	vbroadcast v19, $0x8;
	v15 =	vmul.f32 v15, v11;
	v14 =	vadd.f32 v14, v13  }
0x98: {  	v18 =	vld [tilespmem:s0+$0xD900]  }
0x99: {  	v13 =	vbroadcast v19, $0x9;
	v16 =	vmul.f32 v16, v12;
	v15 =	vadd.f32 v15, v14  }
0x9a: {  	v20 =	vld [tilespmem:s0+$0xD980]  }
0x9b: {  	v14 =	vbroadcast v19, $0xA;
	v17 =	vmul.f32 v17, v13;
	v16 =	vadd.f32 v16, v15  }
0x9c: {  	v21 =	vld [tilespmem:s0+$0xDA00]  }
0x9d: {  	v15 =	vbroadcast v19, $0xB;
	v18 =	vmul.f32 v18, v14;
	v17 =	vadd.f32 v17, v16  }
0x9e: {  	v22 =	vld [tilespmem:s0+$0xDA80]  }
0x9f: {  	v16 =	vbroadcast v19, $0xC;
	v20 =	vmul.f32 v20, v15;
	v18 =	vadd.f32 v18, v17  }
0xa0: {  	v23 =	vld [tilespmem:s0+$0xDB00]  }
0xa1: {  	v17 =	vbroadcast v19, $0xD;
	v21 =	vmul.f32 v21, v16;
	v20 =	vadd.f32 v20, v18  }
0xa2: {  	v24 =	vld [tilespmem:s0+$0xDB80]  }
0xa3: {  	v18 =	vbroadcast v19, $0xE;
	v20 =	vadd.f32 v21, v20;
	v21 =	vmul.f32 v22, v17  }
0xa4: {  	v22 =	vld [tilespmem:s0+$0xF000]  }
0xa5: {  	v19 =	vbroadcast v19, $0xF;
	v23 =	vmul.f32 v23, v18;
	v21 =	vadd.f32 v21, v20  }
0xa6: {  	v25 =	vld [tilespmem:s0+$0xF080]  }
0xa7: {  	v24 =	vmul.f32 v24, v19;
	v20 =	vbroadcast v35, $0x0;
	v23 =	vadd.f32 v23, v21  }
0xa8: {  	v26 =	vld [tilespmem:s0+$0xF100]  }
0xa9: {  	v21 =	vbroadcast v35, $0x1;
	v23 =	vadd.f32 v24, v23;
	v24 =	vmul.f32 v22, v20  }
0xaa: {  	v27 =	vld [tilespmem:s0+$0xF180]  }
0xab: {  	v22 =	vbroadcast v35, $0x2;
	v25 =	vmul.f32 v25, v21;
	v24 =	vadd.f32 v24, v23  }
0xac: {  	v28 =	vld [tilespmem:s0+$0xF200]  }
0xad: {  	v23 =	vbroadcast v35, $0x3;
	v26 =	vmul.f32 v26, v22;
	v25 =	vadd.f32 v25, v24  }
0xae: {  	v29 =	vld [tilespmem:s0+$0xF280]  }
0xaf: {  	v24 =	vbroadcast v35, $0x4;
	v27 =	vmul.f32 v27, v23;
	v26 =	vadd.f32 v26, v25  }
0xb0: {  	v30 =	vld [tilespmem:s0+$0xF300]  }
0xb1: {  	v25 =	vbroadcast v35, $0x5;
	v28 =	vmul.f32 v28, v24;
	v27 =	vadd.f32 v27, v26  }
0xb2: {  	v31 =	vld [tilespmem:s0+$0xF380]  }
0xb3: {  	v26 =	vbroadcast v35, $0x6;
	v29 =	vmul.f32 v29, v25;
	v28 =	vadd.f32 v28, v27  }
0xb4: {  	v32 =	vld [tilespmem:s0+$0x10800]  }
0xb5: {  	v27 =	vbroadcast v35, $0x7;
	v30 =	vmul.f32 v30, v26;
	v29 =	vadd.f32 v29, v28  }
0xb6: {  	v33 =	vld [tilespmem:s0+$0x10880]  }
0xb7: {  	v28 =	vbroadcast v35, $0x8;
	v31 =	vmul.f32 v31, v27;
	v30 =	vadd.f32 v30, v29  }
0xb8: {  	v34 =	vld [tilespmem:s0+$0x10900]  }
0xb9: {  	v29 =	vbroadcast v35, $0x9;
	v32 =	vmul.f32 v32, v28;
	v31 =	vadd.f32 v31, v30  }
0xba: {  	v37 =	vld [tilespmem:s0+$0x10980]  }
0xbb: {  	v30 =	vbroadcast v35, $0xA;
	v33 =	vmul.f32 v33, v29;
	v32 =	vadd.f32 v32, v31  }
0xbc: {  	v38 =	vld [tilespmem:s0+$0x10A00]  }
0xbd: {  	v31 =	vbroadcast v35, $0xB;
	v34 =	vmul.f32 v34, v30;
	v33 =	vadd.f32 v33, v32  }
0xbe: {  	v39 =	vld [tilespmem:s0+$0x10A80]  }
0xbf: {  	v32 =	vbroadcast v35, $0xC;
	v37 =	vmul.f32 v37, v31;
	v34 =	vadd.f32 v34, v33  }
0xc0: {  	v40 =	vld [tilespmem:s0+$0x10B00]  }
0xc1: {  	v33 =	vbroadcast v35, $0xD;
	v38 =	vmul.f32 v38, v32;
	v37 =	vadd.f32 v37, v34  }
0xc2: {  	v41 =	vld [tilespmem:s0+$0x10B80]  }
0xc3: {  	v34 =	vbroadcast v35, $0xE;
	v58 =	vmul.f32 v39, v33;
	v37 =	vadd.f32 v38, v37;
	_ =	sdelay $0x1  }
0xc4: {  	v35 =	vbroadcast v35, $0xF;
	v59 =	vmul.f32 v40, v34;
	v37 =	vadd.f32 v58, v37;
	_ =	sdelay $0x1  }
0xc5: {  	v60 =	vmul.f32 v41, v35;
	v37 =	vadd.f32 v59, v37;
	_ =	sdelay $0x1  }
0xc6: {  	s2 =	simm.s32 $0x10;
	s3 =	simm.s32 $0x80;
	v37 =	vadd.f32 v60, v37  }
0xc7: {  	s15 =	simm.s32 $0x18600;
	s0 =	sand.u32 $0x70, s2;
	s2 =	sand.u32 $0x1C00, s3  }
0xc8: {  	s0 =	sor.u32 s0, s2;
	[tilespmem:s15+$0x0] =	vst v37  }
0xc9: {  	v61 =	vld [tilespmem:s0+$0xC000]  }
0xca: {  	v62 =	vld [tilespmem:s0+$0xC080];
	_ =	sdelay $0x1  }
0xcb: {  	v63 =	vld [tilespmem:s0+$0xC100];
	_ =	sdelay $0x1  }
0xcc: {  	v45 =	vld [tilespmem:s0+$0xC180]  }
0xcd: {  	v38 =	vmul.f32 v61, v5;
	v39 =	vmul.f32 v62, v6  }
0xce: {  	v42 =	vld [tilespmem:s0+$0xC200]  }
0xcf: {  	v46 =	vmul.f32 v63, v4;
	v38 =	vadd.f32 v39, v38  }
0xd0: {  	v47 =	vld [tilespmem:s0+$0xC280]  }
0xd1: {  	v48 =	vmul.f32 v45, v7;
	v38 =	vadd.f32 v46, v38  }
0xd2: {  	v49 =	vld [tilespmem:s0+$0xC300]  }
0xd3: {  	v50 =	vmul.f32 v42, v8;
	v38 =	vadd.f32 v48, v38  }
0xd4: {  	v51 =	vld [tilespmem:s0+$0xC380]  }
0xd5: {  	v52 =	vmul.f32 v47, v9;
	v38 =	vadd.f32 v50, v38  }
0xd6: {  	v53 =	vld [tilespmem:s0+$0xD800]  }
0xd7: {  	v54 =	vmul.f32 v49, v10;
	v38 =	vadd.f32 v52, v38  }
0xd8: {  	v55 =	vld [tilespmem:s0+$0xD880]  }
0xd9: {  	v56 =	vmul.f32 v51, v11;
	v38 =	vadd.f32 v54, v38  }
0xda: {  	v57 =	vld [tilespmem:s0+$0xD900]  }
0xdb: {  	v58 =	vmul.f32 v53, v12;
	v38 =	vadd.f32 v56, v38  }
0xdc: {  	v59 =	vld [tilespmem:s0+$0xD980]  }
0xdd: {  	v60 =	vmul.f32 v55, v13;
	v38 =	vadd.f32 v58, v38  }
0xde: {  	v61 =	vld [tilespmem:s0+$0xDA00]  }
0xdf: {  	v62 =	vmul.f32 v57, v14;
	v38 =	vadd.f32 v60, v38  }
0xe0: {  	v63 =	vld [tilespmem:s0+$0xDA80]  }
0xe1: {  	v44 =	vmul.f32 v59, v15;
	v38 =	vadd.f32 v62, v38  }
0xe2: {  	v45 =	vld [tilespmem:s0+$0xDB00]  }
0xe3: {  	v46 =	vmul.f32 v61, v16;
	v38 =	vadd.f32 v44, v38  }
0xe4: {  	v47 =	vld [tilespmem:s0+$0xDB80]  }
0xe5: {  	v48 =	vmul.f32 v63, v17;
	v38 =	vadd.f32 v46, v38  }
0xe6: {  	v49 =	vld [tilespmem:s0+$0xF000]  }
0xe7: {  	v50 =	vmul.f32 v45, v18;
	v38 =	vadd.f32 v48, v38  }
0xe8: {  	v51 =	vld [tilespmem:s0+$0xF080]  }
0xe9: {  	v52 =	vmul.f32 v47, v19;
	v38 =	vadd.f32 v50, v38  }
0xea: {  	v53 =	vld [tilespmem:s0+$0xF100]  }
0xeb: {  	v54 =	vmul.f32 v49, v20;
	v38 =	vadd.f32 v52, v38  }
0xec: {  	v55 =	vld [tilespmem:s0+$0xF180]  }
0xed: {  	v56 =	vmul.f32 v51, v21;
	v38 =	vadd.f32 v54, v38  }
0xee: {  	v57 =	vld [tilespmem:s0+$0xF200]  }
0xef: {  	v58 =	vmul.f32 v53, v22;
	v38 =	vadd.f32 v56, v38  }
0xf0: {  	v59 =	vld [tilespmem:s0+$0xF280]  }
0xf1: {  	v60 =	vmul.f32 v55, v23;
	v38 =	vadd.f32 v58, v38  }
0xf2: {  	v61 =	vld [tilespmem:s0+$0xF300]  }
0xf3: {  	v62 =	vmul.f32 v57, v24;
	v38 =	vadd.f32 v60, v38  }
0xf4: {  	v63 =	vld [tilespmem:s0+$0xF380]  }
0xf5: {  	v44 =	vmul.f32 v59, v25;
	v38 =	vadd.f32 v62, v38  }
0xf6: {  	v45 =	vld [tilespmem:s0+$0x10800]  }
0xf7: {  	v46 =	vmul.f32 v61, v26;
	v38 =	vadd.f32 v44, v38  }
0xf8: {  	v47 =	vld [tilespmem:s0+$0x10880]  }
0xf9: {  	v48 =	vmul.f32 v63, v27;
	v38 =	vadd.f32 v46, v38  }
0xfa: {  	v49 =	vld [tilespmem:s0+$0x10900]  }
0xfb: {  	v50 =	vmul.f32 v45, v28;
	v38 =	vadd.f32 v48, v38  }
0xfc: {  	v51 =	vld [tilespmem:s0+$0x10980]  }
0xfd: {  	v52 =	vmul.f32 v47, v29;
	v38 =	vadd.f32 v50, v38  }
0xfe: {  	v53 =	vld [tilespmem:s0+$0x10A00]  }
0xff: {  	v54 =	vmul.f32 v49, v30;
	v38 =	vadd.f32 v52, v38  }
0x100: {  	v55 =	vld [tilespmem:s0+$0x10A80]  }
0x101: {  	v56 =	vmul.f32 v51, v31;
	v38 =	vadd.f32 v54, v38  }
0x102: {  	s5 =	smov.u32 s28;
	s28 =	simm.s32 $0x18000;
	v57 =	vld [tilespmem:s0+$0x10B00]  }
0x103: {  	v43 =	vld [tilespmem:s28+$0x0];
	v58 =	vmul.f32 v53, v32;
	v38 =	vadd.f32 v56, v38  }
0x104: {  	v59 =	vld [tilespmem:s0+$0x10B80]  }
0x105: {  	v60 =	vmul.f32 v55, v33;
	v38 =	vadd.f32 v58, v38;
	_ =	sdelay $0x1  }
0x106: {  	v61 =	vmul.f32 v57, v34;
	v38 =	vadd.f32 v60, v38;
	_ =	sdelay $0x1  }
0x107: {  	v37 =	vsub.f32 v37, v43;
	v62 =	vmul.f32 v59, v35;
	v38 =	vadd.f32 v61, v38;
	_ =	sdelay $0x1  }
0x108: {  	s3 =	simm.s32 $0x20;
	s15 =	simm.s32 $0x100;
	v63 =	vmul.f32 v37, v37;
	v37 =	vadd.f32 v62, v38  }
0x109: {  	s2 =	sand.u32 $0x70, s3;
	s3 =	sand.u32 $0x1C00, s15;
	s0 =	simm.s32 $0x18610  }
0x10a: {  	s29 =	sor.u32 s9, s29;
	s9 =	sor.u32 s2, s3;
	s2 =	simm.s32 $0x30;
	v36 =	vadd.f32 v63, v36;
	[tilespmem:s0+$0x0] =	vst v37  }
.LBB2_5:
0x10b: {  	p0 =	sne.s32 s2, $0x2F0;
	v38 =	vld [tilespmem:s9+$0xC000]  }
0x10c: {  	s28 =	sadd.s32 $0x10, s28;
	v39 =	vld [tilespmem:s9+$0xC080]  }
0x10d: {  	v40 =	vld [tilespmem:s28+$0x0]  }
0x10e: {  	v41 =	vld [tilespmem:s9+$0xC100];
	_ =	sdelay $0x1  }
0x10f: {  	v42 =	vld [tilespmem:s9+$0xC180]  }
0x110: {  	v38 =	vmul.f32 v38, v5;
	v39 =	vmul.f32 v39, v6  }
0x111: {  	v43 =	vld [tilespmem:s9+$0xC200];
	v37 =	vsub.f32 v37, v40  }
0x112: {  	v38 =	vadd.f32 v39, v38;
	v39 =	vmul.f32 v41, v4  }
0x113: {  	v40 =	vld [tilespmem:s9+$0xC280];
	v37 =	vmul.f32 v37, v37  }
0x114: {  	v38 =	vadd.f32 v39, v38;
	v39 =	vmul.f32 v42, v7  }
0x115: {  	v41 =	vld [tilespmem:s9+$0xC300];
	v36 =	vadd.f32 v37, v36  }
0x116: {  	v37 =	vadd.f32 v39, v38;
	v38 =	vmul.f32 v43, v8  }
0x117: {  	v39 =	vld [tilespmem:s9+$0xC380]  }
0x118: {  	v37 =	vadd.f32 v38, v37;
	v38 =	vmul.f32 v40, v9  }
0x119: {  	v40 =	vld [tilespmem:s9+$0xD800]  }
0x11a: {  	v37 =	vadd.f32 v38, v37;
	v38 =	vmul.f32 v41, v10  }
0x11b: {  	v41 =	vld [tilespmem:s9+$0xD880]  }
0x11c: {  	v37 =	vadd.f32 v38, v37;
	v38 =	vmul.f32 v39, v11  }
0x11d: {  	v39 =	vld [tilespmem:s9+$0xD900]  }
0x11e: {  	v37 =	vadd.f32 v38, v37;
	v38 =	vmul.f32 v40, v12  }
0x11f: {  	v40 =	vld [tilespmem:s9+$0xD980]  }
0x120: {  	v37 =	vadd.f32 v38, v37;
	v38 =	vmul.f32 v41, v13  }
0x121: {  	v41 =	vld [tilespmem:s9+$0xDA00]  }
0x122: {  	v37 =	vadd.f32 v38, v37;
	v38 =	vmul.f32 v39, v14  }
0x123: {  	v39 =	vld [tilespmem:s9+$0xDA80]  }
0x124: {  	v37 =	vadd.f32 v38, v37;
	v38 =	vmul.f32 v40, v15  }
0x125: {  	v40 =	vld [tilespmem:s9+$0xDB00]  }
0x126: {  	v37 =	vadd.f32 v38, v37;
	v38 =	vmul.f32 v41, v16  }
0x127: {  	v41 =	vld [tilespmem:s9+$0xDB80]  }
0x128: {  	v37 =	vadd.f32 v38, v37;
	v38 =	vmul.f32 v39, v17  }
0x129: {  	v39 =	vld [tilespmem:s9+$0xF000]  }
0x12a: {  	v37 =	vadd.f32 v38, v37;
	v38 =	vmul.f32 v40, v18  }
0x12b: {  	v40 =	vld [tilespmem:s9+$0xF080]  }
0x12c: {  	v37 =	vadd.f32 v38, v37;
	v38 =	vmul.f32 v41, v19  }
0x12d: {  	v41 =	vld [tilespmem:s9+$0xF100]  }
0x12e: {  	v37 =	vadd.f32 v38, v37;
	v38 =	vmul.f32 v39, v20  }
0x12f: {  	v39 =	vld [tilespmem:s9+$0xF180]  }
0x130: {  	v37 =	vadd.f32 v38, v37;
	v38 =	vmul.f32 v40, v21  }
0x131: {  	v40 =	vld [tilespmem:s9+$0xF200]  }
0x132: {  	v37 =	vadd.f32 v38, v37;
	v38 =	vmul.f32 v41, v22  }
0x133: {  	v41 =	vld [tilespmem:s9+$0xF280]  }
0x134: {  	v37 =	vadd.f32 v38, v37;
	v38 =	vmul.f32 v39, v23  }
0x135: {  	v39 =	vld [tilespmem:s9+$0xF300]  }
0x136: {  	v37 =	vadd.f32 v38, v37;
	v38 =	vmul.f32 v40, v24  }
0x137: {  	v40 =	vld [tilespmem:s9+$0xF380]  }
0x138: {  	v37 =	vadd.f32 v38, v37;
	v38 =	vmul.f32 v41, v25  }
0x139: {  	v41 =	vld [tilespmem:s9+$0x10800]  }
0x13a: {  	v37 =	vadd.f32 v38, v37;
	v38 =	vmul.f32 v39, v26  }
0x13b: {  	v39 =	vld [tilespmem:s9+$0x10880]  }
0x13c: {  	v37 =	vadd.f32 v38, v37;
	v38 =	vmul.f32 v40, v27  }
0x13d: {  	v40 =	vld [tilespmem:s9+$0x10900]  }
0x13e: {  	v37 =	vadd.f32 v38, v37;
	v38 =	vmul.f32 v41, v28  }
0x13f: {  	v41 =	vld [tilespmem:s9+$0x10980]  }
0x140: {  	v37 =	vadd.f32 v38, v37;
	v38 =	vmul.f32 v39, v29  }
0x141: {  	v39 =	vld [tilespmem:s9+$0x10A00]  }
0x142: {  	v37 =	vadd.f32 v38, v37;
	v38 =	vmul.f32 v40, v30  }
0x143: {  	v40 =	vld [tilespmem:s9+$0x10A80]  }
0x144: {  	v37 =	vadd.f32 v38, v37;
	v38 =	vmul.f32 v41, v31  }
0x145: {  	v41 =	vld [tilespmem:s9+$0x10B00]  }
0x146: {  	v37 =	vadd.f32 v38, v37;
	v38 =	vmul.f32 v39, v32  }
0x147: {  	v39 =	vld [tilespmem:s9+$0x10B80]  }
0x148: {  	v37 =	vadd.f32 v38, v37;
	v38 =	vmul.f32 v40, v33;
	_ =	sdelay $0x1  }
0x149: {  	v37 =	vadd.f32 v38, v37;
	v38 =	vmul.f32 v41, v34;
	_ =	sdelay $0x1  }
.Ltmp1:
0x14a: {  	v37 =	vadd.f32 v38, v37;
	v38 =	vmul.f32 v39, v35;
	(pc) =	sbr.rel @p0 .LBB2_5-.Ltmp1, $4  }
0x14b: {  	_ = 	snop  }
0x14c: {  	s15 =	sadd.s32 $0x80, s15;
	v37 =	vadd.f32 v38, v37  }
0x14d: {  	s3 =	sand.u32 $0x70, s2;
	s0 =	sadd.s32 $0x10, s0;
	s9 =	sand.u32 $0x1C00, s15  }
0x14e: {  	s2 =	sadd.s32 $0x10, s2;
	s9 =	sor.u32 s3, s9;
	[tilespmem:s0+$0x0] =	vst v37  }
0x14f: {  	v38 =	vld [tilespmem:s9+$0xC000]  }
0x150: {  	v39 =	vld [tilespmem:s9+$0xC080];
	_ =	sdelay $0x1  }
0x151: {  	v40 =	vld [tilespmem:s9+$0xC100];
	_ =	sdelay $0x1  }
0x152: {  	v41 =	vld [tilespmem:s9+$0xC180]  }
0x153: {  	v5 =	vmul.f32 v38, v5;
	v6 =	vmul.f32 v39, v6  }
0x154: {  	v48 =	vld [tilespmem:s9+$0xC200]  }
0x155: {  	v4 =	vmul.f32 v40, v4;
	v5 =	vadd.f32 v6, v5  }
0x156: {  	v6 =	vld [tilespmem:s9+$0xC280]  }
0x157: {  	v4 =	vadd.f32 v4, v5;
	v5 =	vmul.f32 v41, v7  }
0x158: {  	v7 =	vld [tilespmem:s9+$0xC300]  }
0x159: {  	v4 =	vadd.f32 v5, v4;
	v5 =	vmul.f32 v48, v8  }
0x15a: {  	v8 =	vld [tilespmem:s9+$0xC380]  }
0x15b: {  	v4 =	vadd.f32 v5, v4;
	v5 =	vmul.f32 v6, v9  }
0x15c: {  	v6 =	vld [tilespmem:s9+$0xD800]  }
0x15d: {  	v4 =	vadd.f32 v5, v4;
	v5 =	vmul.f32 v7, v10  }
0x15e: {  	v7 =	vld [tilespmem:s9+$0xD880]  }
0x15f: {  	v4 =	vadd.f32 v5, v4;
	v5 =	vmul.f32 v8, v11  }
0x160: {  	v8 =	vld [tilespmem:s9+$0xD900]  }
0x161: {  	v4 =	vadd.f32 v5, v4;
	v5 =	vmul.f32 v6, v12  }
0x162: {  	v6 =	vld [tilespmem:s9+$0xD980]  }
0x163: {  	v4 =	vadd.f32 v5, v4;
	v5 =	vmul.f32 v7, v13  }
0x164: {  	v7 =	vld [tilespmem:s9+$0xDA00]  }
0x165: {  	v4 =	vadd.f32 v5, v4;
	v5 =	vmul.f32 v8, v14  }
0x166: {  	v8 =	vld [tilespmem:s9+$0xDA80]  }
0x167: {  	v4 =	vadd.f32 v5, v4;
	v5 =	vmul.f32 v6, v15  }
0x168: {  	v6 =	vld [tilespmem:s9+$0xDB00]  }
0x169: {  	v4 =	vadd.f32 v5, v4;
	v5 =	vmul.f32 v7, v16  }
0x16a: {  	v7 =	vld [tilespmem:s9+$0xDB80]  }
0x16b: {  	v4 =	vadd.f32 v5, v4;
	v5 =	vmul.f32 v8, v17  }
0x16c: {  	v8 =	vld [tilespmem:s9+$0xF000]  }
0x16d: {  	v4 =	vadd.f32 v5, v4;
	v5 =	vmul.f32 v6, v18  }
0x16e: {  	v6 =	vld [tilespmem:s9+$0xF080]  }
0x16f: {  	v4 =	vadd.f32 v5, v4;
	v5 =	vmul.f32 v7, v19  }
0x170: {  	v7 =	vld [tilespmem:s9+$0xF100]  }
0x171: {  	v4 =	vadd.f32 v5, v4;
	v5 =	vmul.f32 v8, v20  }
0x172: {  	v8 =	vld [tilespmem:s9+$0xF180]  }
0x173: {  	v4 =	vadd.f32 v5, v4;
	v5 =	vmul.f32 v6, v21  }
0x174: {  	v6 =	vld [tilespmem:s9+$0xF200]  }
0x175: {  	v4 =	vadd.f32 v5, v4;
	v5 =	vmul.f32 v7, v22  }
0x176: {  	v7 =	vld [tilespmem:s9+$0xF280]  }
0x177: {  	v4 =	vadd.f32 v5, v4;
	v5 =	vmul.f32 v8, v23  }
0x178: {  	v8 =	vld [tilespmem:s9+$0xF300]  }
0x179: {  	v4 =	vadd.f32 v5, v4;
	v5 =	vmul.f32 v6, v24  }
0x17a: {  	v6 =	vld [tilespmem:s9+$0xF380]  }
0x17b: {  	v4 =	vadd.f32 v5, v4;
	v5 =	vmul.f32 v7, v25  }
0x17c: {  	v7 =	vld [tilespmem:s9+$0x10800]  }
0x17d: {  	v4 =	vadd.f32 v5, v4;
	v5 =	vmul.f32 v8, v26  }
0x17e: {  	v8 =	vld [tilespmem:s9+$0x10880]  }
0x17f: {  	v4 =	vadd.f32 v5, v4;
	v5 =	vmul.f32 v6, v27  }
0x180: {  	v6 =	vld [tilespmem:s9+$0x10900]  }
0x181: {  	v4 =	vadd.f32 v5, v4;
	v5 =	vmul.f32 v7, v28  }
0x182: {  	v7 =	vld [tilespmem:s9+$0x10980]  }
0x183: {  	v4 =	vadd.f32 v5, v4;
	v5 =	vmul.f32 v8, v29  }
0x184: {  	v8 =	vld [tilespmem:s9+$0x10A00]  }
0x185: {  	v4 =	vadd.f32 v5, v4;
	v5 =	vmul.f32 v6, v30  }
0x186: {  	v6 =	vld [tilespmem:s9+$0x10A80]  }
0x187: {  	v4 =	vadd.f32 v5, v4;
	v5 =	vmul.f32 v7, v31  }
0x188: {  	v7 =	vld [tilespmem:s9+$0x10B00]  }
0x189: {  	v4 =	vadd.f32 v5, v4;
	v5 =	vmul.f32 v8, v32  }
0x18a: {  	v8 =	vld [tilespmem:s9+$0x10B80]  }
0x18b: {  	v4 =	vadd.f32 v5, v4;
	v5 =	vmul.f32 v6, v33;
	_ =	sdelay $0x1  }
0x18c: {  	v4 =	vadd.f32 v5, v4;
	v5 =	vmul.f32 v7, v34;
	_ =	sdelay $0x1  }
0x18d: {  	v4 =	vadd.f32 v5, v4;
	v5 =	vmul.f32 v8, v35;
	_ =	sdelay $0x1  }
0x18e: {  	v4 =	vadd.f32 v5, v4  }
0x18f: {  	s2 =	sadd.s32 $0x10, s28;
	s0 =	sadd.s32 $0x10, s0;
	s9 =	sshrl.u32 s29, $0x3  }
0x190: {  	s3 =	sadd.s32 $0x10, s2;
	s29 =	simm.s32 $0x18600;
	s15 =	sadd.s32 s17, s9;
	v5 =	vld [tilespmem:s2+$0x0];
	[tilespmem:s0+$0x0] =	vst v4  }
0x191: {  	v6 =	vld [tilespmem:s3+$0x0];
	[hbm4b:s15+s30] =	stream.strided.scatter [tilespmem:s29], [sflag:$0x7], $0x300, s31, s30, $0x38  }
0x192: {  	_ =	swait.ge [sflag:s12], $0x3000  }
0x193: {  	[sflag:s12] =	ssyncset.done $0x0  }
0x194: {  	[sflag:s12] =	ssyncadd.s32 $0xFFFFD000  }
0x195: {  	_ =	swait.ge [sflag:s12], $0x3000  }
0x196: {  	[sflag:s12] =	ssyncset.done $0x0  }
0x197: {  	[sflag:s12] =	ssyncadd.s32 $0xFFFFD000  }
0x198: {  	p0 =	seq.s32 s20, $0x1F;
	_ =	swait.ge [sflag:s13], $0x300  }
0x199: {  	s0 =	sadd.s32 @!p0 $0x2, s26;
	[sflag:s13] =	ssyncset.done $0x0  }
0x19a: {  	s2 =	sshll.u32 @!p0 s0, $0x7;
	[sflag:s13] =	ssyncadd.s32 $0xFFFFFD00  }
0x19b: {  	v7 =	vld @!p0 [tilespmem:s2+$0x2000];
	_ =	sdelay $0x4  }
0x19c: {  	v8 =	vshrl.u32 @!p0 v7, $0x3  }
0x19d: {  	v8 =	vmul.u32 @!p0 $0x30, v8  }
0x19e: {  	v9 =	vlaneseq.u32 @!p0;
	v7 =	vand.u32 @!p0 $0x7, v7  }
0x19f: {  	v10 =	vshrl.u32 @!p0 v9, $0x3;
	v7 =	vor.u32 @!p0 v7, v8;
	v8 =	vand.u32 @!p0 $0x7, v9  }
0x1a0: {  	v10 =	vmul.u32 @!p0 $0x8, v10;
	v11 =	vperm.xlane @!p0 v7, v8;
	_ =	sdelay $0x1  }
0x1a1: {  	v11 =	vadd.s32 @!p0 v10, v11  }
0x1a2: {  	v12 =	vld @!p0 [tilespmem:s2+$0x2010];
	_ =	sdelay $0x1  }
0x1a3: {  	v9 =	vor.u32 @!p0 $0x8, v9  }
0x1a4: {  	vm1 =	vmmov @!p0 $0xffff;
	s9 =	simm.s32 @!p0 $0xC000;
	s3 =	simm.s32 @!p0 $0x0;
	v7 =	vperm.xlane @!p0 v7, v9  }
0x1a5: {  	[tilespmem:s9], [sflag:$0x1] =	stream.indirect_vreg.gather @!p0 [hbm4b:s1+s3], $0x80, v11, vm1, $0xb8;
	[tilespmem:$0x18C80] =	vst v63  }
0x1a6: {  	v13 =	vshrl.u32 @!p0 v12, $0x3;
	v7 =	vadd.s32 @!p0 v10, v7;
	s9 =	simm.s32 @!p0 $0xC800  }
0x1a7: {  	v13 =	vmul.u32 @!p0 $0x30, v13;
	[tilespmem:s9], [sflag:$0x1] =	stream.indirect_vreg.gather @!p0 [hbm4b:s10+s3], $0x80, v11, vm1, $0xb8;
	[tilespmem:$0x18C80] =	vst v63  }
0x1a8: {  	v12 =	vand.u32 @!p0 $0x7, v12;
	s9 =	simm.s32 @!p0 $0xD000  }
0x1a9: {  	[tilespmem:s9], [sflag:$0x1] =	stream.indirect_vreg.gather @!p0 [hbm4b:s11+s3], $0x80, v11, vm1, $0xb8;
	v11 =	vor.u32 @!p0 v12, v13;
	[tilespmem:$0x18C80] =	vst v63  }
0x1aa: {  	s9 =	simm.s32 @!p0 $0xD800;
	v8 =	vperm.xlane @!p0 v11, v8  }
0x1ab: {  	[tilespmem:s9], [sflag:$0x1] =	stream.indirect_vreg.gather @!p0 [hbm4b:s1+s3], $0x80, v7, vm1, $0xb8;
	[tilespmem:$0x18C80] =	vst v63  }
0x1ac: {  	s9 =	simm.s32 @!p0 $0xE000;
	v8 =	vadd.s32 @!p0 v10, v8  }
0x1ad: {  	[tilespmem:s9], [sflag:$0x1] =	stream.indirect_vreg.gather @!p0 [hbm4b:s10+s3], $0x80, v7, vm1, $0xb8;
	[tilespmem:$0x18C80] =	vst v63  }
0x1ae: {  	s9 =	simm.s32 @!p0 $0xE800  }
0x1af: {  	[tilespmem:s9], [sflag:$0x1] =	stream.indirect_vreg.gather @!p0 [hbm4b:s11+s3], $0x80, v7, vm1, $0xb8;
	[tilespmem:$0x18C80] =	vst v63  }
0x1b0: {  	s9 =	simm.s32 @!p0 $0xF000;
	v7 =	vperm.xlane @!p0 v11, v9  }
0x1b1: {  	[tilespmem:s9], [sflag:$0x1] =	stream.indirect_vreg.gather @!p0 [hbm4b:s1+s3], $0x80, v8, vm1, $0xb8;
	[tilespmem:$0x18C80] =	vst v63  }
0x1b2: {  	s0 =	sadd.s32 @!p0 s7, s0;
	s9 =	simm.s32 @!p0 $0xF800;
	v7 =	vadd.s32 @!p0 v10, v7  }
0x1b3: {  	[tilespmem:s9], [sflag:$0x1] =	stream.indirect_vreg.gather @!p0 [hbm4b:s10+s3], $0x80, v8, vm1, $0xb8;
	[tilespmem:$0x18C80] =	vst v63  }
0x1b4: {  	s0 =	sshrl.u32 @!p0 s0, $0x3;
	s9 =	simm.s32 @!p0 $0x10000  }
0x1b5: {  	[tilespmem:s9], [sflag:$0x1] =	stream.indirect_vreg.gather @!p0 [hbm4b:s11+s3], $0x80, v8, vm1, $0xb8;
	[tilespmem:$0x18C80] =	vst v63  }
0x1b6: {  	s0 =	smul.u32 @!p0 $0x1800, s0;
	s2 =	sand.u32 @!p0 $0x300, s2;
	s9 =	simm.s32 @!p0 $0x10800  }
0x1b7: {  	[tilespmem:s9], [sflag:$0x1] =	stream.indirect_vreg.gather @!p0 [hbm4b:s1+s3], $0x80, v7, vm1, $0xb8;
	[tilespmem:$0x18C80] =	vst v63  }
0x1b8: {  	p1 =	seq.s32 @!p0 s20, $0x0;
	s0 =	sor.u32 @!p0 s2, s0;
	s9 =	simm.s32 @!p0 $0x11000  }
0x1b9: {  	[tilespmem:s9], [sflag:$0x1] =	stream.indirect_vreg.gather @!p0 [hbm4b:s10+s3], $0x80, v7, vm1, $0xb8;
	[tilespmem:$0x18C80] =	vst v63  }
0x1ba: {  	s2 =	simm.s32 @!p0 $0x80;
	s0 =	sshrl.u32 @!p0 s0, $0x3;
	s9 =	simm.s32 @!p0 $0x11800  }
0x1bb: {  	[tilespmem:s9], [sflag:$0x1] =	stream.indirect_vreg.gather @!p0 [hbm4b:s11+s3], $0x80, v7, vm1, $0xb8;
	[tilespmem:$0x18C80] =	vst v63  }
0x1bc: {  	s0 =	sadd.s32 @!p0 s5, s0;
	s3 =	simm.s32 @!p0 $0x400;
	s9 =	simm.s32 @!p0 $0x18000  }
0x1bd: {  	[tilespmem:s9], [sflag:$0x3] =	stream.strided.gather @!p0 [hbm4b:s0+s2], $0x300, s3, s2, $0x38;
	[tilespmem:$0x18C80] =	vst v63  }
0x1be: {  	p0 =	por p0, !p1  }
0x1bf: {  	s0 =	simm.s32 @p0 $0x6  }
0x1c0: {  	v5 =	vsub.f32 v37, v5;
	_ =	swait.ge @p0 [sflag:s0], $0x4000  }
0x1c1: {  	[sflag:s0] =	ssyncset.done @p0 $0x0  }
0x1c2: {  	v5 =	vmul.f32 v5, v5;
	v4 =	vsub.f32 v4, v6;
	[sflag:s0] =	ssyncadd.s32 @p0 $0xFFFFC000  }
0x1c3: {  	_ =	swait.ge @p0 [sflag:s18], $0x300  }
0x1c4: {  	v5 =	vadd.f32 v5, v36;
	v4 =	vmul.f32 v4, v4;
	[sflag:s18] =	ssyncset.done @p0 $0x0  }
0x1c5: {  	[sflag:s18] =	ssyncadd.s32 @p0 $0xFFFFFD00  }
0x1c6: {  	v36 =	vadd.f32 v4, v5;
	v4 =	vld @p0 [tilespmem:s22+$0x1F80]  }
0x1c7: {  	v5 =	vld @p0 [tilespmem:s22+$0x1F90];
	_ =	sdelay $0x6  }
0x1c8: {  	[tilespmem:v4+s14+$0x0] =	vst.idx.msk @p0 $0xffff, v0  }
0x1c9: {  	[tilespmem:v5+s14+$0x0] =	vst.idx.msk @p0 $0xffff, v0  }
0x1ca: {  	v4 =	vld [tilespmem:s23+$0x2000]  }
0x1cb: {  	v5 =	vld [tilespmem:s22+$0x2090];
	_ =	sdelay $0x1  }
0x1cc: {  	s2 =	sor.u32 $0x90, s22;
	v19 =	vld [tilespmem:s23+$0x0]  }
0x1cd: {  	v49 =	vld [tilespmem:s2+$0x0];
	_ =	sdelay $0x2  }
0x1ce: {  	s3 =	sor.u32 s24, s25  }
0x1cf: {  	s28 =	smov.u32 s5;
	s0 =	sshrl.u32 s3, $0x3;
	s5 =	rddreg [dreg:$0x3];
	[tilespmem:v4+s14+$0x0] =	vst.idx.msk $0xffff, v19  }
0x1d0: {  	s9 =	simm.s32 $0x0;
	s0 =	sadd.s32 s5, s0;
	[tilespmem:v5+s14+$0x0] =	vst.idx.msk $0xffff, v49  }
0x1d1: {  	[hbm4b:s0+s30] =	stream.strided.scatter [tilespmem:s14], [sflag:$0x6], $0x4000, s31, s30, $0x38;
	[tilespmem:$0x18C80] =	vst v63  }
0x1d2: {  	s15 =	sand.u32 $0x70, s9;
	s0 =	sand.u32 $0x1C00, s9  }
0x1d3: {  	s0 =	sor.u32 s15, s0  }
0x1d4: {  	v7 =	vld [tilespmem:s0+$0x12000]  }
0x1d5: {  	v8 =	vld [tilespmem:s0+$0x12080];
	_ =	sdelay $0x1  }
0x1d6: {  	v9 =	vld [tilespmem:s0+$0x12100]  }
0x1d7: {  	v6 =	vbroadcast v19, $0x1;
	v5 =	vbroadcast v19, $0x0  }
0x1d8: {  	v4 =	vbroadcast v19, $0x2;
	v10 =	vld [tilespmem:s0+$0x12180]  }
0x1d9: {  	v11 =	vmul.f32 v7, v5;
	v8 =	vmul.f32 v8, v6  }
0x1da: {  	v12 =	vld [tilespmem:s0+$0x12200]  }
0x1db: {  	v7 =	vbroadcast v19, $0x3;
	v9 =	vmul.f32 v9, v4;
	v11 =	vadd.f32 v8, v11  }
0x1dc: {  	v13 =	vld [tilespmem:s0+$0x12280]  }
0x1dd: {  	v8 =	vbroadcast v19, $0x4;
	v10 =	vmul.f32 v10, v7;
	v11 =	vadd.f32 v9, v11  }
0x1de: {  	v14 =	vld [tilespmem:s0+$0x12300]  }
0x1df: {  	v9 =	vbroadcast v19, $0x5;
	v12 =	vmul.f32 v12, v8;
	v11 =	vadd.f32 v10, v11  }
0x1e0: {  	v15 =	vld [tilespmem:s0+$0x12380]  }
0x1e1: {  	v10 =	vbroadcast v19, $0x6;
	v13 =	vmul.f32 v13, v9;
	v12 =	vadd.f32 v12, v11  }
0x1e2: {  	v16 =	vld [tilespmem:s0+$0x13800]  }
0x1e3: {  	v11 =	vbroadcast v19, $0x7;
	v14 =	vmul.f32 v14, v10;
	v13 =	vadd.f32 v13, v12  }
0x1e4: {  	v17 =	vld [tilespmem:s0+$0x13880]  }
0x1e5: {  	v12 =	vbroadcast v19, $0x8;
	v15 =	vmul.f32 v15, v11;
	v14 =	vadd.f32 v14, v13  }
0x1e6: {  	v18 =	vld [tilespmem:s0+$0x13900]  }
0x1e7: {  	v13 =	vbroadcast v19, $0x9;
	v16 =	vmul.f32 v16, v12;
	v15 =	vadd.f32 v15, v14  }
0x1e8: {  	v20 =	vld [tilespmem:s0+$0x13980]  }
0x1e9: {  	v14 =	vbroadcast v19, $0xA;
	v17 =	vmul.f32 v17, v13;
	v16 =	vadd.f32 v16, v15  }
0x1ea: {  	v21 =	vld [tilespmem:s0+$0x13A00]  }
0x1eb: {  	v15 =	vbroadcast v19, $0xB;
	v18 =	vmul.f32 v18, v14;
	v17 =	vadd.f32 v17, v16  }
0x1ec: {  	v22 =	vld [tilespmem:s0+$0x13A80]  }
0x1ed: {  	v16 =	vbroadcast v19, $0xC;
	v20 =	vmul.f32 v20, v15;
	v18 =	vadd.f32 v18, v17  }
0x1ee: {  	v23 =	vld [tilespmem:s0+$0x13B00]  }
0x1ef: {  	v17 =	vbroadcast v19, $0xD;
	v21 =	vmul.f32 v21, v16;
	v20 =	vadd.f32 v20, v18  }
0x1f0: {  	v24 =	vld [tilespmem:s0+$0x13B80]  }
0x1f1: {  	v18 =	vbroadcast v19, $0xE;
	v20 =	vadd.f32 v21, v20;
	v21 =	vmul.f32 v22, v17  }
0x1f2: {  	v22 =	vld [tilespmem:s0+$0x15000]  }
0x1f3: {  	v19 =	vbroadcast v19, $0xF;
	v23 =	vmul.f32 v23, v18;
	v21 =	vadd.f32 v21, v20  }
0x1f4: {  	v25 =	vld [tilespmem:s0+$0x15080]  }
0x1f5: {  	v24 =	vmul.f32 v24, v19;
	v20 =	vbroadcast v49, $0x0;
	v23 =	vadd.f32 v23, v21  }
0x1f6: {  	v26 =	vld [tilespmem:s0+$0x15100]  }
0x1f7: {  	v21 =	vbroadcast v49, $0x1;
	v23 =	vadd.f32 v24, v23;
	v24 =	vmul.f32 v22, v20  }
0x1f8: {  	v27 =	vld [tilespmem:s0+$0x15180]  }
0x1f9: {  	v22 =	vbroadcast v49, $0x2;
	v25 =	vmul.f32 v25, v21;
	v24 =	vadd.f32 v24, v23  }
0x1fa: {  	v28 =	vld [tilespmem:s0+$0x15200]  }
0x1fb: {  	v23 =	vbroadcast v49, $0x3;
	v26 =	vmul.f32 v26, v22;
	v25 =	vadd.f32 v25, v24  }
0x1fc: {  	v29 =	vld [tilespmem:s0+$0x15280]  }
0x1fd: {  	v24 =	vbroadcast v49, $0x4;
	v27 =	vmul.f32 v27, v23;
	v26 =	vadd.f32 v26, v25  }
0x1fe: {  	v30 =	vld [tilespmem:s0+$0x15300]  }
0x1ff: {  	v25 =	vbroadcast v49, $0x5;
	v28 =	vmul.f32 v28, v24;
	v27 =	vadd.f32 v27, v26  }
0x200: {  	v31 =	vld [tilespmem:s0+$0x15380]  }
0x201: {  	v26 =	vbroadcast v49, $0x6;
	v29 =	vmul.f32 v29, v25;
	v28 =	vadd.f32 v28, v27  }
0x202: {  	v50 =	vld [tilespmem:s0+$0x16800]  }
0x203: {  	v27 =	vbroadcast v49, $0x7;
	v30 =	vmul.f32 v30, v26;
	v29 =	vadd.f32 v29, v28  }
0x204: {  	v51 =	vld [tilespmem:s0+$0x16880]  }
0x205: {  	v28 =	vbroadcast v49, $0x8;
	v31 =	vmul.f32 v31, v27;
	v30 =	vadd.f32 v30, v29  }
0x206: {  	v52 =	vld [tilespmem:s0+$0x16900]  }
0x207: {  	v29 =	vbroadcast v49, $0x9;
	v32 =	vmul.f32 v50, v28;
	v31 =	vadd.f32 v31, v30  }
0x208: {  	v53 =	vld [tilespmem:s0+$0x16980]  }
0x209: {  	v30 =	vbroadcast v49, $0xA;
	v33 =	vmul.f32 v51, v29;
	v32 =	vadd.f32 v32, v31  }
0x20a: {  	v54 =	vld [tilespmem:s0+$0x16A00]  }
0x20b: {  	v31 =	vbroadcast v49, $0xB;
	v34 =	vmul.f32 v52, v30;
	v33 =	vadd.f32 v33, v32  }
0x20c: {  	v55 =	vld [tilespmem:s0+$0x16A80]  }
0x20d: {  	v32 =	vbroadcast v49, $0xC;
	v37 =	vmul.f32 v53, v31;
	v34 =	vadd.f32 v34, v33  }
0x20e: {  	v56 =	vld [tilespmem:s0+$0x16B00]  }
0x20f: {  	v33 =	vbroadcast v49, $0xD;
	v38 =	vmul.f32 v54, v32;
	v37 =	vadd.f32 v37, v34  }
0x210: {  	v57 =	vld [tilespmem:s0+$0x16B80]  }
0x211: {  	v34 =	vbroadcast v49, $0xE;
	v58 =	vmul.f32 v55, v33;
	v37 =	vadd.f32 v38, v37;
	_ =	sdelay $0x1  }
0x212: {  	v35 =	vbroadcast v49, $0xF;
	v59 =	vmul.f32 v56, v34;
	v37 =	vadd.f32 v58, v37;
	_ =	sdelay $0x1  }
0x213: {  	v60 =	vmul.f32 v57, v35;
	v37 =	vadd.f32 v59, v37;
	_ =	sdelay $0x1  }
0x214: {  	s22 =	simm.s32 $0x10;
	s23 =	simm.s32 $0x80;
	v37 =	vadd.f32 v60, v37  }
0x215: {  	s24 =	simm.s32 $0x18900;
	s2 =	sand.u32 $0x1C00, s23;
	s0 =	sand.u32 $0x70, s22  }
0x216: {  	s0 =	sor.u32 s0, s2;
	[tilespmem:s24+$0x0] =	vst v37  }
0x217: {  	v61 =	vld [tilespmem:s0+$0x12000]  }
0x218: {  	v62 =	vld [tilespmem:s0+$0x12080];
	_ =	sdelay $0x1  }
0x219: {  	v63 =	vld [tilespmem:s0+$0x12100];
	_ =	sdelay $0x1  }
0x21a: {  	v45 =	vld [tilespmem:s0+$0x12180]  }
0x21b: {  	v38 =	vmul.f32 v61, v5;
	v39 =	vmul.f32 v62, v6  }
0x21c: {  	v42 =	vld [tilespmem:s0+$0x12200]  }
0x21d: {  	v46 =	vmul.f32 v63, v4;
	v38 =	vadd.f32 v39, v38  }
0x21e: {  	v47 =	vld [tilespmem:s0+$0x12280]  }
0x21f: {  	v48 =	vmul.f32 v45, v7;
	v38 =	vadd.f32 v46, v38  }
0x220: {  	v49 =	vld [tilespmem:s0+$0x12300]  }
0x221: {  	v50 =	vmul.f32 v42, v8;
	v38 =	vadd.f32 v48, v38  }
0x222: {  	v51 =	vld [tilespmem:s0+$0x12380]  }
0x223: {  	v52 =	vmul.f32 v47, v9;
	v38 =	vadd.f32 v50, v38  }
0x224: {  	v53 =	vld [tilespmem:s0+$0x13800]  }
0x225: {  	v54 =	vmul.f32 v49, v10;
	v38 =	vadd.f32 v52, v38  }
0x226: {  	v55 =	vld [tilespmem:s0+$0x13880]  }
0x227: {  	v56 =	vmul.f32 v51, v11;
	v38 =	vadd.f32 v54, v38  }
0x228: {  	v57 =	vld [tilespmem:s0+$0x13900]  }
0x229: {  	v58 =	vmul.f32 v53, v12;
	v38 =	vadd.f32 v56, v38  }
0x22a: {  	v59 =	vld [tilespmem:s0+$0x13980]  }
0x22b: {  	v60 =	vmul.f32 v55, v13;
	v38 =	vadd.f32 v58, v38  }
0x22c: {  	v61 =	vld [tilespmem:s0+$0x13A00]  }
0x22d: {  	v62 =	vmul.f32 v57, v14;
	v38 =	vadd.f32 v60, v38  }
0x22e: {  	v63 =	vld [tilespmem:s0+$0x13A80]  }
0x22f: {  	v44 =	vmul.f32 v59, v15;
	v38 =	vadd.f32 v62, v38  }
0x230: {  	v45 =	vld [tilespmem:s0+$0x13B00]  }
0x231: {  	v46 =	vmul.f32 v61, v16;
	v38 =	vadd.f32 v44, v38  }
0x232: {  	v47 =	vld [tilespmem:s0+$0x13B80]  }
0x233: {  	v48 =	vmul.f32 v63, v17;
	v38 =	vadd.f32 v46, v38  }
0x234: {  	v49 =	vld [tilespmem:s0+$0x15000]  }
0x235: {  	v50 =	vmul.f32 v45, v18;
	v38 =	vadd.f32 v48, v38  }
0x236: {  	v51 =	vld [tilespmem:s0+$0x15080]  }
0x237: {  	v52 =	vmul.f32 v47, v19;
	v38 =	vadd.f32 v50, v38  }
0x238: {  	v53 =	vld [tilespmem:s0+$0x15100]  }
0x239: {  	v54 =	vmul.f32 v49, v20;
	v38 =	vadd.f32 v52, v38  }
0x23a: {  	v55 =	vld [tilespmem:s0+$0x15180]  }
0x23b: {  	v56 =	vmul.f32 v51, v21;
	v38 =	vadd.f32 v54, v38  }
0x23c: {  	v57 =	vld [tilespmem:s0+$0x15200]  }
0x23d: {  	v58 =	vmul.f32 v53, v22;
	v38 =	vadd.f32 v56, v38  }
0x23e: {  	v59 =	vld [tilespmem:s0+$0x15280]  }
0x23f: {  	v60 =	vmul.f32 v55, v23;
	v38 =	vadd.f32 v58, v38  }
0x240: {  	v61 =	vld [tilespmem:s0+$0x15300]  }
0x241: {  	v62 =	vmul.f32 v57, v24;
	v38 =	vadd.f32 v60, v38  }
0x242: {  	v63 =	vld [tilespmem:s0+$0x15380]  }
0x243: {  	v44 =	vmul.f32 v59, v25;
	v38 =	vadd.f32 v62, v38  }
0x244: {  	v45 =	vld [tilespmem:s0+$0x16800]  }
0x245: {  	v46 =	vmul.f32 v61, v26;
	v38 =	vadd.f32 v44, v38  }
0x246: {  	v47 =	vld [tilespmem:s0+$0x16880]  }
0x247: {  	v48 =	vmul.f32 v63, v27;
	v38 =	vadd.f32 v46, v38  }
0x248: {  	v49 =	vld [tilespmem:s0+$0x16900]  }
0x249: {  	v50 =	vmul.f32 v45, v28;
	v38 =	vadd.f32 v48, v38  }
0x24a: {  	v51 =	vld [tilespmem:s0+$0x16980]  }
0x24b: {  	v52 =	vmul.f32 v47, v29;
	v38 =	vadd.f32 v50, v38  }
0x24c: {  	v53 =	vld [tilespmem:s0+$0x16A00]  }
0x24d: {  	v54 =	vmul.f32 v49, v30;
	v38 =	vadd.f32 v52, v38  }
0x24e: {  	v55 =	vld [tilespmem:s0+$0x16A80]  }
0x24f: {  	v56 =	vmul.f32 v51, v31;
	v38 =	vadd.f32 v54, v38  }
0x250: {  	s22 =	simm.s32 $0x18300;
	v57 =	vld [tilespmem:s0+$0x16B00]  }
0x251: {  	v43 =	vld [tilespmem:s22+$0x0];
	v58 =	vmul.f32 v53, v32;
	v38 =	vadd.f32 v56, v38  }
0x252: {  	v59 =	vld [tilespmem:s0+$0x16B80]  }
0x253: {  	v60 =	vmul.f32 v55, v33;
	v38 =	vadd.f32 v58, v38;
	_ =	sdelay $0x1  }
0x254: {  	v61 =	vmul.f32 v57, v34;
	v38 =	vadd.f32 v60, v38;
	_ =	sdelay $0x1  }
0x255: {  	v37 =	vsub.f32 v37, v43;
	v62 =	vmul.f32 v59, v35;
	v38 =	vadd.f32 v61, v38;
	_ =	sdelay $0x1  }
0x256: {  	s25 =	simm.s32 $0x20;
	s15 =	simm.s32 $0x100;
	v63 =	vmul.f32 v37, v37;
	v37 =	vadd.f32 v62, v38  }
0x257: {  	s26 =	sand.u32 $0x70, s25;
	s29 =	sand.u32 $0x1C00, s15;
	s0 =	simm.s32 $0x18910  }
0x258: {  	s9 =	sor.u32 s26, s29;
	s2 =	simm.s32 $0x30;
	v36 =	vadd.f32 v63, v36;
	[tilespmem:s0+$0x0] =	vst v37  }
.LBB2_7:
0x259: {  	p0 =	sne.s32 s2, $0x2F0;
	v38 =	vld [tilespmem:s9+$0x12000]  }
0x25a: {  	s22 =	sadd.s32 $0x10, s22;
	v39 =	vld [tilespmem:s9+$0x12080]  }
0x25b: {  	v40 =	vld [tilespmem:s22+$0x0]  }
0x25c: {  	v41 =	vld [tilespmem:s9+$0x12100];
	_ =	sdelay $0x1  }
0x25d: {  	v42 =	vld [tilespmem:s9+$0x12180]  }
0x25e: {  	v38 =	vmul.f32 v38, v5;
	v39 =	vmul.f32 v39, v6  }
0x25f: {  	v43 =	vld [tilespmem:s9+$0x12200];
	v37 =	vsub.f32 v37, v40  }
0x260: {  	v38 =	vadd.f32 v39, v38;
	v39 =	vmul.f32 v41, v4  }
0x261: {  	v40 =	vld [tilespmem:s9+$0x12280];
	v37 =	vmul.f32 v37, v37  }
0x262: {  	v38 =	vadd.f32 v39, v38;
	v39 =	vmul.f32 v42, v7  }
0x263: {  	v41 =	vld [tilespmem:s9+$0x12300];
	v36 =	vadd.f32 v37, v36  }
0x264: {  	v37 =	vadd.f32 v39, v38;
	v38 =	vmul.f32 v43, v8  }
0x265: {  	v39 =	vld [tilespmem:s9+$0x12380]  }
0x266: {  	v37 =	vadd.f32 v38, v37;
	v38 =	vmul.f32 v40, v9  }
0x267: {  	v40 =	vld [tilespmem:s9+$0x13800]  }
0x268: {  	v37 =	vadd.f32 v38, v37;
	v38 =	vmul.f32 v41, v10  }
0x269: {  	v41 =	vld [tilespmem:s9+$0x13880]  }
0x26a: {  	v37 =	vadd.f32 v38, v37;
	v38 =	vmul.f32 v39, v11  }
0x26b: {  	v39 =	vld [tilespmem:s9+$0x13900]  }
0x26c: {  	v37 =	vadd.f32 v38, v37;
	v38 =	vmul.f32 v40, v12  }
0x26d: {  	v40 =	vld [tilespmem:s9+$0x13980]  }
0x26e: {  	v37 =	vadd.f32 v38, v37;
	v38 =	vmul.f32 v41, v13  }
0x26f: {  	v41 =	vld [tilespmem:s9+$0x13A00]  }
0x270: {  	v37 =	vadd.f32 v38, v37;
	v38 =	vmul.f32 v39, v14  }
0x271: {  	v39 =	vld [tilespmem:s9+$0x13A80]  }
0x272: {  	v37 =	vadd.f32 v38, v37;
	v38 =	vmul.f32 v40, v15  }
0x273: {  	v40 =	vld [tilespmem:s9+$0x13B00]  }
0x274: {  	v37 =	vadd.f32 v38, v37;
	v38 =	vmul.f32 v41, v16  }
0x275: {  	v41 =	vld [tilespmem:s9+$0x13B80]  }
0x276: {  	v37 =	vadd.f32 v38, v37;
	v38 =	vmul.f32 v39, v17  }
0x277: {  	v39 =	vld [tilespmem:s9+$0x15000]  }
0x278: {  	v37 =	vadd.f32 v38, v37;
	v38 =	vmul.f32 v40, v18  }
0x279: {  	v40 =	vld [tilespmem:s9+$0x15080]  }
0x27a: {  	v37 =	vadd.f32 v38, v37;
	v38 =	vmul.f32 v41, v19  }
0x27b: {  	v41 =	vld [tilespmem:s9+$0x15100]  }
0x27c: {  	v37 =	vadd.f32 v38, v37;
	v38 =	vmul.f32 v39, v20  }
0x27d: {  	v39 =	vld [tilespmem:s9+$0x15180]  }
0x27e: {  	v37 =	vadd.f32 v38, v37;
	v38 =	vmul.f32 v40, v21  }
0x27f: {  	v40 =	vld [tilespmem:s9+$0x15200]  }
0x280: {  	v37 =	vadd.f32 v38, v37;
	v38 =	vmul.f32 v41, v22  }
0x281: {  	v41 =	vld [tilespmem:s9+$0x15280]  }
0x282: {  	v37 =	vadd.f32 v38, v37;
	v38 =	vmul.f32 v39, v23  }
0x283: {  	v39 =	vld [tilespmem:s9+$0x15300]  }
0x284: {  	v37 =	vadd.f32 v38, v37;
	v38 =	vmul.f32 v40, v24  }
0x285: {  	v40 =	vld [tilespmem:s9+$0x15380]  }
0x286: {  	v37 =	vadd.f32 v38, v37;
	v38 =	vmul.f32 v41, v25  }
0x287: {  	v41 =	vld [tilespmem:s9+$0x16800]  }
0x288: {  	v37 =	vadd.f32 v38, v37;
	v38 =	vmul.f32 v39, v26  }
0x289: {  	v39 =	vld [tilespmem:s9+$0x16880]  }
0x28a: {  	v37 =	vadd.f32 v38, v37;
	v38 =	vmul.f32 v40, v27  }
0x28b: {  	v40 =	vld [tilespmem:s9+$0x16900]  }
0x28c: {  	v37 =	vadd.f32 v38, v37;
	v38 =	vmul.f32 v41, v28  }
0x28d: {  	v41 =	vld [tilespmem:s9+$0x16980]  }
0x28e: {  	v37 =	vadd.f32 v38, v37;
	v38 =	vmul.f32 v39, v29  }
0x28f: {  	v39 =	vld [tilespmem:s9+$0x16A00]  }
0x290: {  	v37 =	vadd.f32 v38, v37;
	v38 =	vmul.f32 v40, v30  }
0x291: {  	v40 =	vld [tilespmem:s9+$0x16A80]  }
0x292: {  	v37 =	vadd.f32 v38, v37;
	v38 =	vmul.f32 v41, v31  }
0x293: {  	v41 =	vld [tilespmem:s9+$0x16B00]  }
0x294: {  	v37 =	vadd.f32 v38, v37;
	v38 =	vmul.f32 v39, v32  }
0x295: {  	v39 =	vld [tilespmem:s9+$0x16B80]  }
0x296: {  	v37 =	vadd.f32 v38, v37;
	v38 =	vmul.f32 v40, v33;
	_ =	sdelay $0x1  }
0x297: {  	v37 =	vadd.f32 v38, v37;
	v38 =	vmul.f32 v41, v34;
	_ =	sdelay $0x1  }
.Ltmp2:
0x298: {  	v37 =	vadd.f32 v38, v37;
	v38 =	vmul.f32 v39, v35;
	(pc) =	sbr.rel @p0 .LBB2_7-.Ltmp2, $4  }
0x299: {  	_ = 	snop  }
0x29a: {  	s15 =	sadd.s32 $0x80, s15;
	v37 =	vadd.f32 v38, v37  }
0x29b: {  	s3 =	sand.u32 $0x70, s2;
	s0 =	sadd.s32 $0x10, s0;
	s9 =	sand.u32 $0x1C00, s15  }
0x29c: {  	s2 =	sadd.s32 $0x10, s2;
	s9 =	sor.u32 s3, s9;
	[tilespmem:s0+$0x0] =	vst v37  }
0x29d: {  	v38 =	vld [tilespmem:s9+$0x12000]  }
0x29e: {  	v39 =	vld [tilespmem:s9+$0x12080];
	_ =	sdelay $0x1  }
0x29f: {  	v40 =	vld [tilespmem:s9+$0x12100];
	_ =	sdelay $0x1  }
0x2a0: {  	v41 =	vld [tilespmem:s9+$0x12180]  }
0x2a1: {  	v5 =	vmul.f32 v38, v5;
	v6 =	vmul.f32 v39, v6  }
0x2a2: {  	v61 =	vld [tilespmem:s9+$0x12200]  }
0x2a3: {  	v4 =	vmul.f32 v40, v4;
	v5 =	vadd.f32 v6, v5  }
0x2a4: {  	v62 =	vld [tilespmem:s9+$0x12280]  }
0x2a5: {  	v4 =	vadd.f32 v4, v5;
	v5 =	vmul.f32 v41, v7  }
0x2a6: {  	v63 =	vld [tilespmem:s9+$0x12300]  }
0x2a7: {  	v4 =	vadd.f32 v5, v4;
	v5 =	vmul.f32 v61, v8  }
0x2a8: {  	v38 =	vld [tilespmem:s9+$0x12380]  }
0x2a9: {  	v4 =	vadd.f32 v5, v4;
	v5 =	vmul.f32 v62, v9  }
0x2aa: {  	v39 =	vld [tilespmem:s9+$0x13800]  }
0x2ab: {  	v4 =	vadd.f32 v5, v4;
	v5 =	vmul.f32 v63, v10  }
0x2ac: {  	v40 =	vld [tilespmem:s9+$0x13880]  }
0x2ad: {  	v4 =	vadd.f32 v5, v4;
	v5 =	vmul.f32 v38, v11  }
0x2ae: {  	v41 =	vld [tilespmem:s9+$0x13900]  }
0x2af: {  	v4 =	vadd.f32 v5, v4;
	v5 =	vmul.f32 v39, v12  }
0x2b0: {  	v42 =	vld [tilespmem:s9+$0x13980]  }
0x2b1: {  	v4 =	vadd.f32 v5, v4;
	v5 =	vmul.f32 v40, v13  }
0x2b2: {  	v43 =	vld [tilespmem:s9+$0x13A00]  }
0x2b3: {  	v4 =	vadd.f32 v5, v4;
	v5 =	vmul.f32 v41, v14  }
0x2b4: {  	v44 =	vld [tilespmem:s9+$0x13A80]  }
0x2b5: {  	v4 =	vadd.f32 v5, v4;
	v5 =	vmul.f32 v42, v15  }
0x2b6: {  	v45 =	vld [tilespmem:s9+$0x13B00]  }
0x2b7: {  	v4 =	vadd.f32 v5, v4;
	v5 =	vmul.f32 v43, v16  }
0x2b8: {  	v46 =	vld [tilespmem:s9+$0x13B80]  }
0x2b9: {  	v4 =	vadd.f32 v5, v4;
	v5 =	vmul.f32 v44, v17  }
0x2ba: {  	v47 =	vld [tilespmem:s9+$0x15000]  }
0x2bb: {  	v4 =	vadd.f32 v5, v4;
	v5 =	vmul.f32 v45, v18  }
0x2bc: {  	v48 =	vld [tilespmem:s9+$0x15080]  }
0x2bd: {  	v4 =	vadd.f32 v5, v4;
	v5 =	vmul.f32 v46, v19  }
0x2be: {  	v49 =	vld [tilespmem:s9+$0x15100]  }
0x2bf: {  	v4 =	vadd.f32 v5, v4;
	v5 =	vmul.f32 v47, v20  }
0x2c0: {  	v50 =	vld [tilespmem:s9+$0x15180]  }
0x2c1: {  	v4 =	vadd.f32 v5, v4;
	v5 =	vmul.f32 v48, v21  }
0x2c2: {  	v51 =	vld [tilespmem:s9+$0x15200]  }
0x2c3: {  	v4 =	vadd.f32 v5, v4;
	v5 =	vmul.f32 v49, v22  }
0x2c4: {  	v52 =	vld [tilespmem:s9+$0x15280]  }
0x2c5: {  	v4 =	vadd.f32 v5, v4;
	v5 =	vmul.f32 v50, v23  }
0x2c6: {  	v53 =	vld [tilespmem:s9+$0x15300]  }
0x2c7: {  	v4 =	vadd.f32 v5, v4;
	v5 =	vmul.f32 v51, v24  }
0x2c8: {  	v54 =	vld [tilespmem:s9+$0x15380]  }
0x2c9: {  	v4 =	vadd.f32 v5, v4;
	v5 =	vmul.f32 v52, v25  }
0x2ca: {  	v55 =	vld [tilespmem:s9+$0x16800]  }
0x2cb: {  	v4 =	vadd.f32 v5, v4;
	v5 =	vmul.f32 v53, v26  }
0x2cc: {  	v56 =	vld [tilespmem:s9+$0x16880]  }
0x2cd: {  	v4 =	vadd.f32 v5, v4;
	v5 =	vmul.f32 v54, v27  }
0x2ce: {  	v57 =	vld [tilespmem:s9+$0x16900]  }
0x2cf: {  	v4 =	vadd.f32 v5, v4;
	v5 =	vmul.f32 v55, v28  }
0x2d0: {  	v58 =	vld [tilespmem:s9+$0x16980]  }
0x2d1: {  	v4 =	vadd.f32 v5, v4;
	v5 =	vmul.f32 v56, v29  }
0x2d2: {  	v59 =	vld [tilespmem:s9+$0x16A00]  }
0x2d3: {  	v4 =	vadd.f32 v5, v4;
	v5 =	vmul.f32 v57, v30  }
0x2d4: {  	v60 =	vld [tilespmem:s9+$0x16A80]  }
0x2d5: {  	v4 =	vadd.f32 v5, v4;
	v5 =	vmul.f32 v58, v31  }
0x2d6: {  	v61 =	vld [tilespmem:s9+$0x16B00]  }
0x2d7: {  	v4 =	vadd.f32 v5, v4;
	v5 =	vmul.f32 v59, v32  }
0x2d8: {  	v62 =	vld [tilespmem:s9+$0x16B80]  }
0x2d9: {  	v4 =	vadd.f32 v5, v4;
	v5 =	vmul.f32 v60, v33;
	_ =	sdelay $0x1  }
0x2da: {  	v4 =	vadd.f32 v5, v4;
	v5 =	vmul.f32 v61, v34;
	_ =	sdelay $0x1  }
0x2db: {  	v4 =	vadd.f32 v5, v4;
	v5 =	vmul.f32 v62, v35;
	_ =	sdelay $0x1  }
0x2dc: {  	s2 =	sadd.s32 $0x10, s22;
	v4 =	vadd.f32 v5, v4  }
0x2dd: {  	s0 =	sadd.s32 $0x10, s0;
	v5 =	vld [tilespmem:s2+$0x0]  }
0x2de: {  	s25 =	sadd.s32 $0x10, s2;
	[tilespmem:s0+$0x0] =	vst v4  }
0x2df: {  	v63 =	vld [tilespmem:s25+$0x0];
	_ =	sdelay $0x2  }
0x2e0: {  	s20 =	sadd.s32 $0x1, s20;
	v5 =	vsub.f32 v37, v5  }
0x2e1: {  	p0 =	sne.s32 s20, $0x20  }
.Ltmp3:
0x2e2: {  	v5 =	vmul.f32 v5, v5;
	v4 =	vsub.f32 v4, v63;
	(pc) =	sbr.rel @p0 .LBB2_4-.Ltmp3, $4  }
0x2e3: {  	_ = 	snop  }
0x2e4: {  	v5 =	vadd.f32 v5, v36;
	v4 =	vmul.f32 v4, v4  }
0x2e5: {  	s26 =	sadd.s32 s17, s21;
	s29 =	simm.s32 $0x18900  }
0x2e6: {  	[hbm4b:s26+s30] =	stream.strided.scatter [tilespmem:s29], [sflag:$0x8], $0x300, s31, s30, $0x38;
	v36 =	vadd.f32 v4, v5;
	[tilespmem:$0x18C80] =	vst v63  }
0x2e7: {  	s0 =	simm.s32 $0x5  }
0x2e8: {  	_ =	swait.ge [sflag:s0], $0x4000  }
0x2e9: {  	[sflag:s0] =	ssyncset.done $0x0  }
0x2ea: {  	s24 =	simm.s32 $0x7;
	[sflag:s0] =	ssyncadd.s32 $0xFFFFC000  }
0x2eb: {  	_ =	swait.ge [sflag:s24], $0x300  }
0x2ec: {  	[sflag:s24] =	ssyncset.done $0x0  }
0x2ed: {  	s25 =	simm.s32 $0x6;
	[sflag:s24] =	ssyncadd.s32 $0xFFFFFD00  }
0x2ee: {  	_ =	swait.ge [sflag:s25], $0x4000  }
0x2ef: {  	[sflag:s25] =	ssyncset.done $0x0  }
0x2f0: {  	[sflag:s25] =	ssyncadd.s32 $0xFFFFC000  }
0x2f1: {  	_ =	swait.ge [sflag:s18], $0x300  }
0x2f2: {  	[sflag:s18] =	ssyncset.done $0x0  }
0x2f3: {  	[sflag:s18] =	ssyncadd.s32 $0xFFFFFD00  }
0x2f4: {  	s2 =	simm.s32 $0x18C00;
	s26 =	rddreg [dreg:$0x9];
	[tilespmem:$0x18C00] =	vst v36  }
0x2f5: {  	[hbm4b:s26+s6] =	stream.linear.scatter [tilespmem:s2], [sflag:$0x9], $0x80, $0x38;
	[tilespmem:$0x18C80] =	vst v63  }
0x2f6: {  	s2 =	simm.s32 $0x9  }
0x2f7: {  	_ =	swait.ge [sflag:s2], $0x80  }
0x2f8: {  	s3 =	rddreg [dreg:$0xb]  }
0x2f9: {  	s29 =	rddreg [dreg:$0xa];
	s3 =	sadd.s32 $0x1, s3  }
0x2fa: {  	p0 =	sne.s32 s3, s29  }
.Ltmp4:
0x2fb: {  	_ = 	snop;
	(pc) =	sbr.rel @p0 .LBB2_1-.Ltmp4, $3  }
0x2fc: {  	_ =	sdelay $0x1  }
0x2fd: {  	[sflag:s2] =	ssyncset.done $0x0  }
0x2fe: {  	[sflag:s2] =	ssyncadd.s32 $0xFFFFFF80  }
0x2ff: {  	_ =	sfence.sel $0x180000  }
0x300: {  	[bflag:$0x0] =	sbarrier.arrive $0xFFFF  }
0x301: {  	_ =	strace $0x9000004A  }
0x302: {  	s0 =	stileid.u32;
	[bflag:$0x2] =	sbarrier.arrive $0xFFFF  }
0x303: {  	p0 =	sne.s32 s0, $0x0;
	s0 =	rddreg [dreg:$0x5]  }
0x304: {  	s0 =	sadd.s32 @!p0 $0x100000, s0  }
0x305: {  	[sflag:s0] =	ssyncadd.tile.s32 @!p0 $0x1;
	_ =	shalt  }
.Lfunc_end2:
_tile_overlayer_lowered:
.L_overlay_start_2:
0x306: {  	(tag) =	ssettag $0x2  }
0x307: {  	s0 =	rddreg [dreg:$0x0];
	s2 =	stileid.u32  }
0x308: {  	s1 =	rddreg [dreg:$0x1];
	p0 =	sne.s32 s2, $0x0  }
0x309: {  	s3 =	rddreg [dreg:$0x2];
	[bflag:$0x3] =	sbarrier.arrive $0xFFFF;
	s2 =	simm.s32 @!p0 $0x1C09  }
0x30a: {  	[timem:s3], [sflag:s2] =	dma.local @!p0 [hbm:s0], s1  }
0x30b: {  	s0 =	simm.s32 @!p0 $0x9  }
0x30c: {  	_ =	swait.ge @!p0 [sflag:s0], s1  }
0x30d: {  	s1 =	ssub.s32 @!p0 $0x0, s1;
	[sflag:s0] =	ssyncset.done @!p0 $0x0  }
0x30e: {  	[sflag:s0] =	ssyncadd.s32 @!p0 s1  }
0x30f: {  	[bflag:$0x3] =	sbarrier.arrive $0xFFFF  }
0x310: {  	_ =	shalt  }

</sc_bundles>
